<compile_context>
chip_gen: v7x
topology: tpu7x:2x2x1
jax: 0.10.2.dev20260603
libtpu: 0.0.44.dev20260713+nightly
codegen_flags: <defaults>
</compile_context>

<pallas_src>
import functools

import jax
import jax.numpy as jnp
from jax import lax
from jax.experimental import pallas as pl
from jax.experimental.pallas import tpu as pltpu
from jax.experimental.pallas import tpu_sc as plsc

_BATCH = 16384
_DIM = 64

_info = plsc.get_sparse_core_info()
_NC, _NS, _L = _info.num_cores, _info.num_subcores, _info.num_lanes
_NW = _NC * _NS
_BPW = _BATCH // _NW
_CHUNK = 128
_NCH = _BPW // _CHUNK
_GPC = _CHUNK // _L


def _make_sc_kernel():
    mesh = plsc.VectorSubcoreMesh(core_axis_name="c", subcore_axis_name="s")

    @functools.partial(
        pl.kernel,
        mesh=mesh,
        out_type=jax.ShapeDtypeStruct((_BATCH,), jnp.float32),
        compiler_params=pltpu.CompilerParams(
            use_tc_tiling_on_sc=False, needs_layout_passes=False),
        scratch_types=[
            pltpu.VMEM((_BPW,), jnp.int32),
            pltpu.VMEM((_BPW,), jnp.int32),
            pltpu.VMEM((_BPW,), jnp.int32),
            pltpu.VMEM((2, _CHUNK, _DIM), jnp.float32),
            pltpu.VMEM((2, _CHUNK, _DIM), jnp.float32),
            pltpu.VMEM((2, _CHUNK, _DIM), jnp.float32),
            pltpu.VMEM((_BPW,), jnp.float32),
            pltpu.SemaphoreType.DMA,
            pltpu.SemaphoreType.DMA,
        ],
    )
    def k(user_hbm, item1_hbm, item2_hbm, utab_hbm, itab_hbm, out_hbm,
          uidx, aidx, bidx, urow, arow, brow, outv, sem0, sem1):
        wid = lax.axis_index("s") * _NC + lax.axis_index("c")
        base = wid * _BPW
        pltpu.sync_copy(user_hbm.at[pl.ds(base, _BPW)], uidx)
        pltpu.sync_copy(item1_hbm.at[pl.ds(base, _BPW)], aidx)
        pltpu.sync_copy(item2_hbm.at[pl.ds(base, _BPW)], bidx)

        sems = [sem0, sem1]

        def fire(c):
            s = pl.ds(c * _CHUNK, _CHUNK)
            b = c % 2
            return [
                pltpu.async_copy(utab_hbm.at[uidx.at[s]], urow.at[b], sems[b]),
                pltpu.async_copy(itab_hbm.at[aidx.at[s]], arow.at[b], sems[b]),
                pltpu.async_copy(itab_hbm.at[bidx.at[s]], brow.at[b], sems[b]),
            ]

        lanes = lax.iota(jnp.int32, _L)
        pending = {0: fire(0)}

        for c in range(_NCH):
            if c + 1 < _NCH:
                pending[c + 1] = fire(c + 1)
            for cp in pending.pop(c):
                cp.wait()
            b = c % 2
            ur, ar, br = urow.at[b], arow.at[b], brow.at[b]

            def group(g, carry, c=c, ur=ur, ar=ar, br=br):
                goff = c * _CHUNK + g * _L
                rows = lanes + g * _L

                def dblk(t, acc, ur=ur, ar=ar, br=br, rows=rows):
                    ps = []
                    for s in range(_L):
                        dvec = ((lanes + s) & (_L - 1)) + t * _L
                        u = plsc.load_gather(ur, [rows, dvec])
                        a = plsc.load_gather(ar, [rows, dvec])
                        bb = plsc.load_gather(br, [rows, dvec])
                        ps.append((u + a) * (u + bb))
                    s1 = (ps[0] + ps[1]) + (ps[2] + ps[3])
                    s2 = (ps[4] + ps[5]) + (ps[6] + ps[7])
                    s3 = (ps[8] + ps[9]) + (ps[10] + ps[11])
                    s4 = (ps[12] + ps[13]) + (ps[14] + ps[15])
                    return acc + ((s1 + s2) + (s3 + s4))

                dot = lax.fori_loop(
                    0, _DIM // _L, dblk, jnp.zeros((_L,), jnp.float32))
                outv[pl.ds(goff, _L)] = 1.0 / (1.0 + jnp.exp(-dot))
                return carry

            lax.fori_loop(0, _GPC, group, 0)

        pltpu.sync_copy(outv, out_hbm.at[pl.ds(base, _BPW)])

    return k


_sc_kernel = _make_sc_kernel()


def kernel(user, item1, item2, user_table, item_table):
    return _sc_kernel(user, item1, item2, user_table, item_table)

# --- scband reference (transcript-rebuilt; emitter-appended) ---
"""Pipeline reference for scband-hybrid-rec-model-59356448031221 (READ-ONLY COPY).

The authoritative reference and input builder live on the scoring server;
editing this copy changes nothing except your own understanding.
"""

import jax, jax.numpy as jnp
import numpy as np

NUM_USERS = 100000
NUM_ITEMS = 1000000
EMBED_DIM = 64
BATCH = 16384


def setup_inputs(seed: int = 0) -> dict:
    key = jax.random.key(seed)
    k_user, k_item1, k_item2, k_utab, k_itab = jax.random.split(key, 5)
    user = jax.random.randint(k_user, (BATCH,), 0, NUM_USERS, dtype=jnp.int64 if jax.config.jax_enable_x64 else jnp.int32)
    item1 = jax.random.randint(k_item1, (BATCH,), 0, NUM_ITEMS, dtype=jnp.int64 if jax.config.jax_enable_x64 else jnp.int32)
    item2 = jax.random.randint(k_item2, (BATCH,), 0, NUM_ITEMS, dtype=jnp.int64 if jax.config.jax_enable_x64 else jnp.int32)
    user_table = jax.random.normal(k_utab, (NUM_USERS, EMBED_DIM), dtype=jnp.float32) * 0.05
    item_table = jax.random.normal(k_itab, (NUM_ITEMS, EMBED_DIM), dtype=jnp.float32) * 0.05
    return {"user": user, "item1": item1, "item2": item2, "user_table": user_table, "item_table": item_table}


def reference(user, item1, item2, user_table, item_table):
    user_emb = jnp.take(user_table, user, axis=0)
    item1_emb = jnp.take(item_table, item1, axis=0)
    item2_emb = jnp.take(item_table, item2, axis=0)
    emb1 = item1_emb + user_emb
    emb2 = item2_emb + user_emb
    dot = jnp.sum(emb1 * emb2, axis=1)
    return jax.nn.sigmoid(dot)

if __name__ == "__main__":
    import jax
    _d = setup_inputs()
    print(jax.jit(kernel)(*tuple(_d.values())))

</pallas_src>

<mosaic_0001>
#map = affine_map<(d0, d1) -> (0)>
#map1 = affine_map<(d0, d1) -> (0, 0)>
module attributes {stable_mosaic.version = 14 : i64} {
  func.func @k(%arg0: i32, %arg1: i32, %arg2: memref<16384xi32, #tpu.memory_space<hbm>>, %arg3: memref<16384xi32, #tpu.memory_space<hbm>>, %arg4: memref<16384xi32, #tpu.memory_space<hbm>>, %arg5: memref<100000x64xf32, #tpu.memory_space<hbm>>, %arg6: memref<1000000x64xf32, #tpu.memory_space<hbm>>, %arg7: memref<16384xf32, #tpu.memory_space<hbm>>, %arg8: memref<512xi32, #tpu.memory_space<vmem>>, %arg9: memref<512xi32, #tpu.memory_space<vmem>>, %arg10: memref<512xi32, #tpu.memory_space<vmem>>, %arg11: memref<2x128x64xf32, #tpu.memory_space<vmem>>, %arg12: memref<2x128x64xf32, #tpu.memory_space<vmem>>, %arg13: memref<2x128x64xf32, #tpu.memory_space<vmem>>, %arg14: memref<512xf32, #tpu.memory_space<vmem>>, %arg15: memref<!tpu.dma_semaphore, #tpu.memory_space<semaphore_mem>>, %arg16: memref<!tpu.dma_semaphore, #tpu.memory_space<semaphore_mem>>) attributes {dimension_semantics = [#tpu.dimension_semantics<core_parallel>, #tpu.dimension_semantics<subcore_parallel>], iteration_bounds = array<i64: 2, 16>, scalar_prefetch = 0 : i64, scratch_operands = 9 : i64, tpu.core_type = #tpu.core_type<sc_vector_subcore>, window_params = [{transform_indices = #map}, {transform_indices = #map}, {transform_indices = #map}, {transform_indices = #map1}, {transform_indices = #map1}, {transform_indices = #map}]} {
    %mul3A = arith.constant 2 : i32
    %mul3A_0 = arith.muli %arg1, %mul3A : i32
    %add3A = arith.addi %mul3A_0, %arg0 : i32
    %mul3A_1 = arith.constant 512 : i32
    %mul3A_2 = arith.muli %add3A, %mul3A_1 : i32
    "tpu.region"() ({
      %run_scoped3A = tpu.sem_alloc : memref<!tpu.dma_semaphore, #tpu.memory_space<semaphore_mem>>
      %dma_start3A_276 = tpu.memref_slice %arg2[%mul3A_2] : memref<16384xi32, #tpu.memory_space<hbm>> -> memref<512xi32, #tpu.memory_space<hbm>>
      %dma_start3A_277 = tpu.memref_slice %arg2[%mul3A_2] : memref<16384xi32, #tpu.memory_space<hbm>> -> memref<512xi32, #tpu.memory_space<hbm>>
      tpu.enqueue_dma source(%dma_start3A_277 : memref<512xi32, #tpu.memory_space<hbm>>) target(%arg8 : memref<512xi32, #tpu.memory_space<vmem>>) target_semaphore(%run_scoped3A : memref<!tpu.dma_semaphore, #tpu.memory_space<semaphore_mem>>)
      %dma_wait3A_278 = tpu.memref_slice %arg2[%mul3A_2] : memref<16384xi32, #tpu.memory_space<hbm>> -> memref<512xi32, #tpu.memory_space<hbm>>
      %dma_wait3A_279 = tpu.memref_slice %arg2[%mul3A_2] : memref<16384xi32, #tpu.memory_space<hbm>> -> memref<512xi32, #tpu.memory_space<hbm>>
      tpu.wait_dma2 semaphore(%run_scoped3A : memref<!tpu.dma_semaphore, #tpu.memory_space<semaphore_mem>>) src(%dma_wait3A_279 : memref<512xi32, #tpu.memory_space<hbm>>) dst(%arg8 : memref<512xi32, #tpu.memory_space<vmem>>)
      tpu.yield
    }) : () -> ()
    "tpu.region"() ({
      %run_scoped3A = tpu.sem_alloc : memref<!tpu.dma_semaphore, #tpu.memory_space<semaphore_mem>>
      %dma_start3A_276 = tpu.memref_slice %arg3[%mul3A_2] : memref<16384xi32, #tpu.memory_space<hbm>> -> memref<512xi32, #tpu.memory_space<hbm>>
      %dma_start3A_277 = tpu.memref_slice %arg3[%mul3A_2] : memref<16384xi32, #tpu.memory_space<hbm>> -> memref<512xi32, #tpu.memory_space<hbm>>
      tpu.enqueue_dma source(%dma_start3A_277 : memref<512xi32, #tpu.memory_space<hbm>>) target(%arg9 : memref<512xi32, #tpu.memory_space<vmem>>) target_semaphore(%run_scoped3A : memref<!tpu.dma_semaphore, #tpu.memory_space<semaphore_mem>>)
      %dma_wait3A_278 = tpu.memref_slice %arg3[%mul3A_2] : memref<16384xi32, #tpu.memory_space<hbm>> -> memref<512xi32, #tpu.memory_space<hbm>>
      %dma_wait3A_279 = tpu.memref_slice %arg3[%mul3A_2] : memref<16384xi32, #tpu.memory_space<hbm>> -> memref<512xi32, #tpu.memory_space<hbm>>
      tpu.wait_dma2 semaphore(%run_scoped3A : memref<!tpu.dma_semaphore, #tpu.memory_space<semaphore_mem>>) src(%dma_wait3A_279 : memref<512xi32, #tpu.memory_space<hbm>>) dst(%arg9 : memref<512xi32, #tpu.memory_space<vmem>>)
      tpu.yield
    }) : () -> ()
    "tpu.region"() ({
      %run_scoped3A = tpu.sem_alloc : memref<!tpu.dma_semaphore, #tpu.memory_space<semaphore_mem>>
      %dma_start3A_276 = tpu.memref_slice %arg4[%mul3A_2] : memref<16384xi32, #tpu.memory_space<hbm>> -> memref<512xi32, #tpu.memory_space<hbm>>
      %dma_start3A_277 = tpu.memref_slice %arg4[%mul3A_2] : memref<16384xi32, #tpu.memory_space<hbm>> -> memref<512xi32, #tpu.memory_space<hbm>>
      tpu.enqueue_dma source(%dma_start3A_277 : memref<512xi32, #tpu.memory_space<hbm>>) target(%arg10 : memref<512xi32, #tpu.memory_space<vmem>>) target_semaphore(%run_scoped3A : memref<!tpu.dma_semaphore, #tpu.memory_space<semaphore_mem>>)
      %dma_wait3A_278 = tpu.memref_slice %arg4[%mul3A_2] : memref<16384xi32, #tpu.memory_space<hbm>> -> memref<512xi32, #tpu.memory_space<hbm>>
      %dma_wait3A_279 = tpu.memref_slice %arg4[%mul3A_2] : memref<16384xi32, #tpu.memory_space<hbm>> -> memref<512xi32, #tpu.memory_space<hbm>>
      tpu.wait_dma2 semaphore(%run_scoped3A : memref<!tpu.dma_semaphore, #tpu.memory_space<semaphore_mem>>) src(%dma_wait3A_279 : memref<512xi32, #tpu.memory_space<hbm>>) dst(%arg10 : memref<512xi32, #tpu.memory_space<vmem>>)
      tpu.yield
    }) : () -> ()
    %iota3A = tpu.iota {dimensions = array<i32: 0>} : vector<16xi32>
    %dma_start3A = arith.constant 0 : i32
    %dma_start3A_3 = arith.constant 0 : i32
    %dma_start3A_4 = arith.constant 0 : i32
    %dma_start3A_5 = tpu.memref_slice %arg11[%dma_start3A, %dma_start3A_3, %dma_start3A_4] : memref<2x128x64xf32, #tpu.memory_space<vmem>> -> memref<1x128x64xf32, #tpu.memory_space<vmem>>
    %dma_start3A_6 = tpu.memref_squeeze %dma_start3A_5 : memref<1x128x64xf32, #tpu.memory_space<vmem>> -> memref<128x64xf32, #tpu.memory_space<vmem>>
    %dma_start3A_7 = arith.constant 0 : i32
    %dma_start3A_8 = tpu.memref_slice %arg8[%dma_start3A_7] : memref<512xi32, #tpu.memory_space<vmem>> -> memref<128xi32, #tpu.memory_space<vmem>>
    %dma_start3A_9 = arith.constant 0 : i32
    %dma_start3A_10 = arith.constant 0 : i32
    %dma_start3A_11 = tpu.memref_slice %arg5[%dma_start3A_9, %dma_start3A_10] : memref<100000x64xf32, #tpu.memory_space<hbm>> -> memref<100000x64xf32, #tpu.memory_space<hbm>>
    tpu.enqueue_indirect_dma source(%dma_start3A_11 : memref<100000x64xf32, #tpu.memory_space<hbm>>) target(%dma_start3A_6 : memref<128x64xf32, #tpu.memory_space<vmem>>) offsets(%dma_start3A_8 : memref<128xi32, #tpu.memory_space<vmem>>) semaphore(%arg15 : memref<!tpu.dma_semaphore, #tpu.memory_space<semaphore_mem>>)
    %dma_start3A_12 = arith.constant 0 : i32
    %dma_start3A_13 = arith.constant 0 : i32
    %dma_start3A_14 = arith.constant 0 : i32
    %dma_start3A_15 = tpu.memref_slice %arg12[%dma_start3A_12, %dma_start3A_13, %dma_start3A_14] : memref<2x128x64xf32, #tpu.memory_space<vmem>> -> memref<1x128x64xf32, #tpu.memory_space<vmem>>
    %dma_start3A_16 = tpu.memref_squeeze %dma_start3A_15 : memref<1x128x64xf32, #tpu.memory_space<vmem>> -> memref<128x64xf32, #tpu.memory_space<vmem>>
    %dma_start3A_17 = arith.constant 0 : i32
    %dma_start3A_18 = tpu.memref_slice %arg9[%dma_start3A_17] : memref<512xi32, #tpu.memory_space<vmem>> -> memref<128xi32, #tpu.memory_space<vmem>>
    %dma_start3A_19 = arith.constant 0 : i32
    %dma_start3A_20 = arith.constant 0 : i32
    %dma_start3A_21 = tpu.memref_slice %arg6[%dma_start3A_19, %dma_start3A_20] : memref<1000000x64xf32, #tpu.memory_space<hbm>> -> memref<1000000x64xf32, #tpu.memory_space<hbm>>
    tpu.enqueue_indirect_dma source(%dma_start3A_21 : memref<1000000x64xf32, #tpu.memory_space<hbm>>) target(%dma_start3A_16 : memref<128x64xf32, #tpu.memory_space<vmem>>) offsets(%dma_start3A_18 : memref<128xi32, #tpu.memory_space<vmem>>) semaphore(%arg15 : memref<!tpu.dma_semaphore, #tpu.memory_space<semaphore_mem>>)
    %dma_start3A_22 = arith.constant 0 : i32
    %dma_start3A_23 = arith.constant 0 : i32
    %dma_start3A_24 = arith.constant 0 : i32
    %dma_start3A_25 = tpu.memref_slice %arg13[%dma_start3A_22, %dma_start3A_23, %dma_start3A_24] : memref<2x128x64xf32, #tpu.memory_space<vmem>> -> memref<1x128x64xf32, #tpu.memory_space<vmem>>
    %dma_start3A_26 = tpu.memref_squeeze %dma_start3A_25 : memref<1x128x64xf32, #tpu.memory_space<vmem>> -> memref<128x64xf32, #tpu.memory_space<vmem>>
    %dma_start3A_27 = arith.constant 0 : i32
    %dma_start3A_28 = tpu.memref_slice %arg10[%dma_start3A_27] : memref<512xi32, #tpu.memory_space<vmem>> -> memref<128xi32, #tpu.memory_space<vmem>>
    %dma_start3A_29 = arith.constant 0 : i32
    %dma_start3A_30 = arith.constant 0 : i32
    %dma_start3A_31 = tpu.memref_slice %arg6[%dma_start3A_29, %dma_start3A_30] : memref<1000000x64xf32, #tpu.memory_space<hbm>> -> memref<1000000x64xf32, #tpu.memory_space<hbm>>
    tpu.enqueue_indirect_dma source(%dma_start3A_31 : memref<1000000x64xf32, #tpu.memory_space<hbm>>) target(%dma_start3A_26 : memref<128x64xf32, #tpu.memory_space<vmem>>) offsets(%dma_start3A_28 : memref<128xi32, #tpu.memory_space<vmem>>) semaphore(%arg15 : memref<!tpu.dma_semaphore, #tpu.memory_space<semaphore_mem>>)
    %dma_start3A_32 = arith.constant 1 : i32
    %dma_start3A_33 = arith.constant 0 : i32
    %dma_start3A_34 = arith.constant 0 : i32
    %dma_start3A_35 = tpu.memref_slice %arg11[%dma_start3A_32, %dma_start3A_33, %dma_start3A_34] : memref<2x128x64xf32, #tpu.memory_space<vmem>> -> memref<1x128x64xf32, #tpu.memory_space<vmem>>
    %dma_start3A_36 = tpu.memref_squeeze %dma_start3A_35 : memref<1x128x64xf32, #tpu.memory_space<vmem>> -> memref<128x64xf32, #tpu.memory_space<vmem>>
    %dma_start3A_37 = arith.constant 128 : i32
    %dma_start3A_38 = tpu.memref_slice %arg8[%dma_start3A_37] : memref<512xi32, #tpu.memory_space<vmem>> -> memref<128xi32, #tpu.memory_space<vmem>>
    %dma_start3A_39 = arith.constant 0 : i32
    %dma_start3A_40 = arith.constant 0 : i32
    %dma_start3A_41 = tpu.memref_slice %arg5[%dma_start3A_39, %dma_start3A_40] : memref<100000x64xf32, #tpu.memory_space<hbm>> -> memref<100000x64xf32, #tpu.memory_space<hbm>>
    tpu.enqueue_indirect_dma source(%dma_start3A_41 : memref<100000x64xf32, #tpu.memory_space<hbm>>) target(%dma_start3A_36 : memref<128x64xf32, #tpu.memory_space<vmem>>) offsets(%dma_start3A_38 : memref<128xi32, #tpu.memory_space<vmem>>) semaphore(%arg16 : memref<!tpu.dma_semaphore, #tpu.memory_space<semaphore_mem>>)
    %dma_start3A_42 = arith.constant 1 : i32
    %dma_start3A_43 = arith.constant 0 : i32
    %dma_start3A_44 = arith.constant 0 : i32
    %dma_start3A_45 = tpu.memref_slice %arg12[%dma_start3A_42, %dma_start3A_43, %dma_start3A_44] : memref<2x128x64xf32, #tpu.memory_space<vmem>> -> memref<1x128x64xf32, #tpu.memory_space<vmem>>
    %dma_start3A_46 = tpu.memref_squeeze %dma_start3A_45 : memref<1x128x64xf32, #tpu.memory_space<vmem>> -> memref<128x64xf32, #tpu.memory_space<vmem>>
    %dma_start3A_47 = arith.constant 128 : i32
    %dma_start3A_48 = tpu.memref_slice %arg9[%dma_start3A_47] : memref<512xi32, #tpu.memory_space<vmem>> -> memref<128xi32, #tpu.memory_space<vmem>>
    %dma_start3A_49 = arith.constant 0 : i32
    %dma_start3A_50 = arith.constant 0 : i32
    %dma_start3A_51 = tpu.memref_slice %arg6[%dma_start3A_49, %dma_start3A_50] : memref<1000000x64xf32, #tpu.memory_space<hbm>> -> memref<1000000x64xf32, #tpu.memory_space<hbm>>
    tpu.enqueue_indirect_dma source(%dma_start3A_51 : memref<1000000x64xf32, #tpu.memory_space<hbm>>) target(%dma_start3A_46 : memref<128x64xf32, #tpu.memory_space<vmem>>) offsets(%dma_start3A_48 : memref<128xi32, #tpu.memory_space<vmem>>) semaphore(%arg16 : memref<!tpu.dma_semaphore, #tpu.memory_space<semaphore_mem>>)
    %dma_start3A_52 = arith.constant 1 : i32
    %dma_start3A_53 = arith.constant 0 : i32
    %dma_start3A_54 = arith.constant 0 : i32
    %dma_start3A_55 = tpu.memref_slice %arg13[%dma_start3A_52, %dma_start3A_53, %dma_start3A_54] : memref<2x128x64xf32, #tpu.memory_space<vmem>> -> memref<1x128x64xf32, #tpu.memory_space<vmem>>
    %dma_start3A_56 = tpu.memref_squeeze %dma_start3A_55 : memref<1x128x64xf32, #tpu.memory_space<vmem>> -> memref<128x64xf32, #tpu.memory_space<vmem>>
    %dma_start3A_57 = arith.constant 128 : i32
    %dma_start3A_58 = tpu.memref_slice %arg10[%dma_start3A_57] : memref<512xi32, #tpu.memory_space<vmem>> -> memref<128xi32, #tpu.memory_space<vmem>>
    %dma_start3A_59 = arith.constant 0 : i32
    %dma_start3A_60 = arith.constant 0 : i32
    %dma_start3A_61 = tpu.memref_slice %arg6[%dma_start3A_59, %dma_start3A_60] : memref<1000000x64xf32, #tpu.memory_space<hbm>> -> memref<1000000x64xf32, #tpu.memory_space<hbm>>
    tpu.enqueue_indirect_dma source(%dma_start3A_61 : memref<1000000x64xf32, #tpu.memory_space<hbm>>) target(%dma_start3A_56 : memref<128x64xf32, #tpu.memory_space<vmem>>) offsets(%dma_start3A_58 : memref<128xi32, #tpu.memory_space<vmem>>) semaphore(%arg16 : memref<!tpu.dma_semaphore, #tpu.memory_space<semaphore_mem>>)
    %dma_wait3A = arith.constant 0 : i32
    %dma_wait3A_62 = arith.constant 0 : i32
    %dma_wait3A_63 = arith.constant 0 : i32
    %dma_wait3A_64 = tpu.memref_slice %arg11[%dma_wait3A, %dma_wait3A_62, %dma_wait3A_63] : memref<2x128x64xf32, #tpu.memory_space<vmem>> -> memref<1x128x64xf32, #tpu.memory_space<vmem>>
    %dma_wait3A_65 = tpu.memref_squeeze %dma_wait3A_64 : memref<1x128x64xf32, #tpu.memory_space<vmem>> -> memref<128x64xf32, #tpu.memory_space<vmem>>
    %dma_wait3A_66 = arith.constant 0 : i32
    %dma_wait3A_67 = tpu.memref_slice %arg8[%dma_wait3A_66] : memref<512xi32, #tpu.memory_space<vmem>> -> memref<128xi32, #tpu.memory_space<vmem>>
    %dma_wait3A_68 = arith.constant 0 : i32
    %dma_wait3A_69 = arith.constant 0 : i32
    %dma_wait3A_70 = tpu.memref_slice %arg5[%dma_wait3A_68, %dma_wait3A_69] : memref<100000x64xf32, #tpu.memory_space<hbm>> -> memref<100000x64xf32, #tpu.memory_space<hbm>>
    tpu.wait_indirect_dma semaphore(%arg15 : memref<!tpu.dma_semaphore, #tpu.memory_space<semaphore_mem>>) src(%dma_wait3A_70 : memref<100000x64xf32, #tpu.memory_space<hbm>>) dst(%dma_wait3A_65 : memref<128x64xf32, #tpu.memory_space<vmem>>)
    %dma_wait3A_71 = arith.constant 0 : i32
    %dma_wait3A_72 = arith.constant 0 : i32
    %dma_wait3A_73 = arith.constant 0 : i32
    %dma_wait3A_74 = tpu.memref_slice %arg12[%dma_wait3A_71, %dma_wait3A_72, %dma_wait3A_73] : memref<2x128x64xf32, #tpu.memory_space<vmem>> -> memref<1x128x64xf32, #tpu.memory_space<vmem>>
    %dma_wait3A_75 = tpu.memref_squeeze %dma_wait3A_74 : memref<1x128x64xf32, #tpu.memory_space<vmem>> -> memref<128x64xf32, #tpu.memory_space<vmem>>
    %dma_wait3A_76 = arith.constant 0 : i32
    %dma_wait3A_77 = tpu.memref_slice %arg9[%dma_wait3A_76] : memref<512xi32, #tpu.memory_space<vmem>> -> memref<128xi32, #tpu.memory_space<vmem>>
    %dma_wait3A_78 = arith.constant 0 : i32
    %dma_wait3A_79 = arith.constant 0 : i32
    %dma_wait3A_80 = tpu.memref_slice %arg6[%dma_wait3A_78, %dma_wait3A_79] : memref<1000000x64xf32, #tpu.memory_space<hbm>> -> memref<1000000x64xf32, #tpu.memory_space<hbm>>
    tpu.wait_indirect_dma semaphore(%arg15 : memref<!tpu.dma_semaphore, #tpu.memory_space<semaphore_mem>>) src(%dma_wait3A_80 : memref<1000000x64xf32, #tpu.memory_space<hbm>>) dst(%dma_wait3A_75 : memref<128x64xf32, #tpu.memory_space<vmem>>)
    %dma_wait3A_81 = arith.constant 0 : i32
    %dma_wait3A_82 = arith.constant 0 : i32
    %dma_wait3A_83 = arith.constant 0 : i32
    %dma_wait3A_84 = tpu.memref_slice %arg13[%dma_wait3A_81, %dma_wait3A_82, %dma_wait3A_83] : memref<2x128x64xf32, #tpu.memory_space<vmem>> -> memref<1x128x64xf32, #tpu.memory_space<vmem>>
    %dma_wait3A_85 = tpu.memref_squeeze %dma_wait3A_84 : memref<1x128x64xf32, #tpu.memory_space<vmem>> -> memref<128x64xf32, #tpu.memory_space<vmem>>
    %dma_wait3A_86 = arith.constant 0 : i32
    %dma_wait3A_87 = tpu.memref_slice %arg10[%dma_wait3A_86] : memref<512xi32, #tpu.memory_space<vmem>> -> memref<128xi32, #tpu.memory_space<vmem>>
    %dma_wait3A_88 = arith.constant 0 : i32
    %dma_wait3A_89 = arith.constant 0 : i32
    %dma_wait3A_90 = tpu.memref_slice %arg6[%dma_wait3A_88, %dma_wait3A_89] : memref<1000000x64xf32, #tpu.memory_space<hbm>> -> memref<1000000x64xf32, #tpu.memory_space<hbm>>
    tpu.wait_indirect_dma semaphore(%arg15 : memref<!tpu.dma_semaphore, #tpu.memory_space<semaphore_mem>>) src(%dma_wait3A_90 : memref<1000000x64xf32, #tpu.memory_space<hbm>>) dst(%dma_wait3A_85 : memref<128x64xf32, #tpu.memory_space<vmem>>)
    %scan3A = arith.constant 0 : i32
    %scan3A_91 = arith.constant 0 : i32
    %scan3A_92 = arith.constant 0 : i32
    %scan3A_93 = arith.constant 0 : i32
    %scan3A_94 = arith.constant 0 : i32
    %scan3A_95 = arith.constant 8 : i32
    %scan3A_96 = arith.addi %scan3A_94, %scan3A_95 : i32
    %scan3A_97 = arith.constant 1 : i32
    scf.for %scan3A_276 = %scan3A_94 to %scan3A_96 step %scan3A_97  : i32 {
      %mul3A_277 = arith.constant 16 : i32
      %mul3A_278 = arith.muli %scan3A_276, %mul3A_277 : i32
      %add3A_279 = arith.constant 0 : i32
      %add3A_280 = arith.addi %add3A_279, %mul3A_278 : i32
      %mul3A_281 = arith.constant 16 : i32
      %mul3A_282 = arith.muli %scan3A_276, %mul3A_281 : i32
      %add3A_283 = vector.broadcast %mul3A_282 : i32 to vector<16xi32>
      %add3A_284 = arith.addi %iota3A, %add3A_283 : vector<16xi32>
      %broadcast_in_dim3A = arith.constant 0.000000e+00 : f32
      %broadcast_in_dim3A_285 = vector.broadcast %broadcast_in_dim3A : f32 to vector<16xf32>
      %scan3A_286 = arith.constant 0 : i32
      %scan3A_287 = arith.constant 4 : i32
      %scan3A_288 = arith.addi %scan3A_286, %scan3A_287 : i32
      %scan3A_289 = arith.constant 1 : i32
      %scan3A_290 = scf.for %scan3A_300 = %scan3A_286 to %scan3A_288 step %scan3A_289 iter_args(%scan3A_301 = %broadcast_in_dim3A_285) -> (vector<16xf32>)  : i32 {
        %add3A_302 = arith.constant 0 : i32
        %add3A_303 = vector.broadcast %add3A_302 : i32 to vector<16xi32>
        %add3A_304 = arith.addi %iota3A, %add3A_303 : vector<16xi32>
        %and3A = arith.constant 15 : i32
        %and3A_305 = vector.broadcast %and3A : i32 to vector<16xi32>
        %and3A_306 = arith.andi %add3A_304, %and3A_305 : vector<16xi32>
        %mul3A_307 = arith.constant 16 : i32
        %mul3A_308 = arith.muli %scan3A_300, %mul3A_307 : i32
        %add3A_309 = vector.broadcast %mul3A_308 : i32 to vector<16xi32>
        %add3A_310 = arith.addi %and3A_306, %add3A_309 : vector<16xi32>
        %gather3A = arith.constant 0 : i32
        %gather3A_311 = arith.constant 0 : i32
        %gather3A_312 = tpu.memref_slice %arg11[%scan3A_91, %gather3A, %gather3A_311] : memref<2x128x64xf32, #tpu.memory_space<vmem>> -> memref<1x128x64xf32, #tpu.memory_space<vmem>>
        %gather3A_313 = tpu.memref_squeeze %gather3A_312 : memref<1x128x64xf32, #tpu.memory_space<vmem>> -> memref<128x64xf32, #tpu.memory_space<vmem>>
        %gather3A_314 = tpu.vector_load_idx %gather3A_313[%add3A_284, %add3A_310] : memref<128x64xf32, #tpu.memory_space<vmem>>[vector<16xi32>, vector<16xi32>], vector<16xf32>,
        %gather3A_315 = arith.constant 0 : i32
        %gather3A_316 = arith.constant 0 : i32
        %gather3A_317 = tpu.memref_slice %arg12[%scan3A_92, %gather3A_315, %gather3A_316] : memref<2x128x64xf32, #tpu.memory_space<vmem>> -> memref<1x128x64xf32, #tpu.memory_space<vmem>>
        %gather3A_318 = tpu.memref_squeeze %gather3A_317 : memref<1x128x64xf32, #tpu.memory_space<vmem>> -> memref<128x64xf32, #tpu.memory_space<vmem>>
        %gather3A_319 = tpu.vector_load_idx %gather3A_318[%add3A_284, %add3A_310] : memref<128x64xf32, #tpu.memory_space<vmem>>[vector<16xi32>, vector<16xi32>], vector<16xf32>,
        %gather3A_320 = arith.constant 0 : i32
        %gather3A_321 = arith.constant 0 : i32
        %gather3A_322 = tpu.memref_slice %arg13[%scan3A_93, %gather3A_320, %gather3A_321] : memref<2x128x64xf32, #tpu.memory_space<vmem>> -> memref<1x128x64xf32, #tpu.memory_space<vmem>>
        %gather3A_323 = tpu.memref_squeeze %gather3A_322 : memref<1x128x64xf32, #tpu.memory_space<vmem>> -> memref<128x64xf32, #tpu.memory_space<vmem>>
        %gather3A_324 = tpu.vector_load_idx %gather3A_323[%add3A_284, %add3A_310] : memref<128x64xf32, #tpu.memory_space<vmem>>[vector<16xi32>, vector<16xi32>], vector<16xf32>,
        %add3A_325 = arith.addf %gather3A_314, %gather3A_319 : vector<16xf32>
        %add3A_326 = arith.addf %gather3A_314, %gather3A_324 : vector<16xf32>
        %mul3A_327 = arith.mulf %add3A_325, %add3A_326 : vector<16xf32>
        %add3A_328 = arith.constant 1 : i32
        %add3A_329 = vector.broadcast %add3A_328 : i32 to vector<16xi32>
        %add3A_330 = arith.addi %iota3A, %add3A_329 : vector<16xi32>
        %and3A_331 = arith.constant 15 : i32
        %and3A_332 = vector.broadcast %and3A_331 : i32 to vector<16xi32>
        %and3A_333 = arith.andi %add3A_330, %and3A_332 : vector<16xi32>
        %mul3A_334 = arith.constant 16 : i32
        %mul3A_335 = arith.muli %scan3A_300, %mul3A_334 : i32
        %add3A_336 = vector.broadcast %mul3A_335 : i32 to vector<16xi32>
        %add3A_337 = arith.addi %and3A_333, %add3A_336 : vector<16xi32>
        %gather3A_338 = arith.constant 0 : i32
        %gather3A_339 = arith.constant 0 : i32
        %gather3A_340 = tpu.memref_slice %arg11[%scan3A_91, %gather3A_338, %gather3A_339] : memref<2x128x64xf32, #tpu.memory_space<vmem>> -> memref<1x128x64xf32, #tpu.memory_space<vmem>>
        %gather3A_341 = tpu.memref_squeeze %gather3A_340 : memref<1x128x64xf32, #tpu.memory_space<vmem>> -> memref<128x64xf32, #tpu.memory_space<vmem>>
        %gather3A_342 = tpu.vector_load_idx %gather3A_341[%add3A_284, %add3A_337] : memref<128x64xf32, #tpu.memory_space<vmem>>[vector<16xi32>, vector<16xi32>], vector<16xf32>,
        %gather3A_343 = arith.constant 0 : i32
        %gather3A_344 = arith.constant 0 : i32
        %gather3A_345 = tpu.memref_slice %arg12[%scan3A_92, %gather3A_343, %gather3A_344] : memref<2x128x64xf32, #tpu.memory_space<vmem>> -> memref<1x128x64xf32, #tpu.memory_space<vmem>>
        %gather3A_346 = tpu.memref_squeeze %gather3A_345 : memref<1x128x64xf32, #tpu.memory_space<vmem>> -> memref<128x64xf32, #tpu.memory_space<vmem>>
        %gather3A_347 = tpu.vector_load_idx %gather3A_346[%add3A_284, %add3A_337] : memref<128x64xf32, #tpu.memory_space<vmem>>[vector<16xi32>, vector<16xi32>], vector<16xf32>,
        %gather3A_348 = arith.constant 0 : i32
        %gather3A_349 = arith.constant 0 : i32
        %gather3A_350 = tpu.memref_slice %arg13[%scan3A_93, %gather3A_348, %gather3A_349] : memref<2x128x64xf32, #tpu.memory_space<vmem>> -> memref<1x128x64xf32, #tpu.memory_space<vmem>>
        %gather3A_351 = tpu.memref_squeeze %gather3A_350 : memref<1x128x64xf32, #tpu.memory_space<vmem>> -> memref<128x64xf32, #tpu.memory_space<vmem>>
        %gather3A_352 = tpu.vector_load_idx %gather3A_351[%add3A_284, %add3A_337] : memref<128x64xf32, #tpu.memory_space<vmem>>[vector<16xi32>, vector<16xi32>], vector<16xf32>,
        %add3A_353 = arith.addf %gather3A_342, %gather3A_347 : vector<16xf32>
        %add3A_354 = arith.addf %gather3A_342, %gather3A_352 : vector<16xf32>
        %mul3A_355 = arith.mulf %add3A_353, %add3A_354 : vector<16xf32>
        %add3A_356 = arith.constant 2 : i32
        %add3A_357 = vector.broadcast %add3A_356 : i32 to vector<16xi32>
        %add3A_358 = arith.addi %iota3A, %add3A_357 : vector<16xi32>
        %and3A_359 = arith.constant 15 : i32
        %and3A_360 = vector.broadcast %and3A_359 : i32 to vector<16xi32>
        %and3A_361 = arith.andi %add3A_358, %and3A_360 : vector<16xi32>
        %mul3A_362 = arith.constant 16 : i32
        %mul3A_363 = arith.muli %scan3A_300, %mul3A_362 : i32
        %add3A_364 = vector.broadcast %mul3A_363 : i32 to vector<16xi32>
        %add3A_365 = arith.addi %and3A_361, %add3A_364 : vector<16xi32>
        %gather3A_366 = arith.constant 0 : i32
        %gather3A_367 = arith.constant 0 : i32
        %gather3A_368 = tpu.memref_slice %arg11[%scan3A_91, %gather3A_366, %gather3A_367] : memref<2x128x64xf32, #tpu.memory_space<vmem>> -> memref<1x128x64xf32, #tpu.memory_space<vmem>>
        %gather3A_369 = tpu.memref_squeeze %gather3A_368 : memref<1x128x64xf32, #tpu.memory_space<vmem>> -> memref<128x64xf32, #tpu.memory_space<vmem>>
        %gather3A_370 = tpu.vector_load_idx %gather3A_369[%add3A_284, %add3A_365] : memref<128x64xf32, #tpu.memory_space<vmem>>[vector<16xi32>, vector<16xi32>], vector<16xf32>,
        %gather3A_371 = arith.constant 0 : i32
        %gather3A_372 = arith.constant 0 : i32
        %gather3A_373 = tpu.memref_slice %arg12[%scan3A_92, %gather3A_371, %gather3A_372] : memref<2x128x64xf32, #tpu.memory_space<vmem>> -> memref<1x128x64xf32, #tpu.memory_space<vmem>>
        %gather3A_374 = tpu.memref_squeeze %gather3A_373 : memref<1x128x64xf32, #tpu.memory_space<vmem>> -> memref<128x64xf32, #tpu.memory_space<vmem>>
        %gather3A_375 = tpu.vector_load_idx %gather3A_374[%add3A_284, %add3A_365] : memref<128x64xf32, #tpu.memory_space<vmem>>[vector<16xi32>, vector<16xi32>], vector<16xf32>,
        %gather3A_376 = arith.constant 0 : i32
        %gather3A_377 = arith.constant 0 : i32
        %gather3A_378 = tpu.memref_slice %arg13[%scan3A_93, %gather3A_376, %gather3A_377] : memref<2x128x64xf32, #tpu.memory_space<vmem>> -> memref<1x128x64xf32, #tpu.memory_space<vmem>>
        %gather3A_379 = tpu.memref_squeeze %gather3A_378 : memref<1x128x64xf32, #tpu.memory_space<vmem>> -> memref<128x64xf32, #tpu.memory_space<vmem>>
        %gather3A_380 = tpu.vector_load_idx %gather3A_379[%add3A_284, %add3A_365] : memref<128x64xf32, #tpu.memory_space<vmem>>[vector<16xi32>, vector<16xi32>], vector<16xf32>,
        %add3A_381 = arith.addf %gather3A_370, %gather3A_375 : vector<16xf32>
        %add3A_382 = arith.addf %gather3A_370, %gather3A_380 : vector<16xf32>
        %mul3A_383 = arith.mulf %add3A_381, %add3A_382 : vector<16xf32>
        %add3A_384 = arith.constant 3 : i32
        %add3A_385 = vector.broadcast %add3A_384 : i32 to vector<16xi32>
        %add3A_386 = arith.addi %iota3A, %add3A_385 : vector<16xi32>
        %and3A_387 = arith.constant 15 : i32
        %and3A_388 = vector.broadcast %and3A_387 : i32 to vector<16xi32>
        %and3A_389 = arith.andi %add3A_386, %and3A_388 : vector<16xi32>
        %mul3A_390 = arith.constant 16 : i32
        %mul3A_391 = arith.muli %scan3A_300, %mul3A_390 : i32
        %add3A_392 = vector.broadcast %mul3A_391 : i32 to vector<16xi32>
        %add3A_393 = arith.addi %and3A_389, %add3A_392 : vector<16xi32>
        %gather3A_394 = arith.constant 0 : i32
        %gather3A_395 = arith.constant 0 : i32
        %gather3A_396 = tpu.memref_slice %arg11[%scan3A_91, %gather3A_394, %gather3A_395] : memref<2x128x64xf32, #tpu.memory_space<vmem>> -> memref<1x128x64xf32, #tpu.memory_space<vmem>>
        %gather3A_397 = tpu.memref_squeeze %gather3A_396 : memref<1x128x64xf32, #tpu.memory_space<vmem>> -> memref<128x64xf32, #tpu.memory_space<vmem>>
        %gather3A_398 = tpu.vector_load_idx %gather3A_397[%add3A_284, %add3A_393] : memref<128x64xf32, #tpu.memory_space<vmem>>[vector<16xi32>, vector<16xi32>], vector<16xf32>,
        %gather3A_399 = arith.constant 0 : i32
        %gather3A_400 = arith.constant 0 : i32
        %gather3A_401 = tpu.memref_slice %arg12[%scan3A_92, %gather3A_399, %gather3A_400] : memref<2x128x64xf32, #tpu.memory_space<vmem>> -> memref<1x128x64xf32, #tpu.memory_space<vmem>>
        %gather3A_402 = tpu.memref_squeeze %gather3A_401 : memref<1x128x64xf32, #tpu.memory_space<vmem>> -> memref<128x64xf32, #tpu.memory_space<vmem>>
        %gather3A_403 = tpu.vector_load_idx %gather3A_402[%add3A_284, %add3A_393] : memref<128x64xf32, #tpu.memory_space<vmem>>[vector<16xi32>, vector<16xi32>], vector<16xf32>,
        %gather3A_404 = arith.constant 0 : i32
        %gather3A_405 = arith.constant 0 : i32
        %gather3A_406 = tpu.memref_slice %arg13[%scan3A_93, %gather3A_404, %gather3A_405] : memref<2x128x64xf32, #tpu.memory_space<vmem>> -> memref<1x128x64xf32, #tpu.memory_space<vmem>>
        %gather3A_407 = tpu.memref_squeeze %gather3A_406 : memref<1x128x64xf32, #tpu.memory_space<vmem>> -> memref<128x64xf32, #tpu.memory_space<vmem>>
        %gather3A_408 = tpu.vector_load_idx %gather3A_407[%add3A_284, %add3A_393] : memref<128x64xf32, #tpu.memory_space<vmem>>[vector<16xi32>, vector<16xi32>], vector<16xf32>,
        %add3A_409 = arith.addf %gather3A_398, %gather3A_403 : vector<16xf32>
        %add3A_410 = arith.addf %gather3A_398, %gather3A_408 : vector<16xf32>
        %mul3A_411 = arith.mulf %add3A_409, %add3A_410 : vector<16xf32>
        %add3A_412 = arith.constant 4 : i32
        %add3A_413 = vector.broadcast %add3A_412 : i32 to vector<16xi32>
        %add3A_414 = arith.addi %iota3A, %add3A_413 : vector<16xi32>
        %and3A_415 = arith.constant 15 : i32
        %and3A_416 = vector.broadcast %and3A_415 : i32 to vector<16xi32>
        %and3A_417 = arith.andi %add3A_414, %and3A_416 : vector<16xi32>
        %mul3A_418 = arith.constant 16 : i32
        %mul3A_419 = arith.muli %scan3A_300, %mul3A_418 : i32
        %add3A_420 = vector.broadcast %mul3A_419 : i32 to vector<16xi32>
        %add3A_421 = arith.addi %and3A_417, %add3A_420 : vector<16xi32>
        %gather3A_422 = arith.constant 0 : i32
        %gather3A_423 = arith.constant 0 : i32
        %gather3A_424 = tpu.memref_slice %arg11[%scan3A_91, %gather3A_422, %gather3A_423] : memref<2x128x64xf32, #tpu.memory_space<vmem>> -> memref<1x128x64xf32, #tpu.memory_space<vmem>>
        %gather3A_425 = tpu.memref_squeeze %gather3A_424 : memref<1x128x64xf32, #tpu.memory_space<vmem>> -> memref<128x64xf32, #tpu.memory_space<vmem>>
        %gather3A_426 = tpu.vector_load_idx %gather3A_425[%add3A_284, %add3A_421] : memref<128x64xf32, #tpu.memory_space<vmem>>[vector<16xi32>, vector<16xi32>], vector<16xf32>,
        %gather3A_427 = arith.constant 0 : i32
        %gather3A_428 = arith.constant 0 : i32
        %gather3A_429 = tpu.memref_slice %arg12[%scan3A_92, %gather3A_427, %gather3A_428] : memref<2x128x64xf32, #tpu.memory_space<vmem>> -> memref<1x128x64xf32, #tpu.memory_space<vmem>>
        %gather3A_430 = tpu.memref_squeeze %gather3A_429 : memref<1x128x64xf32, #tpu.memory_space<vmem>> -> memref<128x64xf32, #tpu.memory_space<vmem>>
        %gather3A_431 = tpu.vector_load_idx %gather3A_430[%add3A_284, %add3A_421] : memref<128x64xf32, #tpu.memory_space<vmem>>[vector<16xi32>, vector<16xi32>], vector<16xf32>,
        %gather3A_432 = arith.constant 0 : i32
        %gather3A_433 = arith.constant 0 : i32
        %gather3A_434 = tpu.memref_slice %arg13[%scan3A_93, %gather3A_432, %gather3A_433] : memref<2x128x64xf32, #tpu.memory_space<vmem>> -> memref<1x128x64xf32, #tpu.memory_space<vmem>>
        %gather3A_435 = tpu.memref_squeeze %gather3A_434 : memref<1x128x64xf32, #tpu.memory_space<vmem>> -> memref<128x64xf32, #tpu.memory_space<vmem>>
        %gather3A_436 = tpu.vector_load_idx %gather3A_435[%add3A_284, %add3A_421] : memref<128x64xf32, #tpu.memory_space<vmem>>[vector<16xi32>, vector<16xi32>], vector<16xf32>,
        %add3A_437 = arith.addf %gather3A_426, %gather3A_431 : vector<16xf32>
        %add3A_438 = arith.addf %gather3A_426, %gather3A_436 : vector<16xf32>
        %mul3A_439 = arith.mulf %add3A_437, %add3A_438 : vector<16xf32>
        %add3A_440 = arith.constant 5 : i32
        %add3A_441 = vector.broadcast %add3A_440 : i32 to vector<16xi32>
        %add3A_442 = arith.addi %iota3A, %add3A_441 : vector<16xi32>
        %and3A_443 = arith.constant 15 : i32
        %and3A_444 = vector.broadcast %and3A_443 : i32 to vector<16xi32>
        %and3A_445 = arith.andi %add3A_442, %and3A_444 : vector<16xi32>
        %mul3A_446 = arith.constant 16 : i32
        %mul3A_447 = arith.muli %scan3A_300, %mul3A_446 : i32
        %add3A_448 = vector.broadcast %mul3A_447 : i32 to vector<16xi32>
        %add3A_449 = arith.addi %and3A_445, %add3A_448 : vector<16xi32>
        %gather3A_450 = arith.constant 0 : i32
        %gather3A_451 = arith.constant 0 : i32
        %gather3A_452 = tpu.memref_slice %arg11[%scan3A_91, %gather3A_450, %gather3A_451] : memref<2x128x64xf32, #tpu.memory_space<vmem>> -> memref<1x128x64xf32, #tpu.memory_space<vmem>>
        %gather3A_453 = tpu.memref_squeeze %gather3A_452 : memref<1x128x64xf32, #tpu.memory_space<vmem>> -> memref<128x64xf32, #tpu.memory_space<vmem>>
        %gather3A_454 = tpu.vector_load_idx %gather3A_453[%add3A_284, %add3A_449] : memref<128x64xf32, #tpu.memory_space<vmem>>[vector<16xi32>, vector<16xi32>], vector<16xf32>,
        %gather3A_455 = arith.constant 0 : i32
        %gather3A_456 = arith.constant 0 : i32
        %gather3A_457 = tpu.memref_slice %arg12[%scan3A_92, %gather3A_455, %gather3A_456] : memref<2x128x64xf32, #tpu.memory_space<vmem>> -> memref<1x128x64xf32, #tpu.memory_space<vmem>>
        %gather3A_458 = tpu.memref_squeeze %gather3A_457 : memref<1x128x64xf32, #tpu.memory_space<vmem>> -> memref<128x64xf32, #tpu.memory_space<vmem>>
        %gather3A_459 = tpu.vector_load_idx %gather3A_458[%add3A_284, %add3A_449] : memref<128x64xf32, #tpu.memory_space<vmem>>[vector<16xi32>, vector<16xi32>], vector<16xf32>,
        %gather3A_460 = arith.constant 0 : i32
        %gather3A_461 = arith.constant 0 : i32
        %gather3A_462 = tpu.memref_slice %arg13[%scan3A_93, %gather3A_460, %gather3A_461] : memref<2x128x64xf32, #tpu.memory_space<vmem>> -> memref<1x128x64xf32, #tpu.memory_space<vmem>>
        %gather3A_463 = tpu.memref_squeeze %gather3A_462 : memref<1x128x64xf32, #tpu.memory_space<vmem>> -> memref<128x64xf32, #tpu.memory_space<vmem>>
        %gather3A_464 = tpu.vector_load_idx %gather3A_463[%add3A_284, %add3A_449] : memref<128x64xf32, #tpu.memory_space<vmem>>[vector<16xi32>, vector<16xi32>], vector<16xf32>,
        %add3A_465 = arith.addf %gather3A_454, %gather3A_459 : vector<16xf32>
        %add3A_466 = arith.addf %gather3A_454, %gather3A_464 : vector<16xf32>
        %mul3A_467 = arith.mulf %add3A_465, %add3A_466 : vector<16xf32>
        %add3A_468 = arith.constant 6 : i32
        %add3A_469 = vector.broadcast %add3A_468 : i32 to vector<16xi32>
        %add3A_470 = arith.addi %iota3A, %add3A_469 : vector<16xi32>
        %and3A_471 = arith.constant 15 : i32
        %and3A_472 = vector.broadcast %and3A_471 : i32 to vector<16xi32>
        %and3A_473 = arith.andi %add3A_470, %and3A_472 : vector<16xi32>
        %mul3A_474 = arith.constant 16 : i32
        %mul3A_475 = arith.muli %scan3A_300, %mul3A_474 : i32
        %add3A_476 = vector.broadcast %mul3A_475 : i32 to vector<16xi32>
        %add3A_477 = arith.addi %and3A_473, %add3A_476 : vector<16xi32>
        %gather3A_478 = arith.constant 0 : i32
        %gather3A_479 = arith.constant 0 : i32
        %gather3A_480 = tpu.memref_slice %arg11[%scan3A_91, %gather3A_478, %gather3A_479] : memref<2x128x64xf32, #tpu.memory_space<vmem>> -> memref<1x128x64xf32, #tpu.memory_space<vmem>>
        %gather3A_481 = tpu.memref_squeeze %gather3A_480 : memref<1x128x64xf32, #tpu.memory_space<vmem>> -> memref<128x64xf32, #tpu.memory_space<vmem>>
        %gather3A_482 = tpu.vector_load_idx %gather3A_481[%add3A_284, %add3A_477] : memref<128x64xf32, #tpu.memory_space<vmem>>[vector<16xi32>, vector<16xi32>], vector<16xf32>,
        %gather3A_483 = arith.constant 0 : i32
        %gather3A_484 = arith.constant 0 : i32
        %gather3A_485 = tpu.memref_slice %arg12[%scan3A_92, %gather3A_483, %gather3A_484] : memref<2x128x64xf32, #tpu.memory_space<vmem>> -> memref<1x128x64xf32, #tpu.memory_space<vmem>>
        %gather3A_486 = tpu.memref_squeeze %gather3A_485 : memref<1x128x64xf32, #tpu.memory_space<vmem>> -> memref<128x64xf32, #tpu.memory_space<vmem>>
        %gather3A_487 = tpu.vector_load_idx %gather3A_486[%add3A_284, %add3A_477] : memref<128x64xf32, #tpu.memory_space<vmem>>[vector<16xi32>, vector<16xi32>], vector<16xf32>,
        %gather3A_488 = arith.constant 0 : i32
        %gather3A_489 = arith.constant 0 : i32
        %gather3A_490 = tpu.memref_slice %arg13[%scan3A_93, %gather3A_488, %gather3A_489] : memref<2x128x64xf32, #tpu.memory_space<vmem>> -> memref<1x128x64xf32, #tpu.memory_space<vmem>>
        %gather3A_491 = tpu.memref_squeeze %gather3A_490 : memref<1x128x64xf32, #tpu.memory_space<vmem>> -> memref<128x64xf32, #tpu.memory_space<vmem>>
        %gather3A_492 = tpu.vector_load_idx %gather3A_491[%add3A_284, %add3A_477] : memref<128x64xf32, #tpu.memory_space<vmem>>[vector<16xi32>, vector<16xi32>], vector<16xf32>,
        %add3A_493 = arith.addf %gather3A_482, %gather3A_487 : vector<16xf32>
        %add3A_494 = arith.addf %gather3A_482, %gather3A_492 : vector<16xf32>
        %mul3A_495 = arith.mulf %add3A_493, %add3A_494 : vector<16xf32>
        %add3A_496 = arith.constant 7 : i32
        %add3A_497 = vector.broadcast %add3A_496 : i32 to vector<16xi32>
        %add3A_498 = arith.addi %iota3A, %add3A_497 : vector<16xi32>
        %and3A_499 = arith.constant 15 : i32
        %and3A_500 = vector.broadcast %and3A_499 : i32 to vector<16xi32>
        %and3A_501 = arith.andi %add3A_498, %and3A_500 : vector<16xi32>
        %mul3A_502 = arith.constant 16 : i32
        %mul3A_503 = arith.muli %scan3A_300, %mul3A_502 : i32
        %add3A_504 = vector.broadcast %mul3A_503 : i32 to vector<16xi32>
        %add3A_505 = arith.addi %and3A_501, %add3A_504 : vector<16xi32>
        %gather3A_506 = arith.constant 0 : i32
        %gather3A_507 = arith.constant 0 : i32
        %gather3A_508 = tpu.memref_slice %arg11[%scan3A_91, %gather3A_506, %gather3A_507] : memref<2x128x64xf32, #tpu.memory_space<vmem>> -> memref<1x128x64xf32, #tpu.memory_space<vmem>>
        %gather3A_509 = tpu.memref_squeeze %gather3A_508 : memref<1x128x64xf32, #tpu.memory_space<vmem>> -> memref<128x64xf32, #tpu.memory_space<vmem>>
        %gather3A_510 = tpu.vector_load_idx %gather3A_509[%add3A_284, %add3A_505] : memref<128x64xf32, #tpu.memory_space<vmem>>[vector<16xi32>, vector<16xi32>], vector<16xf32>,
        %gather3A_511 = arith.constant 0 : i32
        %gather3A_512 = arith.constant 0 : i32
        %gather3A_513 = tpu.memref_slice %arg12[%scan3A_92, %gather3A_511, %gather3A_512] : memref<2x128x64xf32, #tpu.memory_space<vmem>> -> memref<1x128x64xf32, #tpu.memory_space<vmem>>
        %gather3A_514 = tpu.memref_squeeze %gather3A_513 : memref<1x128x64xf32, #tpu.memory_space<vmem>> -> memref<128x64xf32, #tpu.memory_space<vmem>>
        %gather3A_515 = tpu.vector_load_idx %gather3A_514[%add3A_284, %add3A_505] : memref<128x64xf32, #tpu.memory_space<vmem>>[vector<16xi32>, vector<16xi32>], vector<16xf32>,
        %gather3A_516 = arith.constant 0 : i32
        %gather3A_517 = arith.constant 0 : i32
        %gather3A_518 = tpu.memref_slice %arg13[%scan3A_93, %gather3A_516, %gather3A_517] : memref<2x128x64xf32, #tpu.memory_space<vmem>> -> memref<1x128x64xf32, #tpu.memory_space<vmem>>
        %gather3A_519 = tpu.memref_squeeze %gather3A_518 : memref<1x128x64xf32, #tpu.memory_space<vmem>> -> memref<128x64xf32, #tpu.memory_space<vmem>>
        %gather3A_520 = tpu.vector_load_idx %gather3A_519[%add3A_284, %add3A_505] : memref<128x64xf32, #tpu.memory_space<vmem>>[vector<16xi32>, vector<16xi32>], vector<16xf32>,
        %add3A_521 = arith.addf %gather3A_510, %gather3A_515 : vector<16xf32>
        %add3A_522 = arith.addf %gather3A_510, %gather3A_520 : vector<16xf32>
        %mul3A_523 = arith.mulf %add3A_521, %add3A_522 : vector<16xf32>
        %add3A_524 = arith.constant 8 : i32
        %add3A_525 = vector.broadcast %add3A_524 : i32 to vector<16xi32>
        %add3A_526 = arith.addi %iota3A, %add3A_525 : vector<16xi32>
        %and3A_527 = arith.constant 15 : i32
        %and3A_528 = vector.broadcast %and3A_527 : i32 to vector<16xi32>
        %and3A_529 = arith.andi %add3A_526, %and3A_528 : vector<16xi32>
        %mul3A_530 = arith.constant 16 : i32
        %mul3A_531 = arith.muli %scan3A_300, %mul3A_530 : i32
        %add3A_532 = vector.broadcast %mul3A_531 : i32 to vector<16xi32>
        %add3A_533 = arith.addi %and3A_529, %add3A_532 : vector<16xi32>
        %gather3A_534 = arith.constant 0 : i32
        %gather3A_535 = arith.constant 0 : i32
        %gather3A_536 = tpu.memref_slice %arg11[%scan3A_91, %gather3A_534, %gather3A_535] : memref<2x128x64xf32, #tpu.memory_space<vmem>> -> memref<1x128x64xf32, #tpu.memory_space<vmem>>
        %gather3A_537 = tpu.memref_squeeze %gather3A_536 : memref<1x128x64xf32, #tpu.memory_space<vmem>> -> memref<128x64xf32, #tpu.memory_space<vmem>>
        %gather3A_538 = tpu.vector_load_idx %gather3A_537[%add3A_284, %add3A_533] : memref<128x64xf32, #tpu.memory_space<vmem>>[vector<16xi32>, vector<16xi32>], vector<16xf32>,
        %gather3A_539 = arith.constant 0 : i32
        %gather3A_540 = arith.constant 0 : i32
        %gather3A_541 = tpu.memref_slice %arg12[%scan3A_92, %gather3A_539, %gather3A_540] : memref<2x128x64xf32, #tpu.memory_space<vmem>> -> memref<1x128x64xf32, #tpu.memory_space<vmem>>
        %gather3A_542 = tpu.memref_squeeze %gather3A_541 : memref<1x128x64xf32, #tpu.memory_space<vmem>> -> memref<128x64xf32, #tpu.memory_space<vmem>>
        %gather3A_543 = tpu.vector_load_idx %gather3A_542[%add3A_284, %add3A_533] : memref<128x64xf32, #tpu.memory_space<vmem>>[vector<16xi32>, vector<16xi32>], vector<16xf32>,
        %gather3A_544 = arith.constant 0 : i32
        %gather3A_545 = arith.constant 0 : i32
        %gather3A_546 = tpu.memref_slice %arg13[%scan3A_93, %gather3A_544, %gather3A_545] : memref<2x128x64xf32, #tpu.memory_space<vmem>> -> memref<1x128x64xf32, #tpu.memory_space<vmem>>
        %gather3A_547 = tpu.memref_squeeze %gather3A_546 : memref<1x128x64xf32, #tpu.memory_space<vmem>> -> memref<128x64xf32, #tpu.memory_space<vmem>>
        %gather3A_548 = tpu.vector_load_idx %gather3A_547[%add3A_284, %add3A_533] : memref<128x64xf32, #tpu.memory_space<vmem>>[vector<16xi32>, vector<16xi32>], vector<16xf32>,
        %add3A_549 = arith.addf %gather3A_538, %gather3A_543 : vector<16xf32>
        %add3A_550 = arith.addf %gather3A_538, %gather3A_548 : vector<16xf32>
        %mul3A_551 = arith.mulf %add3A_549, %add3A_550 : vector<16xf32>
        %add3A_552 = arith.constant 9 : i32
        %add3A_553 = vector.broadcast %add3A_552 : i32 to vector<16xi32>
        %add3A_554 = arith.addi %iota3A, %add3A_553 : vector<16xi32>
        %and3A_555 = arith.constant 15 : i32
        %and3A_556 = vector.broadcast %and3A_555 : i32 to vector<16xi32>
        %and3A_557 = arith.andi %add3A_554, %and3A_556 : vector<16xi32>
        %mul3A_558 = arith.constant 16 : i32
        %mul3A_559 = arith.muli %scan3A_300, %mul3A_558 : i32
        %add3A_560 = vector.broadcast %mul3A_559 : i32 to vector<16xi32>
        %add3A_561 = arith.addi %and3A_557, %add3A_560 : vector<16xi32>
        %gather3A_562 = arith.constant 0 : i32
        %gather3A_563 = arith.constant 0 : i32
        %gather3A_564 = tpu.memref_slice %arg11[%scan3A_91, %gather3A_562, %gather3A_563] : memref<2x128x64xf32, #tpu.memory_space<vmem>> -> memref<1x128x64xf32, #tpu.memory_space<vmem>>
        %gather3A_565 = tpu.memref_squeeze %gather3A_564 : memref<1x128x64xf32, #tpu.memory_space<vmem>> -> memref<128x64xf32, #tpu.memory_space<vmem>>
        %gather3A_566 = tpu.vector_load_idx %gather3A_565[%add3A_284, %add3A_561] : memref<128x64xf32, #tpu.memory_space<vmem>>[vector<16xi32>, vector<16xi32>], vector<16xf32>,
        %gather3A_567 = arith.constant 0 : i32
        %gather3A_568 = arith.constant 0 : i32
        %gather3A_569 = tpu.memref_slice %arg12[%scan3A_92, %gather3A_567, %gather3A_568] : memref<2x128x64xf32, #tpu.memory_space<vmem>> -> memref<1x128x64xf32, #tpu.memory_space<vmem>>
        %gather3A_570 = tpu.memref_squeeze %gather3A_569 : memref<1x128x64xf32, #tpu.memory_space<vmem>> -> memref<128x64xf32, #tpu.memory_space<vmem>>
        %gather3A_571 = tpu.vector_load_idx %gather3A_570[%add3A_284, %add3A_561] : memref<128x64xf32, #tpu.memory_space<vmem>>[vector<16xi32>, vector<16xi32>], vector<16xf32>,
        %gather3A_572 = arith.constant 0 : i32
        %gather3A_573 = arith.constant 0 : i32
        %gather3A_574 = tpu.memref_slice %arg13[%scan3A_93, %gather3A_572, %gather3A_573] : memref<2x128x64xf32, #tpu.memory_space<vmem>> -> memref<1x128x64xf32, #tpu.memory_space<vmem>>
        %gather3A_575 = tpu.memref_squeeze %gather3A_574 : memref<1x128x64xf32, #tpu.memory_space<vmem>> -> memref<128x64xf32, #tpu.memory_space<vmem>>
        %gather3A_576 = tpu.vector_load_idx %gather3A_575[%add3A_284, %add3A_561] : memref<128x64xf32, #tpu.memory_space<vmem>>[vector<16xi32>, vector<16xi32>], vector<16xf32>,
        %add3A_577 = arith.addf %gather3A_566, %gather3A_571 : vector<16xf32>
        %add3A_578 = arith.addf %gather3A_566, %gather3A_576 : vector<16xf32>
        %mul3A_579 = arith.mulf %add3A_577, %add3A_578 : vector<16xf32>
        %add3A_580 = arith.constant 10 : i32
        %add3A_581 = vector.broadcast %add3A_580 : i32 to vector<16xi32>
        %add3A_582 = arith.addi %iota3A, %add3A_581 : vector<16xi32>
        %and3A_583 = arith.constant 15 : i32
        %and3A_584 = vector.broadcast %and3A_583 : i32 to vector<16xi32>
        %and3A_585 = arith.andi %add3A_582, %and3A_584 : vector<16xi32>
        %mul3A_586 = arith.constant 16 : i32
        %mul3A_587 = arith.muli %scan3A_300, %mul3A_586 : i32
        %add3A_588 = vector.broadcast %mul3A_587 : i32 to vector<16xi32>
        %add3A_589 = arith.addi %and3A_585, %add3A_588 : vector<16xi32>
        %gather3A_590 = arith.constant 0 : i32
        %gather3A_591 = arith.constant 0 : i32
        %gather3A_592 = tpu.memref_slice %arg11[%scan3A_91, %gather3A_590, %gather3A_591] : memref<2x128x64xf32, #tpu.memory_space<vmem>> -> memref<1x128x64xf32, #tpu.memory_space<vmem>>
        %gather3A_593 = tpu.memref_squeeze %gather3A_592 : memref<1x128x64xf32, #tpu.memory_space<vmem>> -> memref<128x64xf32, #tpu.memory_space<vmem>>
        %gather3A_594 = tpu.vector_load_idx %gather3A_593[%add3A_284, %add3A_589] : memref<128x64xf32, #tpu.memory_space<vmem>>[vector<16xi32>, vector<16xi32>], vector<16xf32>,
        %gather3A_595 = arith.constant 0 : i32
        %gather3A_596 = arith.constant 0 : i32
        %gather3A_597 = tpu.memref_slice %arg12[%scan3A_92, %gather3A_595, %gather3A_596] : memref<2x128x64xf32, #tpu.memory_space<vmem>> -> memref<1x128x64xf32, #tpu.memory_space<vmem>>
        %gather3A_598 = tpu.memref_squeeze %gather3A_597 : memref<1x128x64xf32, #tpu.memory_space<vmem>> -> memref<128x64xf32, #tpu.memory_space<vmem>>
        %gather3A_599 = tpu.vector_load_idx %gather3A_598[%add3A_284, %add3A_589] : memref<128x64xf32, #tpu.memory_space<vmem>>[vector<16xi32>, vector<16xi32>], vector<16xf32>,
        %gather3A_600 = arith.constant 0 : i32
        %gather3A_601 = arith.constant 0 : i32
        %gather3A_602 = tpu.memref_slice %arg13[%scan3A_93, %gather3A_600, %gather3A_601] : memref<2x128x64xf32, #tpu.memory_space<vmem>> -> memref<1x128x64xf32, #tpu.memory_space<vmem>>
        %gather3A_603 = tpu.memref_squeeze %gather3A_602 : memref<1x128x64xf32, #tpu.memory_space<vmem>> -> memref<128x64xf32, #tpu.memory_space<vmem>>
        %gather3A_604 = tpu.vector_load_idx %gather3A_603[%add3A_284, %add3A_589] : memref<128x64xf32, #tpu.memory_space<vmem>>[vector<16xi32>, vector<16xi32>], vector<16xf32>,
        %add3A_605 = arith.addf %gather3A_594, %gather3A_599 : vector<16xf32>
        %add3A_606 = arith.addf %gather3A_594, %gather3A_604 : vector<16xf32>
        %mul3A_607 = arith.mulf %add3A_605, %add3A_606 : vector<16xf32>
        %add3A_608 = arith.constant 11 : i32
        %add3A_609 = vector.broadcast %add3A_608 : i32 to vector<16xi32>
        %add3A_610 = arith.addi %iota3A, %add3A_609 : vector<16xi32>
        %and3A_611 = arith.constant 15 : i32
        %and3A_612 = vector.broadcast %and3A_611 : i32 to vector<16xi32>
        %and3A_613 = arith.andi %add3A_610, %and3A_612 : vector<16xi32>
        %mul3A_614 = arith.constant 16 : i32
        %mul3A_615 = arith.muli %scan3A_300, %mul3A_614 : i32
        %add3A_616 = vector.broadcast %mul3A_615 : i32 to vector<16xi32>
        %add3A_617 = arith.addi %and3A_613, %add3A_616 : vector<16xi32>
        %gather3A_618 = arith.constant 0 : i32
        %gather3A_619 = arith.constant 0 : i32
        %gather3A_620 = tpu.memref_slice %arg11[%scan3A_91, %gather3A_618, %gather3A_619] : memref<2x128x64xf32, #tpu.memory_space<vmem>> -> memref<1x128x64xf32, #tpu.memory_space<vmem>>
        %gather3A_621 = tpu.memref_squeeze %gather3A_620 : memref<1x128x64xf32, #tpu.memory_space<vmem>> -> memref<128x64xf32, #tpu.memory_space<vmem>>
        %gather3A_622 = tpu.vector_load_idx %gather3A_621[%add3A_284, %add3A_617] : memref<128x64xf32, #tpu.memory_space<vmem>>[vector<16xi32>, vector<16xi32>], vector<16xf32>,
        %gather3A_623 = arith.constant 0 : i32
        %gather3A_624 = arith.constant 0 : i32
        %gather3A_625 = tpu.memref_slice %arg12[%scan3A_92, %gather3A_623, %gather3A_624] : memref<2x128x64xf32, #tpu.memory_space<vmem>> -> memref<1x128x64xf32, #tpu.memory_space<vmem>>
        %gather3A_626 = tpu.memref_squeeze %gather3A_625 : memref<1x128x64xf32, #tpu.memory_space<vmem>> -> memref<128x64xf32, #tpu.memory_space<vmem>>
        %gather3A_627 = tpu.vector_load_idx %gather3A_626[%add3A_284, %add3A_617] : memref<128x64xf32, #tpu.memory_space<vmem>>[vector<16xi32>, vector<16xi32>], vector<16xf32>,
        %gather3A_628 = arith.constant 0 : i32
        %gather3A_629 = arith.constant 0 : i32
        %gather3A_630 = tpu.memref_slice %arg13[%scan3A_93, %gather3A_628, %gather3A_629] : memref<2x128x64xf32, #tpu.memory_space<vmem>> -> memref<1x128x64xf32, #tpu.memory_space<vmem>>
        %gather3A_631 = tpu.memref_squeeze %gather3A_630 : memref<1x128x64xf32, #tpu.memory_space<vmem>> -> memref<128x64xf32, #tpu.memory_space<vmem>>
        %gather3A_632 = tpu.vector_load_idx %gather3A_631[%add3A_284, %add3A_617] : memref<128x64xf32, #tpu.memory_space<vmem>>[vector<16xi32>, vector<16xi32>], vector<16xf32>,
        %add3A_633 = arith.addf %gather3A_622, %gather3A_627 : vector<16xf32>
        %add3A_634 = arith.addf %gather3A_622, %gather3A_632 : vector<16xf32>
        %mul3A_635 = arith.mulf %add3A_633, %add3A_634 : vector<16xf32>
        %add3A_636 = arith.constant 12 : i32
        %add3A_637 = vector.broadcast %add3A_636 : i32 to vector<16xi32>
        %add3A_638 = arith.addi %iota3A, %add3A_637 : vector<16xi32>
        %and3A_639 = arith.constant 15 : i32
        %and3A_640 = vector.broadcast %and3A_639 : i32 to vector<16xi32>
        %and3A_641 = arith.andi %add3A_638, %and3A_640 : vector<16xi32>
        %mul3A_642 = arith.constant 16 : i32
        %mul3A_643 = arith.muli %scan3A_300, %mul3A_642 : i32
        %add3A_644 = vector.broadcast %mul3A_643 : i32 to vector<16xi32>
        %add3A_645 = arith.addi %and3A_641, %add3A_644 : vector<16xi32>
        %gather3A_646 = arith.constant 0 : i32
        %gather3A_647 = arith.constant 0 : i32
        %gather3A_648 = tpu.memref_slice %arg11[%scan3A_91, %gather3A_646, %gather3A_647] : memref<2x128x64xf32, #tpu.memory_space<vmem>> -> memref<1x128x64xf32, #tpu.memory_space<vmem>>
        %gather3A_649 = tpu.memref_squeeze %gather3A_648 : memref<1x128x64xf32, #tpu.memory_space<vmem>> -> memref<128x64xf32, #tpu.memory_space<vmem>>
        %gather3A_650 = tpu.vector_load_idx %gather3A_649[%add3A_284, %add3A_645] : memref<128x64xf32, #tpu.memory_space<vmem>>[vector<16xi32>, vector<16xi32>], vector<16xf32>,
        %gather3A_651 = arith.constant 0 : i32
        %gather3A_652 = arith.constant 0 : i32
        %gather3A_653 = tpu.memref_slice %arg12[%scan3A_92, %gather3A_651, %gather3A_652] : memref<2x128x64xf32, #tpu.memory_space<vmem>> -> memref<1x128x64xf32, #tpu.memory_space<vmem>>
        %gather3A_654 = tpu.memref_squeeze %gather3A_653 : memref<1x128x64xf32, #tpu.memory_space<vmem>> -> memref<128x64xf32, #tpu.memory_space<vmem>>
        %gather3A_655 = tpu.vector_load_idx %gather3A_654[%add3A_284, %add3A_645] : memref<128x64xf32, #tpu.memory_space<vmem>>[vector<16xi32>, vector<16xi32>], vector<16xf32>,
        %gather3A_656 = arith.constant 0 : i32
        %gather3A_657 = arith.constant 0 : i32
        %gather3A_658 = tpu.memref_slice %arg13[%scan3A_93, %gather3A_656, %gather3A_657] : memref<2x128x64xf32, #tpu.memory_space<vmem>> -> memref<1x128x64xf32, #tpu.memory_space<vmem>>
        %gather3A_659 = tpu.memref_squeeze %gather3A_658 : memref<1x128x64xf32, #tpu.memory_space<vmem>> -> memref<128x64xf32, #tpu.memory_space<vmem>>
        %gather3A_660 = tpu.vector_load_idx %gather3A_659[%add3A_284, %add3A_645] : memref<128x64xf32, #tpu.memory_space<vmem>>[vector<16xi32>, vector<16xi32>], vector<16xf32>,
        %add3A_661 = arith.addf %gather3A_650, %gather3A_655 : vector<16xf32>
        %add3A_662 = arith.addf %gather3A_650, %gather3A_660 : vector<16xf32>
        %mul3A_663 = arith.mulf %add3A_661, %add3A_662 : vector<16xf32>
        %add3A_664 = arith.constant 13 : i32
        %add3A_665 = vector.broadcast %add3A_664 : i32 to vector<16xi32>
        %add3A_666 = arith.addi %iota3A, %add3A_665 : vector<16xi32>
        %and3A_667 = arith.constant 15 : i32
        %and3A_668 = vector.broadcast %and3A_667 : i32 to vector<16xi32>
        %and3A_669 = arith.andi %add3A_666, %and3A_668 : vector<16xi32>
        %mul3A_670 = arith.constant 16 : i32
        %mul3A_671 = arith.muli %scan3A_300, %mul3A_670 : i32
        %add3A_672 = vector.broadcast %mul3A_671 : i32 to vector<16xi32>
        %add3A_673 = arith.addi %and3A_669, %add3A_672 : vector<16xi32>
        %gather3A_674 = arith.constant 0 : i32
        %gather3A_675 = arith.constant 0 : i32
        %gather3A_676 = tpu.memref_slice %arg11[%scan3A_91, %gather3A_674, %gather3A_675] : memref<2x128x64xf32, #tpu.memory_space<vmem>> -> memref<1x128x64xf32, #tpu.memory_space<vmem>>
        %gather3A_677 = tpu.memref_squeeze %gather3A_676 : memref<1x128x64xf32, #tpu.memory_space<vmem>> -> memref<128x64xf32, #tpu.memory_space<vmem>>
        %gather3A_678 = tpu.vector_load_idx %gather3A_677[%add3A_284, %add3A_673] : memref<128x64xf32, #tpu.memory_space<vmem>>[vector<16xi32>, vector<16xi32>], vector<16xf32>,
        %gather3A_679 = arith.constant 0 : i32
        %gather3A_680 = arith.constant 0 : i32
        %gather3A_681 = tpu.memref_slice %arg12[%scan3A_92, %gather3A_679, %gather3A_680] : memref<2x128x64xf32, #tpu.memory_space<vmem>> -> memref<1x128x64xf32, #tpu.memory_space<vmem>>
        %gather3A_682 = tpu.memref_squeeze %gather3A_681 : memref<1x128x64xf32, #tpu.memory_space<vmem>> -> memref<128x64xf32, #tpu.memory_space<vmem>>
        %gather3A_683 = tpu.vector_load_idx %gather3A_682[%add3A_284, %add3A_673] : memref<128x64xf32, #tpu.memory_space<vmem>>[vector<16xi32>, vector<16xi32>], vector<16xf32>,
        %gather3A_684 = arith.constant 0 : i32
        %gather3A_685 = arith.constant 0 : i32
        %gather3A_686 = tpu.memref_slice %arg13[%scan3A_93, %gather3A_684, %gather3A_685] : memref<2x128x64xf32, #tpu.memory_space<vmem>> -> memref<1x128x64xf32, #tpu.memory_space<vmem>>
        %gather3A_687 = tpu.memref_squeeze %gather3A_686 : memref<1x128x64xf32, #tpu.memory_space<vmem>> -> memref<128x64xf32, #tpu.memory_space<vmem>>
        %gather3A_688 = tpu.vector_load_idx %gather3A_687[%add3A_284, %add3A_673] : memref<128x64xf32, #tpu.memory_space<vmem>>[vector<16xi32>, vector<16xi32>], vector<16xf32>,
        %add3A_689 = arith.addf %gather3A_678, %gather3A_683 : vector<16xf32>
        %add3A_690 = arith.addf %gather3A_678, %gather3A_688 : vector<16xf32>
        %mul3A_691 = arith.mulf %add3A_689, %add3A_690 : vector<16xf32>
        %add3A_692 = arith.constant 14 : i32
        %add3A_693 = vector.broadcast %add3A_692 : i32 to vector<16xi32>
        %add3A_694 = arith.addi %iota3A, %add3A_693 : vector<16xi32>
        %and3A_695 = arith.constant 15 : i32
        %and3A_696 = vector.broadcast %and3A_695 : i32 to vector<16xi32>
        %and3A_697 = arith.andi %add3A_694, %and3A_696 : vector<16xi32>
        %mul3A_698 = arith.constant 16 : i32
        %mul3A_699 = arith.muli %scan3A_300, %mul3A_698 : i32
        %add3A_700 = vector.broadcast %mul3A_699 : i32 to vector<16xi32>
        %add3A_701 = arith.addi %and3A_697, %add3A_700 : vector<16xi32>
        %gather3A_702 = arith.constant 0 : i32
        %gather3A_703 = arith.constant 0 : i32
        %gather3A_704 = tpu.memref_slice %arg11[%scan3A_91, %gather3A_702, %gather3A_703] : memref<2x128x64xf32, #tpu.memory_space<vmem>> -> memref<1x128x64xf32, #tpu.memory_space<vmem>>
        %gather3A_705 = tpu.memref_squeeze %gather3A_704 : memref<1x128x64xf32, #tpu.memory_space<vmem>> -> memref<128x64xf32, #tpu.memory_space<vmem>>
        %gather3A_706 = tpu.vector_load_idx %gather3A_705[%add3A_284, %add3A_701] : memref<128x64xf32, #tpu.memory_space<vmem>>[vector<16xi32>, vector<16xi32>], vector<16xf32>,
        %gather3A_707 = arith.constant 0 : i32
        %gather3A_708 = arith.constant 0 : i32
        %gather3A_709 = tpu.memref_slice %arg12[%scan3A_92, %gather3A_707, %gather3A_708] : memref<2x128x64xf32, #tpu.memory_space<vmem>> -> memref<1x128x64xf32, #tpu.memory_space<vmem>>
        %gather3A_710 = tpu.memref_squeeze %gather3A_709 : memref<1x128x64xf32, #tpu.memory_space<vmem>> -> memref<128x64xf32, #tpu.memory_space<vmem>>
        %gather3A_711 = tpu.vector_load_idx %gather3A_710[%add3A_284, %add3A_701] : memref<128x64xf32, #tpu.memory_space<vmem>>[vector<16xi32>, vector<16xi32>], vector<16xf32>,
        %gather3A_712 = arith.constant 0 : i32
        %gather3A_713 = arith.constant 0 : i32
        %gather3A_714 = tpu.memref_slice %arg13[%scan3A_93, %gather3A_712, %gather3A_713] : memref<2x128x64xf32, #tpu.memory_space<vmem>> -> memref<1x128x64xf32, #tpu.memory_space<vmem>>
        %gather3A_715 = tpu.memref_squeeze %gather3A_714 : memref<1x128x64xf32, #tpu.memory_space<vmem>> -> memref<128x64xf32, #tpu.memory_space<vmem>>
        %gather3A_716 = tpu.vector_load_idx %gather3A_715[%add3A_284, %add3A_701] : memref<128x64xf32, #tpu.memory_space<vmem>>[vector<16xi32>, vector<16xi32>], vector<16xf32>,
        %add3A_717 = arith.addf %gather3A_706, %gather3A_711 : vector<16xf32>
        %add3A_718 = arith.addf %gather3A_706, %gather3A_716 : vector<16xf32>
        %mul3A_719 = arith.mulf %add3A_717, %add3A_718 : vector<16xf32>
        %add3A_720 = arith.constant 15 : i32
        %add3A_721 = vector.broadcast %add3A_720 : i32 to vector<16xi32>
        %add3A_722 = arith.addi %iota3A, %add3A_721 : vector<16xi32>
        %and3A_723 = arith.constant 15 : i32
        %and3A_724 = vector.broadcast %and3A_723 : i32 to vector<16xi32>
        %and3A_725 = arith.andi %add3A_722, %and3A_724 : vector<16xi32>
        %mul3A_726 = arith.constant 16 : i32
        %mul3A_727 = arith.muli %scan3A_300, %mul3A_726 : i32
        %add3A_728 = vector.broadcast %mul3A_727 : i32 to vector<16xi32>
        %add3A_729 = arith.addi %and3A_725, %add3A_728 : vector<16xi32>
        %gather3A_730 = arith.constant 0 : i32
        %gather3A_731 = arith.constant 0 : i32
        %gather3A_732 = tpu.memref_slice %arg11[%scan3A_91, %gather3A_730, %gather3A_731] : memref<2x128x64xf32, #tpu.memory_space<vmem>> -> memref<1x128x64xf32, #tpu.memory_space<vmem>>
        %gather3A_733 = tpu.memref_squeeze %gather3A_732 : memref<1x128x64xf32, #tpu.memory_space<vmem>> -> memref<128x64xf32, #tpu.memory_space<vmem>>
        %gather3A_734 = tpu.vector_load_idx %gather3A_733[%add3A_284, %add3A_729] : memref<128x64xf32, #tpu.memory_space<vmem>>[vector<16xi32>, vector<16xi32>], vector<16xf32>,
        %gather3A_735 = arith.constant 0 : i32
        %gather3A_736 = arith.constant 0 : i32
        %gather3A_737 = tpu.memref_slice %arg12[%scan3A_92, %gather3A_735, %gather3A_736] : memref<2x128x64xf32, #tpu.memory_space<vmem>> -> memref<1x128x64xf32, #tpu.memory_space<vmem>>
        %gather3A_738 = tpu.memref_squeeze %gather3A_737 : memref<1x128x64xf32, #tpu.memory_space<vmem>> -> memref<128x64xf32, #tpu.memory_space<vmem>>
        %gather3A_739 = tpu.vector_load_idx %gather3A_738[%add3A_284, %add3A_729] : memref<128x64xf32, #tpu.memory_space<vmem>>[vector<16xi32>, vector<16xi32>], vector<16xf32>,
        %gather3A_740 = arith.constant 0 : i32
        %gather3A_741 = arith.constant 0 : i32
        %gather3A_742 = tpu.memref_slice %arg13[%scan3A_93, %gather3A_740, %gather3A_741] : memref<2x128x64xf32, #tpu.memory_space<vmem>> -> memref<1x128x64xf32, #tpu.memory_space<vmem>>
        %gather3A_743 = tpu.memref_squeeze %gather3A_742 : memref<1x128x64xf32, #tpu.memory_space<vmem>> -> memref<128x64xf32, #tpu.memory_space<vmem>>
        %gather3A_744 = tpu.vector_load_idx %gather3A_743[%add3A_284, %add3A_729] : memref<128x64xf32, #tpu.memory_space<vmem>>[vector<16xi32>, vector<16xi32>], vector<16xf32>,
        %add3A_745 = arith.addf %gather3A_734, %gather3A_739 : vector<16xf32>
        %add3A_746 = arith.addf %gather3A_734, %gather3A_744 : vector<16xf32>
        %mul3A_747 = arith.mulf %add3A_745, %add3A_746 : vector<16xf32>
        %add3A_748 = arith.addf %mul3A_327, %mul3A_355 : vector<16xf32>
        %add3A_749 = arith.addf %mul3A_383, %mul3A_411 : vector<16xf32>
        %add3A_750 = arith.addf %add3A_748, %add3A_749 : vector<16xf32>
        %add3A_751 = arith.addf %mul3A_439, %mul3A_467 : vector<16xf32>
        %add3A_752 = arith.addf %mul3A_495, %mul3A_523 : vector<16xf32>
        %add3A_753 = arith.addf %add3A_751, %add3A_752 : vector<16xf32>
        %add3A_754 = arith.addf %mul3A_551, %mul3A_579 : vector<16xf32>
        %add3A_755 = arith.addf %mul3A_607, %mul3A_635 : vector<16xf32>
        %add3A_756 = arith.addf %add3A_754, %add3A_755 : vector<16xf32>
        %add3A_757 = arith.addf %mul3A_663, %mul3A_691 : vector<16xf32>
        %add3A_758 = arith.addf %mul3A_719, %mul3A_747 : vector<16xf32>
        %add3A_759 = arith.addf %add3A_757, %add3A_758 : vector<16xf32>
        %add3A_760 = arith.addf %add3A_750, %add3A_753 : vector<16xf32>
        %add3A_761 = arith.addf %add3A_756, %add3A_759 : vector<16xf32>
        %add3A_762 = arith.addf %add3A_760, %add3A_761 : vector<16xf32>
        %add3A_763 = arith.addf %scan3A_301, %add3A_762 : vector<16xf32>
        scf.yield %add3A_763 : vector<16xf32>
      }
      %scan3A_291 = arith.constant 4 : i32
      %neg3A = arith.constant 0.000000e+00 : f32
      %neg3A_292 = vector.broadcast %neg3A : f32 to vector<16xf32>
      %neg3A_293 = arith.subf %neg3A_292, %scan3A_290 : vector<16xf32>
      %exp3A = math.exp %neg3A_293 : vector<16xf32>
      %add3A_294 = arith.constant 1.000000e+00 : f32
      %add3A_295 = vector.broadcast %add3A_294 : f32 to vector<16xf32>
      %add3A_296 = arith.addf %add3A_295, %exp3A : vector<16xf32>
      %div3A = arith.constant 1.000000e+00 : f32
      %div3A_297 = vector.broadcast %div3A : f32 to vector<16xf32>
      %div3A_298 = arith.divf %div3A_297, %add3A_296 : vector<16xf32>
      %swap3A = arith.index_cast %add3A_280 : i32 to index
      %swap3A_299 = tpu.vector_load %arg14[%swap3A] {strides = array<i32>} : memref<512xf32, #tpu.memory_space<vmem>>, vector<16xf32>,
      tpu.vector_store %arg14[%swap3A], %div3A_298 {strides = array<i32>} : memref<512xf32, #tpu.memory_space<vmem>>, vector<16xf32>,
    }
    %scan3A_98 = arith.constant 8 : i32
    %dma_start3A_99 = arith.constant 0 : i32
    %dma_start3A_100 = arith.constant 0 : i32
    %dma_start3A_101 = arith.constant 0 : i32
    %dma_start3A_102 = tpu.memref_slice %arg11[%dma_start3A_99, %dma_start3A_100, %dma_start3A_101] : memref<2x128x64xf32, #tpu.memory_space<vmem>> -> memref<1x128x64xf32, #tpu.memory_space<vmem>>
    %dma_start3A_103 = tpu.memref_squeeze %dma_start3A_102 : memref<1x128x64xf32, #tpu.memory_space<vmem>> -> memref<128x64xf32, #tpu.memory_space<vmem>>
    %dma_start3A_104 = arith.constant 256 : i32
    %dma_start3A_105 = tpu.memref_slice %arg8[%dma_start3A_104] : memref<512xi32, #tpu.memory_space<vmem>> -> memref<128xi32, #tpu.memory_space<vmem>>
    %dma_start3A_106 = arith.constant 0 : i32
    %dma_start3A_107 = arith.constant 0 : i32
    %dma_start3A_108 = tpu.memref_slice %arg5[%dma_start3A_106, %dma_start3A_107] : memref<100000x64xf32, #tpu.memory_space<hbm>> -> memref<100000x64xf32, #tpu.memory_space<hbm>>
    tpu.enqueue_indirect_dma source(%dma_start3A_108 : memref<100000x64xf32, #tpu.memory_space<hbm>>) target(%dma_start3A_103 : memref<128x64xf32, #tpu.memory_space<vmem>>) offsets(%dma_start3A_105 : memref<128xi32, #tpu.memory_space<vmem>>) semaphore(%arg15 : memref<!tpu.dma_semaphore, #tpu.memory_space<semaphore_mem>>)
    %dma_start3A_109 = arith.constant 0 : i32
    %dma_start3A_110 = arith.constant 0 : i32
    %dma_start3A_111 = arith.constant 0 : i32
    %dma_start3A_112 = tpu.memref_slice %arg12[%dma_start3A_109, %dma_start3A_110, %dma_start3A_111] : memref<2x128x64xf32, #tpu.memory_space<vmem>> -> memref<1x128x64xf32, #tpu.memory_space<vmem>>
    %dma_start3A_113 = tpu.memref_squeeze %dma_start3A_112 : memref<1x128x64xf32, #tpu.memory_space<vmem>> -> memref<128x64xf32, #tpu.memory_space<vmem>>
    %dma_start3A_114 = arith.constant 256 : i32
    %dma_start3A_115 = tpu.memref_slice %arg9[%dma_start3A_114] : memref<512xi32, #tpu.memory_space<vmem>> -> memref<128xi32, #tpu.memory_space<vmem>>
    %dma_start3A_116 = arith.constant 0 : i32
    %dma_start3A_117 = arith.constant 0 : i32
    %dma_start3A_118 = tpu.memref_slice %arg6[%dma_start3A_116, %dma_start3A_117] : memref<1000000x64xf32, #tpu.memory_space<hbm>> -> memref<1000000x64xf32, #tpu.memory_space<hbm>>
    tpu.enqueue_indirect_dma source(%dma_start3A_118 : memref<1000000x64xf32, #tpu.memory_space<hbm>>) target(%dma_start3A_113 : memref<128x64xf32, #tpu.memory_space<vmem>>) offsets(%dma_start3A_115 : memref<128xi32, #tpu.memory_space<vmem>>) semaphore(%arg15 : memref<!tpu.dma_semaphore, #tpu.memory_space<semaphore_mem>>)
    %dma_start3A_119 = arith.constant 0 : i32
    %dma_start3A_120 = arith.constant 0 : i32
    %dma_start3A_121 = arith.constant 0 : i32
    %dma_start3A_122 = tpu.memref_slice %arg13[%dma_start3A_119, %dma_start3A_120, %dma_start3A_121] : memref<2x128x64xf32, #tpu.memory_space<vmem>> -> memref<1x128x64xf32, #tpu.memory_space<vmem>>
    %dma_start3A_123 = tpu.memref_squeeze %dma_start3A_122 : memref<1x128x64xf32, #tpu.memory_space<vmem>> -> memref<128x64xf32, #tpu.memory_space<vmem>>
    %dma_start3A_124 = arith.constant 256 : i32
    %dma_start3A_125 = tpu.memref_slice %arg10[%dma_start3A_124] : memref<512xi32, #tpu.memory_space<vmem>> -> memref<128xi32, #tpu.memory_space<vmem>>
    %dma_start3A_126 = arith.constant 0 : i32
    %dma_start3A_127 = arith.constant 0 : i32
    %dma_start3A_128 = tpu.memref_slice %arg6[%dma_start3A_126, %dma_start3A_127] : memref<1000000x64xf32, #tpu.memory_space<hbm>> -> memref<1000000x64xf32, #tpu.memory_space<hbm>>
    tpu.enqueue_indirect_dma source(%dma_start3A_128 : memref<1000000x64xf32, #tpu.memory_space<hbm>>) target(%dma_start3A_123 : memref<128x64xf32, #tpu.memory_space<vmem>>) offsets(%dma_start3A_125 : memref<128xi32, #tpu.memory_space<vmem>>) semaphore(%arg15 : memref<!tpu.dma_semaphore, #tpu.memory_space<semaphore_mem>>)
    %dma_wait3A_129 = arith.constant 1 : i32
    %dma_wait3A_130 = arith.constant 0 : i32
    %dma_wait3A_131 = arith.constant 0 : i32
    %dma_wait3A_132 = tpu.memref_slice %arg11[%dma_wait3A_129, %dma_wait3A_130, %dma_wait3A_131] : memref<2x128x64xf32, #tpu.memory_space<vmem>> -> memref<1x128x64xf32, #tpu.memory_space<vmem>>
    %dma_wait3A_133 = tpu.memref_squeeze %dma_wait3A_132 : memref<1x128x64xf32, #tpu.memory_space<vmem>> -> memref<128x64xf32, #tpu.memory_space<vmem>>
    %dma_wait3A_134 = arith.constant 128 : i32
    %dma_wait3A_135 = tpu.memref_slice %arg8[%dma_wait3A_134] : memref<512xi32, #tpu.memory_space<vmem>> -> memref<128xi32, #tpu.memory_space<vmem>>
    %dma_wait3A_136 = arith.constant 0 : i32
    %dma_wait3A_137 = arith.constant 0 : i32
    %dma_wait3A_138 = tpu.memref_slice %arg5[%dma_wait3A_136, %dma_wait3A_137] : memref<100000x64xf32, #tpu.memory_space<hbm>> -> memref<100000x64xf32, #tpu.memory_space<hbm>>
    tpu.wait_indirect_dma semaphore(%arg16 : memref<!tpu.dma_semaphore, #tpu.memory_space<semaphore_mem>>) src(%dma_wait3A_138 : memref<100000x64xf32, #tpu.memory_space<hbm>>) dst(%dma_wait3A_133 : memref<128x64xf32, #tpu.memory_space<vmem>>)
    %dma_wait3A_139 = arith.constant 1 : i32
    %dma_wait3A_140 = arith.constant 0 : i32
    %dma_wait3A_141 = arith.constant 0 : i32
    %dma_wait3A_142 = tpu.memref_slice %arg12[%dma_wait3A_139, %dma_wait3A_140, %dma_wait3A_141] : memref<2x128x64xf32, #tpu.memory_space<vmem>> -> memref<1x128x64xf32, #tpu.memory_space<vmem>>
    %dma_wait3A_143 = tpu.memref_squeeze %dma_wait3A_142 : memref<1x128x64xf32, #tpu.memory_space<vmem>> -> memref<128x64xf32, #tpu.memory_space<vmem>>
    %dma_wait3A_144 = arith.constant 128 : i32
    %dma_wait3A_145 = tpu.memref_slice %arg9[%dma_wait3A_144] : memref<512xi32, #tpu.memory_space<vmem>> -> memref<128xi32, #tpu.memory_space<vmem>>
    %dma_wait3A_146 = arith.constant 0 : i32
    %dma_wait3A_147 = arith.constant 0 : i32
    %dma_wait3A_148 = tpu.memref_slice %arg6[%dma_wait3A_146, %dma_wait3A_147] : memref<1000000x64xf32, #tpu.memory_space<hbm>> -> memref<1000000x64xf32, #tpu.memory_space<hbm>>
    tpu.wait_indirect_dma semaphore(%arg16 : memref<!tpu.dma_semaphore, #tpu.memory_space<semaphore_mem>>) src(%dma_wait3A_148 : memref<1000000x64xf32, #tpu.memory_space<hbm>>) dst(%dma_wait3A_143 : memref<128x64xf32, #tpu.memory_space<vmem>>)
    %dma_wait3A_149 = arith.constant 1 : i32
    %dma_wait3A_150 = arith.constant 0 : i32
    %dma_wait3A_151 = arith.constant 0 : i32
    %dma_wait3A_152 = tpu.memref_slice %arg13[%dma_wait3A_149, %dma_wait3A_150, %dma_wait3A_151] : memref<2x128x64xf32, #tpu.memory_space<vmem>> -> memref<1x128x64xf32, #tpu.memory_space<vmem>>
    %dma_wait3A_153 = tpu.memref_squeeze %dma_wait3A_152 : memref<1x128x64xf32, #tpu.memory_space<vmem>> -> memref<128x64xf32, #tpu.memory_space<vmem>>
    %dma_wait3A_154 = arith.constant 128 : i32
    %dma_wait3A_155 = tpu.memref_slice %arg10[%dma_wait3A_154] : memref<512xi32, #tpu.memory_space<vmem>> -> memref<128xi32, #tpu.memory_space<vmem>>
    %dma_wait3A_156 = arith.constant 0 : i32
    %dma_wait3A_157 = arith.constant 0 : i32
    %dma_wait3A_158 = tpu.memref_slice %arg6[%dma_wait3A_156, %dma_wait3A_157] : memref<1000000x64xf32, #tpu.memory_space<hbm>> -> memref<1000000x64xf32, #tpu.memory_space<hbm>>
    tpu.wait_indirect_dma semaphore(%arg16 : memref<!tpu.dma_semaphore, #tpu.memory_space<semaphore_mem>>) src(%dma_wait3A_158 : memref<1000000x64xf32, #tpu.memory_space<hbm>>) dst(%dma_wait3A_153 : memref<128x64xf32, #tpu.memory_space<vmem>>)
    %scan3A_159 = arith.constant 0 : i32
    %scan3A_160 = arith.constant 1 : i32
    %scan3A_161 = arith.constant 1 : i32
    %scan3A_162 = arith.constant 1 : i32
    %scan3A_163 = arith.constant 0 : i32
    %scan3A_164 = arith.constant 8 : i32
    %scan3A_165 = arith.addi %scan3A_163, %scan3A_164 : i32
    %scan3A_166 = arith.constant 1 : i32
    scf.for %scan3A_276 = %scan3A_163 to %scan3A_165 step %scan3A_166  : i32 {
      %mul3A_277 = arith.constant 16 : i32
      %mul3A_278 = arith.muli %scan3A_276, %mul3A_277 : i32
      %add3A_279 = arith.constant 128 : i32
      %add3A_280 = arith.addi %add3A_279, %mul3A_278 : i32
      %mul3A_281 = arith.constant 16 : i32
      %mul3A_282 = arith.muli %scan3A_276, %mul3A_281 : i32
      %add3A_283 = vector.broadcast %mul3A_282 : i32 to vector<16xi32>
      %add3A_284 = arith.addi %iota3A, %add3A_283 : vector<16xi32>
      %broadcast_in_dim3A = arith.constant 0.000000e+00 : f32
      %broadcast_in_dim3A_285 = vector.broadcast %broadcast_in_dim3A : f32 to vector<16xf32>
      %scan3A_286 = arith.constant 0 : i32
      %scan3A_287 = arith.constant 4 : i32
      %scan3A_288 = arith.addi %scan3A_286, %scan3A_287 : i32
      %scan3A_289 = arith.constant 1 : i32
      %scan3A_290 = scf.for %scan3A_300 = %scan3A_286 to %scan3A_288 step %scan3A_289 iter_args(%scan3A_301 = %broadcast_in_dim3A_285) -> (vector<16xf32>)  : i32 {
        %add3A_302 = arith.constant 0 : i32
        %add3A_303 = vector.broadcast %add3A_302 : i32 to vector<16xi32>
        %add3A_304 = arith.addi %iota3A, %add3A_303 : vector<16xi32>
        %and3A = arith.constant 15 : i32
        %and3A_305 = vector.broadcast %and3A : i32 to vector<16xi32>
        %and3A_306 = arith.andi %add3A_304, %and3A_305 : vector<16xi32>
        %mul3A_307 = arith.constant 16 : i32
        %mul3A_308 = arith.muli %scan3A_300, %mul3A_307 : i32
        %add3A_309 = vector.broadcast %mul3A_308 : i32 to vector<16xi32>
        %add3A_310 = arith.addi %and3A_306, %add3A_309 : vector<16xi32>
        %gather3A = arith.constant 0 : i32
        %gather3A_311 = arith.constant 0 : i32
        %gather3A_312 = tpu.memref_slice %arg11[%scan3A_160, %gather3A, %gather3A_311] : memref<2x128x64xf32, #tpu.memory_space<vmem>> -> memref<1x128x64xf32, #tpu.memory_space<vmem>>
        %gather3A_313 = tpu.memref_squeeze %gather3A_312 : memref<1x128x64xf32, #tpu.memory_space<vmem>> -> memref<128x64xf32, #tpu.memory_space<vmem>>
        %gather3A_314 = tpu.vector_load_idx %gather3A_313[%add3A_284, %add3A_310] : memref<128x64xf32, #tpu.memory_space<vmem>>[vector<16xi32>, vector<16xi32>], vector<16xf32>,
        %gather3A_315 = arith.constant 0 : i32
        %gather3A_316 = arith.constant 0 : i32
        %gather3A_317 = tpu.memref_slice %arg12[%scan3A_161, %gather3A_315, %gather3A_316] : memref<2x128x64xf32, #tpu.memory_space<vmem>> -> memref<1x128x64xf32, #tpu.memory_space<vmem>>
        %gather3A_318 = tpu.memref_squeeze %gather3A_317 : memref<1x128x64xf32, #tpu.memory_space<vmem>> -> memref<128x64xf32, #tpu.memory_space<vmem>>
        %gather3A_319 = tpu.vector_load_idx %gather3A_318[%add3A_284, %add3A_310] : memref<128x64xf32, #tpu.memory_space<vmem>>[vector<16xi32>, vector<16xi32>], vector<16xf32>,
        %gather3A_320 = arith.constant 0 : i32
        %gather3A_321 = arith.constant 0 : i32
        %gather3A_322 = tpu.memref_slice %arg13[%scan3A_162, %gather3A_320, %gather3A_321] : memref<2x128x64xf32, #tpu.memory_space<vmem>> -> memref<1x128x64xf32, #tpu.memory_space<vmem>>
        %gather3A_323 = tpu.memref_squeeze %gather3A_322 : memref<1x128x64xf32, #tpu.memory_space<vmem>> -> memref<128x64xf32, #tpu.memory_space<vmem>>
        %gather3A_324 = tpu.vector_load_idx %gather3A_323[%add3A_284, %add3A_310] : memref<128x64xf32, #tpu.memory_space<vmem>>[vector<16xi32>, vector<16xi32>], vector<16xf32>,
        %add3A_325 = arith.addf %gather3A_314, %gather3A_319 : vector<16xf32>
        %add3A_326 = arith.addf %gather3A_314, %gather3A_324 : vector<16xf32>
        %mul3A_327 = arith.mulf %add3A_325, %add3A_326 : vector<16xf32>
        %add3A_328 = arith.constant 1 : i32
        %add3A_329 = vector.broadcast %add3A_328 : i32 to vector<16xi32>
        %add3A_330 = arith.addi %iota3A, %add3A_329 : vector<16xi32>
        %and3A_331 = arith.constant 15 : i32
        %and3A_332 = vector.broadcast %and3A_331 : i32 to vector<16xi32>
        %and3A_333 = arith.andi %add3A_330, %and3A_332 : vector<16xi32>
        %mul3A_334 = arith.constant 16 : i32
        %mul3A_335 = arith.muli %scan3A_300, %mul3A_334 : i32
        %add3A_336 = vector.broadcast %mul3A_335 : i32 to vector<16xi32>
        %add3A_337 = arith.addi %and3A_333, %add3A_336 : vector<16xi32>
        %gather3A_338 = arith.constant 0 : i32
        %gather3A_339 = arith.constant 0 : i32
        %gather3A_340 = tpu.memref_slice %arg11[%scan3A_160, %gather3A_338, %gather3A_339] : memref<2x128x64xf32, #tpu.memory_space<vmem>> -> memref<1x128x64xf32, #tpu.memory_space<vmem>>
        %gather3A_341 = tpu.memref_squeeze %gather3A_340 : memref<1x128x64xf32, #tpu.memory_space<vmem>> -> memref<128x64xf32, #tpu.memory_space<vmem>>
        %gather3A_342 = tpu.vector_load_idx %gather3A_341[%add3A_284, %add3A_337] : memref<128x64xf32, #tpu.memory_space<vmem>>[vector<16xi32>, vector<16xi32>], vector<16xf32>,
        %gather3A_343 = arith.constant 0 : i32
        %gather3A_344 = arith.constant 0 : i32
        %gather3A_345 = tpu.memref_slice %arg12[%scan3A_161, %gather3A_343, %gather3A_344] : memref<2x128x64xf32, #tpu.memory_space<vmem>> -> memref<1x128x64xf32, #tpu.memory_space<vmem>>
        %gather3A_346 = tpu.memref_squeeze %gather3A_345 : memref<1x128x64xf32, #tpu.memory_space<vmem>> -> memref<128x64xf32, #tpu.memory_space<vmem>>
        %gather3A_347 = tpu.vector_load_idx %gather3A_346[%add3A_284, %add3A_337] : memref<128x64xf32, #tpu.memory_space<vmem>>[vector<16xi32>, vector<16xi32>], vector<16xf32>,
        %gather3A_348 = arith.constant 0 : i32
        %gather3A_349 = arith.constant 0 : i32
        %gather3A_350 = tpu.memref_slice %arg13[%scan3A_162, %gather3A_348, %gather3A_349] : memref<2x128x64xf32, #tpu.memory_space<vmem>> -> memref<1x128x64xf32, #tpu.memory_space<vmem>>
        %gather3A_351 = tpu.memref_squeeze %gather3A_350 : memref<1x128x64xf32, #tpu.memory_space<vmem>> -> memref<128x64xf32, #tpu.memory_space<vmem>>
        %gather3A_352 = tpu.vector_load_idx %gather3A_351[%add3A_284, %add3A_337] : memref<128x64xf32, #tpu.memory_space<vmem>>[vector<16xi32>, vector<16xi32>], vector<16xf32>,
        %add3A_353 = arith.addf %gather3A_342, %gather3A_347 : vector<16xf32>
        %add3A_354 = arith.addf %gather3A_342, %gather3A_352 : vector<16xf32>
        %mul3A_355 = arith.mulf %add3A_353, %add3A_354 : vector<16xf32>
        %add3A_356 = arith.constant 2 : i32
        %add3A_357 = vector.broadcast %add3A_356 : i32 to vector<16xi32>
        %add3A_358 = arith.addi %iota3A, %add3A_357 : vector<16xi32>
        %and3A_359 = arith.constant 15 : i32
        %and3A_360 = vector.broadcast %and3A_359 : i32 to vector<16xi32>
        %and3A_361 = arith.andi %add3A_358, %and3A_360 : vector<16xi32>
        %mul3A_362 = arith.constant 16 : i32
        %mul3A_363 = arith.muli %scan3A_300, %mul3A_362 : i32
        %add3A_364 = vector.broadcast %mul3A_363 : i32 to vector<16xi32>
        %add3A_365 = arith.addi %and3A_361, %add3A_364 : vector<16xi32>
        %gather3A_366 = arith.constant 0 : i32
        %gather3A_367 = arith.constant 0 : i32
        %gather3A_368 = tpu.memref_slice %arg11[%scan3A_160, %gather3A_366, %gather3A_367] : memref<2x128x64xf32, #tpu.memory_space<vmem>> -> memref<1x128x64xf32, #tpu.memory_space<vmem>>
        %gather3A_369 = tpu.memref_squeeze %gather3A_368 : memref<1x128x64xf32, #tpu.memory_space<vmem>> -> memref<128x64xf32, #tpu.memory_space<vmem>>
        %gather3A_370 = tpu.vector_load_idx %gather3A_369[%add3A_284, %add3A_365] : memref<128x64xf32, #tpu.memory_space<vmem>>[vector<16xi32>, vector<16xi32>], vector<16xf32>,
        %gather3A_371 = arith.constant 0 : i32
        %gather3A_372 = arith.constant 0 : i32
        %gather3A_373 = tpu.memref_slice %arg12[%scan3A_161, %gather3A_371, %gather3A_372] : memref<2x128x64xf32, #tpu.memory_space<vmem>> -> memref<1x128x64xf32, #tpu.memory_space<vmem>>
        %gather3A_374 = tpu.memref_squeeze %gather3A_373 : memref<1x128x64xf32, #tpu.memory_space<vmem>> -> memref<128x64xf32, #tpu.memory_space<vmem>>
        %gather3A_375 = tpu.vector_load_idx %gather3A_374[%add3A_284, %add3A_365] : memref<128x64xf32, #tpu.memory_space<vmem>>[vector<16xi32>, vector<16xi32>], vector<16xf32>,
        %gather3A_376 = arith.constant 0 : i32
        %gather3A_377 = arith.constant 0 : i32
        %gather3A_378 = tpu.memref_slice %arg13[%scan3A_162, %gather3A_376, %gather3A_377] : memref<2x128x64xf32, #tpu.memory_space<vmem>> -> memref<1x128x64xf32, #tpu.memory_space<vmem>>
        %gather3A_379 = tpu.memref_squeeze %gather3A_378 : memref<1x128x64xf32, #tpu.memory_space<vmem>> -> memref<128x64xf32, #tpu.memory_space<vmem>>
        %gather3A_380 = tpu.vector_load_idx %gather3A_379[%add3A_284, %add3A_365] : memref<128x64xf32, #tpu.memory_space<vmem>>[vector<16xi32>, vector<16xi32>], vector<16xf32>,
        %add3A_381 = arith.addf %gather3A_370, %gather3A_375 : vector<16xf32>
        %add3A_382 = arith.addf %gather3A_370, %gather3A_380 : vector<16xf32>
        %mul3A_383 = arith.mulf %add3A_381, %add3A_382 : vector<16xf32>
        %add3A_384 = arith.constant 3 : i32
        %add3A_385 = vector.broadcast %add3A_384 : i32 to vector<16xi32>
        %add3A_386 = arith.addi %iota3A, %add3A_385 : vector<16xi32>
        %and3A_387 = arith.constant 15 : i32
        %and3A_388 = vector.broadcast %and3A_387 : i32 to vector<16xi32>
        %and3A_389 = arith.andi %add3A_386, %and3A_388 : vector<16xi32>
        %mul3A_390 = arith.constant 16 : i32
        %mul3A_391 = arith.muli %scan3A_300, %mul3A_390 : i32
        %add3A_392 = vector.broadcast %mul3A_391 : i32 to vector<16xi32>
        %add3A_393 = arith.addi %and3A_389, %add3A_392 : vector<16xi32>
        %gather3A_394 = arith.constant 0 : i32
        %gather3A_395 = arith.constant 0 : i32
        %gather3A_396 = tpu.memref_slice %arg11[%scan3A_160, %gather3A_394, %gather3A_395] : memref<2x128x64xf32, #tpu.memory_space<vmem>> -> memref<1x128x64xf32, #tpu.memory_space<vmem>>
        %gather3A_397 = tpu.memref_squeeze %gather3A_396 : memref<1x128x64xf32, #tpu.memory_space<vmem>> -> memref<128x64xf32, #tpu.memory_space<vmem>>
        %gather3A_398 = tpu.vector_load_idx %gather3A_397[%add3A_284, %add3A_393] : memref<128x64xf32, #tpu.memory_space<vmem>>[vector<16xi32>, vector<16xi32>], vector<16xf32>,
        %gather3A_399 = arith.constant 0 : i32
        %gather3A_400 = arith.constant 0 : i32
        %gather3A_401 = tpu.memref_slice %arg12[%scan3A_161, %gather3A_399, %gather3A_400] : memref<2x128x64xf32, #tpu.memory_space<vmem>> -> memref<1x128x64xf32, #tpu.memory_space<vmem>>
        %gather3A_402 = tpu.memref_squeeze %gather3A_401 : memref<1x128x64xf32, #tpu.memory_space<vmem>> -> memref<128x64xf32, #tpu.memory_space<vmem>>
        %gather3A_403 = tpu.vector_load_idx %gather3A_402[%add3A_284, %add3A_393] : memref<128x64xf32, #tpu.memory_space<vmem>>[vector<16xi32>, vector<16xi32>], vector<16xf32>,
        %gather3A_404 = arith.constant 0 : i32
        %gather3A_405 = arith.constant 0 : i32
        %gather3A_406 = tpu.memref_slice %arg13[%scan3A_162, %gather3A_404, %gather3A_405] : memref<2x128x64xf32, #tpu.memory_space<vmem>> -> memref<1x128x64xf32, #tpu.memory_space<vmem>>
        %gather3A_407 = tpu.memref_squeeze %gather3A_406 : memref<1x128x64xf32, #tpu.memory_space<vmem>> -> memref<128x64xf32, #tpu.memory_space<vmem>>
        %gather3A_408 = tpu.vector_load_idx %gather3A_407[%add3A_284, %add3A_393] : memref<128x64xf32, #tpu.memory_space<vmem>>[vector<16xi32>, vector<16xi32>], vector<16xf32>,
        %add3A_409 = arith.addf %gather3A_398, %gather3A_403 : vector<16xf32>
        %add3A_410 = arith.addf %gather3A_398, %gather3A_408 : vector<16xf32>
        %mul3A_411 = arith.mulf %add3A_409, %add3A_410 : vector<16xf32>
        %add3A_412 = arith.constant 4 : i32
        %add3A_413 = vector.broadcast %add3A_412 : i32 to vector<16xi32>
        %add3A_414 = arith.addi %iota3A, %add3A_413 : vector<16xi32>
        %and3A_415 = arith.constant 15 : i32
        %and3A_416 = vector.broadcast %and3A_415 : i32 to vector<16xi32>
        %and3A_417 = arith.andi %add3A_414, %and3A_416 : vector<16xi32>
        %mul3A_418 = arith.constant 16 : i32
        %mul3A_419 = arith.muli %scan3A_300, %mul3A_418 : i32
        %add3A_420 = vector.broadcast %mul3A_419 : i32 to vector<16xi32>
        %add3A_421 = arith.addi %and3A_417, %add3A_420 : vector<16xi32>
        %gather3A_422 = arith.constant 0 : i32
        %gather3A_423 = arith.constant 0 : i32
        %gather3A_424 = tpu.memref_slice %arg11[%scan3A_160, %gather3A_422, %gather3A_423] : memref<2x128x64xf32, #tpu.memory_space<vmem>> -> memref<1x128x64xf32, #tpu.memory_space<vmem>>
        %gather3A_425 = tpu.memref_squeeze %gather3A_424 : memref<1x128x64xf32, #tpu.memory_space<vmem>> -> memref<128x64xf32, #tpu.memory_space<vmem>>
        %gather3A_426 = tpu.vector_load_idx %gather3A_425[%add3A_284, %add3A_421] : memref<128x64xf32, #tpu.memory_space<vmem>>[vector<16xi32>, vector<16xi32>], vector<16xf32>,
        %gather3A_427 = arith.constant 0 : i32
        %gather3A_428 = arith.constant 0 : i32
        %gather3A_429 = tpu.memref_slice %arg12[%scan3A_161, %gather3A_427, %gather3A_428] : memref<2x128x64xf32, #tpu.memory_space<vmem>> -> memref<1x128x64xf32, #tpu.memory_space<vmem>>
        %gather3A_430 = tpu.memref_squeeze %gather3A_429 : memref<1x128x64xf32, #tpu.memory_space<vmem>> -> memref<128x64xf32, #tpu.memory_space<vmem>>
        %gather3A_431 = tpu.vector_load_idx %gather3A_430[%add3A_284, %add3A_421] : memref<128x64xf32, #tpu.memory_space<vmem>>[vector<16xi32>, vector<16xi32>], vector<16xf32>,
        %gather3A_432 = arith.constant 0 : i32
        %gather3A_433 = arith.constant 0 : i32
        %gather3A_434 = tpu.memref_slice %arg13[%scan3A_162, %gather3A_432, %gather3A_433] : memref<2x128x64xf32, #tpu.memory_space<vmem>> -> memref<1x128x64xf32, #tpu.memory_space<vmem>>
        %gather3A_435 = tpu.memref_squeeze %gather3A_434 : memref<1x128x64xf32, #tpu.memory_space<vmem>> -> memref<128x64xf32, #tpu.memory_space<vmem>>
        %gather3A_436 = tpu.vector_load_idx %gather3A_435[%add3A_284, %add3A_421] : memref<128x64xf32, #tpu.memory_space<vmem>>[vector<16xi32>, vector<16xi32>], vector<16xf32>,
        %add3A_437 = arith.addf %gather3A_426, %gather3A_431 : vector<16xf32>
        %add3A_438 = arith.addf %gather3A_426, %gather3A_436 : vector<16xf32>
        %mul3A_439 = arith.mulf %add3A_437, %add3A_438 : vector<16xf32>
        %add3A_440 = arith.constant 5 : i32
        %add3A_441 = vector.broadcast %add3A_440 : i32 to vector<16xi32>
        %add3A_442 = arith.addi %iota3A, %add3A_441 : vector<16xi32>
        %and3A_443 = arith.constant 15 : i32
        %and3A_444 = vector.broadcast %and3A_443 : i32 to vector<16xi32>
        %and3A_445 = arith.andi %add3A_442, %and3A_444 : vector<16xi32>
        %mul3A_446 = arith.constant 16 : i32
        %mul3A_447 = arith.muli %scan3A_300, %mul3A_446 : i32
        %add3A_448 = vector.broadcast %mul3A_447 : i32 to vector<16xi32>
        %add3A_449 = arith.addi %and3A_445, %add3A_448 : vector<16xi32>
        %gather3A_450 = arith.constant 0 : i32
        %gather3A_451 = arith.constant 0 : i32
        %gather3A_452 = tpu.memref_slice %arg11[%scan3A_160, %gather3A_450, %gather3A_451] : memref<2x128x64xf32, #tpu.memory_space<vmem>> -> memref<1x128x64xf32, #tpu.memory_space<vmem>>
        %gather3A_453 = tpu.memref_squeeze %gather3A_452 : memref<1x128x64xf32, #tpu.memory_space<vmem>> -> memref<128x64xf32, #tpu.memory_space<vmem>>
        %gather3A_454 = tpu.vector_load_idx %gather3A_453[%add3A_284, %add3A_449] : memref<128x64xf32, #tpu.memory_space<vmem>>[vector<16xi32>, vector<16xi32>], vector<16xf32>,
        %gather3A_455 = arith.constant 0 : i32
        %gather3A_456 = arith.constant 0 : i32
        %gather3A_457 = tpu.memref_slice %arg12[%scan3A_161, %gather3A_455, %gather3A_456] : memref<2x128x64xf32, #tpu.memory_space<vmem>> -> memref<1x128x64xf32, #tpu.memory_space<vmem>>
        %gather3A_458 = tpu.memref_squeeze %gather3A_457 : memref<1x128x64xf32, #tpu.memory_space<vmem>> -> memref<128x64xf32, #tpu.memory_space<vmem>>
        %gather3A_459 = tpu.vector_load_idx %gather3A_458[%add3A_284, %add3A_449] : memref<128x64xf32, #tpu.memory_space<vmem>>[vector<16xi32>, vector<16xi32>], vector<16xf32>,
        %gather3A_460 = arith.constant 0 : i32
        %gather3A_461 = arith.constant 0 : i32
        %gather3A_462 = tpu.memref_slice %arg13[%scan3A_162, %gather3A_460, %gather3A_461] : memref<2x128x64xf32, #tpu.memory_space<vmem>> -> memref<1x128x64xf32, #tpu.memory_space<vmem>>
        %gather3A_463 = tpu.memref_squeeze %gather3A_462 : memref<1x128x64xf32, #tpu.memory_space<vmem>> -> memref<128x64xf32, #tpu.memory_space<vmem>>
        %gather3A_464 = tpu.vector_load_idx %gather3A_463[%add3A_284, %add3A_449] : memref<128x64xf32, #tpu.memory_space<vmem>>[vector<16xi32>, vector<16xi32>], vector<16xf32>,
        %add3A_465 = arith.addf %gather3A_454, %gather3A_459 : vector<16xf32>
        %add3A_466 = arith.addf %gather3A_454, %gather3A_464 : vector<16xf32>
        %mul3A_467 = arith.mulf %add3A_465, %add3A_466 : vector<16xf32>
        %add3A_468 = arith.constant 6 : i32
        %add3A_469 = vector.broadcast %add3A_468 : i32 to vector<16xi32>
        %add3A_470 = arith.addi %iota3A, %add3A_469 : vector<16xi32>
        %and3A_471 = arith.constant 15 : i32
        %and3A_472 = vector.broadcast %and3A_471 : i32 to vector<16xi32>
        %and3A_473 = arith.andi %add3A_470, %and3A_472 : vector<16xi32>
        %mul3A_474 = arith.constant 16 : i32
        %mul3A_475 = arith.muli %scan3A_300, %mul3A_474 : i32
        %add3A_476 = vector.broadcast %mul3A_475 : i32 to vector<16xi32>
        %add3A_477 = arith.addi %and3A_473, %add3A_476 : vector<16xi32>
        %gather3A_478 = arith.constant 0 : i32
        %gather3A_479 = arith.constant 0 : i32
        %gather3A_480 = tpu.memref_slice %arg11[%scan3A_160, %gather3A_478, %gather3A_479] : memref<2x128x64xf32, #tpu.memory_space<vmem>> -> memref<1x128x64xf32, #tpu.memory_space<vmem>>
        %gather3A_481 = tpu.memref_squeeze %gather3A_480 : memref<1x128x64xf32, #tpu.memory_space<vmem>> -> memref<128x64xf32, #tpu.memory_space<vmem>>
        %gather3A_482 = tpu.vector_load_idx %gather3A_481[%add3A_284, %add3A_477] : memref<128x64xf32, #tpu.memory_space<vmem>>[vector<16xi32>, vector<16xi32>], vector<16xf32>,
        %gather3A_483 = arith.constant 0 : i32
        %gather3A_484 = arith.constant 0 : i32
        %gather3A_485 = tpu.memref_slice %arg12[%scan3A_161, %gather3A_483, %gather3A_484] : memref<2x128x64xf32, #tpu.memory_space<vmem>> -> memref<1x128x64xf32, #tpu.memory_space<vmem>>
        %gather3A_486 = tpu.memref_squeeze %gather3A_485 : memref<1x128x64xf32, #tpu.memory_space<vmem>> -> memref<128x64xf32, #tpu.memory_space<vmem>>
        %gather3A_487 = tpu.vector_load_idx %gather3A_486[%add3A_284, %add3A_477] : memref<128x64xf32, #tpu.memory_space<vmem>>[vector<16xi32>, vector<16xi32>], vector<16xf32>,
        %gather3A_488 = arith.constant 0 : i32
        %gather3A_489 = arith.constant 0 : i32
        %gather3A_490 = tpu.memref_slice %arg13[%scan3A_162, %gather3A_488, %gather3A_489] : memref<2x128x64xf32, #tpu.memory_space<vmem>> -> memref<1x128x64xf32, #tpu.memory_space<vmem>>
        %gather3A_491 = tpu.memref_squeeze %gather3A_490 : memref<1x128x64xf32, #tpu.memory_space<vmem>> -> memref<128x64xf32, #tpu.memory_space<vmem>>
        %gather3A_492 = tpu.vector_load_idx %gather3A_491[%add3A_284, %add3A_477] : memref<128x64xf32, #tpu.memory_space<vmem>>[vector<16xi32>, vector<16xi32>], vector<16xf32>,
        %add3A_493 = arith.addf %gather3A_482, %gather3A_487 : vector<16xf32>
        %add3A_494 = arith.addf %gather3A_482, %gather3A_492 : vector<16xf32>
        %mul3A_495 = arith.mulf %add3A_493, %add3A_494 : vector<16xf32>
        %add3A_496 = arith.constant 7 : i32
        %add3A_497 = vector.broadcast %add3A_496 : i32 to vector<16xi32>
        %add3A_498 = arith.addi %iota3A, %add3A_497 : vector<16xi32>
        %and3A_499 = arith.constant 15 : i32
        %and3A_500 = vector.broadcast %and3A_499 : i32 to vector<16xi32>
        %and3A_501 = arith.andi %add3A_498, %and3A_500 : vector<16xi32>
        %mul3A_502 = arith.constant 16 : i32
        %mul3A_503 = arith.muli %scan3A_300, %mul3A_502 : i32
        %add3A_504 = vector.broadcast %mul3A_503 : i32 to vector<16xi32>
        %add3A_505 = arith.addi %and3A_501, %add3A_504 : vector<16xi32>
        %gather3A_506 = arith.constant 0 : i32
        %gather3A_507 = arith.constant 0 : i32
        %gather3A_508 = tpu.memref_slice %arg11[%scan3A_160, %gather3A_506, %gather3A_507] : memref<2x128x64xf32, #tpu.memory_space<vmem>> -> memref<1x128x64xf32, #tpu.memory_space<vmem>>
        %gather3A_509 = tpu.memref_squeeze %gather3A_508 : memref<1x128x64xf32, #tpu.memory_space<vmem>> -> memref<128x64xf32, #tpu.memory_space<vmem>>
        %gather3A_510 = tpu.vector_load_idx %gather3A_509[%add3A_284, %add3A_505] : memref<128x64xf32, #tpu.memory_space<vmem>>[vector<16xi32>, vector<16xi32>], vector<16xf32>,
        %gather3A_511 = arith.constant 0 : i32
        %gather3A_512 = arith.constant 0 : i32
        %gather3A_513 = tpu.memref_slice %arg12[%scan3A_161, %gather3A_511, %gather3A_512] : memref<2x128x64xf32, #tpu.memory_space<vmem>> -> memref<1x128x64xf32, #tpu.memory_space<vmem>>
        %gather3A_514 = tpu.memref_squeeze %gather3A_513 : memref<1x128x64xf32, #tpu.memory_space<vmem>> -> memref<128x64xf32, #tpu.memory_space<vmem>>
        %gather3A_515 = tpu.vector_load_idx %gather3A_514[%add3A_284, %add3A_505] : memref<128x64xf32, #tpu.memory_space<vmem>>[vector<16xi32>, vector<16xi32>], vector<16xf32>,
        %gather3A_516 = arith.constant 0 : i32
        %gather3A_517 = arith.constant 0 : i32
        %gather3A_518 = tpu.memref_slice %arg13[%scan3A_162, %gather3A_516, %gather3A_517] : memref<2x128x64xf32, #tpu.memory_space<vmem>> -> memref<1x128x64xf32, #tpu.memory_space<vmem>>
        %gather3A_519 = tpu.memref_squeeze %gather3A_518 : memref<1x128x64xf32, #tpu.memory_space<vmem>> -> memref<128x64xf32, #tpu.memory_space<vmem>>
        %gather3A_520 = tpu.vector_load_idx %gather3A_519[%add3A_284, %add3A_505] : memref<128x64xf32, #tpu.memory_space<vmem>>[vector<16xi32>, vector<16xi32>], vector<16xf32>,
        %add3A_521 = arith.addf %gather3A_510, %gather3A_515 : vector<16xf32>
        %add3A_522 = arith.addf %gather3A_510, %gather3A_520 : vector<16xf32>
        %mul3A_523 = arith.mulf %add3A_521, %add3A_522 : vector<16xf32>
        %add3A_524 = arith.constant 8 : i32
        %add3A_525 = vector.broadcast %add3A_524 : i32 to vector<16xi32>
        %add3A_526 = arith.addi %iota3A, %add3A_525 : vector<16xi32>
        %and3A_527 = arith.constant 15 : i32
        %and3A_528 = vector.broadcast %and3A_527 : i32 to vector<16xi32>
        %and3A_529 = arith.andi %add3A_526, %and3A_528 : vector<16xi32>
        %mul3A_530 = arith.constant 16 : i32
        %mul3A_531 = arith.muli %scan3A_300, %mul3A_530 : i32
        %add3A_532 = vector.broadcast %mul3A_531 : i32 to vector<16xi32>
        %add3A_533 = arith.addi %and3A_529, %add3A_532 : vector<16xi32>
        %gather3A_534 = arith.constant 0 : i32
        %gather3A_535 = arith.constant 0 : i32
        %gather3A_536 = tpu.memref_slice %arg11[%scan3A_160, %gather3A_534, %gather3A_535] : memref<2x128x64xf32, #tpu.memory_space<vmem>> -> memref<1x128x64xf32, #tpu.memory_space<vmem>>
        %gather3A_537 = tpu.memref_squeeze %gather3A_536 : memref<1x128x64xf32, #tpu.memory_space<vmem>> -> memref<128x64xf32, #tpu.memory_space<vmem>>
        %gather3A_538 = tpu.vector_load_idx %gather3A_537[%add3A_284, %add3A_533] : memref<128x64xf32, #tpu.memory_space<vmem>>[vector<16xi32>, vector<16xi32>], vector<16xf32>,
        %gather3A_539 = arith.constant 0 : i32
        %gather3A_540 = arith.constant 0 : i32
        %gather3A_541 = tpu.memref_slice %arg12[%scan3A_161, %gather3A_539, %gather3A_540] : memref<2x128x64xf32, #tpu.memory_space<vmem>> -> memref<1x128x64xf32, #tpu.memory_space<vmem>>
        %gather3A_542 = tpu.memref_squeeze %gather3A_541 : memref<1x128x64xf32, #tpu.memory_space<vmem>> -> memref<128x64xf32, #tpu.memory_space<vmem>>
        %gather3A_543 = tpu.vector_load_idx %gather3A_542[%add3A_284, %add3A_533] : memref<128x64xf32, #tpu.memory_space<vmem>>[vector<16xi32>, vector<16xi32>], vector<16xf32>,
        %gather3A_544 = arith.constant 0 : i32
        %gather3A_545 = arith.constant 0 : i32
        %gather3A_546 = tpu.memref_slice %arg13[%scan3A_162, %gather3A_544, %gather3A_545] : memref<2x128x64xf32, #tpu.memory_space<vmem>> -> memref<1x128x64xf32, #tpu.memory_space<vmem>>
        %gather3A_547 = tpu.memref_squeeze %gather3A_546 : memref<1x128x64xf32, #tpu.memory_space<vmem>> -> memref<128x64xf32, #tpu.memory_space<vmem>>
        %gather3A_548 = tpu.vector_load_idx %gather3A_547[%add3A_284, %add3A_533] : memref<128x64xf32, #tpu.memory_space<vmem>>[vector<16xi32>, vector<16xi32>], vector<16xf32>,
        %add3A_549 = arith.addf %gather3A_538, %gather3A_543 : vector<16xf32>
        %add3A_550 = arith.addf %gather3A_538, %gather3A_548 : vector<16xf32>
        %mul3A_551 = arith.mulf %add3A_549, %add3A_550 : vector<16xf32>
        %add3A_552 = arith.constant 9 : i32
        %add3A_553 = vector.broadcast %add3A_552 : i32 to vector<16xi32>
        %add3A_554 = arith.addi %iota3A, %add3A_553 : vector<16xi32>
        %and3A_555 = arith.constant 15 : i32
        %and3A_556 = vector.broadcast %and3A_555 : i32 to vector<16xi32>
        %and3A_557 = arith.andi %add3A_554, %and3A_556 : vector<16xi32>
        %mul3A_558 = arith.constant 16 : i32
        %mul3A_559 = arith.muli %scan3A_300, %mul3A_558 : i32
        %add3A_560 = vector.broadcast %mul3A_559 : i32 to vector<16xi32>
        %add3A_561 = arith.addi %and3A_557, %add3A_560 : vector<16xi32>
        %gather3A_562 = arith.constant 0 : i32
        %gather3A_563 = arith.constant 0 : i32
        %gather3A_564 = tpu.memref_slice %arg11[%scan3A_160, %gather3A_562, %gather3A_563] : memref<2x128x64xf32, #tpu.memory_space<vmem>> -> memref<1x128x64xf32, #tpu.memory_space<vmem>>
        %gather3A_565 = tpu.memref_squeeze %gather3A_564 : memref<1x128x64xf32, #tpu.memory_space<vmem>> -> memref<128x64xf32, #tpu.memory_space<vmem>>
        %gather3A_566 = tpu.vector_load_idx %gather3A_565[%add3A_284, %add3A_561] : memref<128x64xf32, #tpu.memory_space<vmem>>[vector<16xi32>, vector<16xi32>], vector<16xf32>,
        %gather3A_567 = arith.constant 0 : i32
        %gather3A_568 = arith.constant 0 : i32
        %gather3A_569 = tpu.memref_slice %arg12[%scan3A_161, %gather3A_567, %gather3A_568] : memref<2x128x64xf32, #tpu.memory_space<vmem>> -> memref<1x128x64xf32, #tpu.memory_space<vmem>>
        %gather3A_570 = tpu.memref_squeeze %gather3A_569 : memref<1x128x64xf32, #tpu.memory_space<vmem>> -> memref<128x64xf32, #tpu.memory_space<vmem>>
        %gather3A_571 = tpu.vector_load_idx %gather3A_570[%add3A_284, %add3A_561] : memref<128x64xf32, #tpu.memory_space<vmem>>[vector<16xi32>, vector<16xi32>], vector<16xf32>,
        %gather3A_572 = arith.constant 0 : i32
        %gather3A_573 = arith.constant 0 : i32
        %gather3A_574 = tpu.memref_slice %arg13[%scan3A_162, %gather3A_572, %gather3A_573] : memref<2x128x64xf32, #tpu.memory_space<vmem>> -> memref<1x128x64xf32, #tpu.memory_space<vmem>>
        %gather3A_575 = tpu.memref_squeeze %gather3A_574 : memref<1x128x64xf32, #tpu.memory_space<vmem>> -> memref<128x64xf32, #tpu.memory_space<vmem>>
        %gather3A_576 = tpu.vector_load_idx %gather3A_575[%add3A_284, %add3A_561] : memref<128x64xf32, #tpu.memory_space<vmem>>[vector<16xi32>, vector<16xi32>], vector<16xf32>,
        %add3A_577 = arith.addf %gather3A_566, %gather3A_571 : vector<16xf32>
        %add3A_578 = arith.addf %gather3A_566, %gather3A_576 : vector<16xf32>
        %mul3A_579 = arith.mulf %add3A_577, %add3A_578 : vector<16xf32>
        %add3A_580 = arith.constant 10 : i32
        %add3A_581 = vector.broadcast %add3A_580 : i32 to vector<16xi32>
        %add3A_582 = arith.addi %iota3A, %add3A_581 : vector<16xi32>
        %and3A_583 = arith.constant 15 : i32
        %and3A_584 = vector.broadcast %and3A_583 : i32 to vector<16xi32>
        %and3A_585 = arith.andi %add3A_582, %and3A_584 : vector<16xi32>
        %mul3A_586 = arith.constant 16 : i32
        %mul3A_587 = arith.muli %scan3A_300, %mul3A_586 : i32
        %add3A_588 = vector.broadcast %mul3A_587 : i32 to vector<16xi32>
        %add3A_589 = arith.addi %and3A_585, %add3A_588 : vector<16xi32>
        %gather3A_590 = arith.constant 0 : i32
        %gather3A_591 = arith.constant 0 : i32
        %gather3A_592 = tpu.memref_slice %arg11[%scan3A_160, %gather3A_590, %gather3A_591] : memref<2x128x64xf32, #tpu.memory_space<vmem>> -> memref<1x128x64xf32, #tpu.memory_space<vmem>>
        %gather3A_593 = tpu.memref_squeeze %gather3A_592 : memref<1x128x64xf32, #tpu.memory_space<vmem>> -> memref<128x64xf32, #tpu.memory_space<vmem>>
        %gather3A_594 = tpu.vector_load_idx %gather3A_593[%add3A_284, %add3A_589] : memref<128x64xf32, #tpu.memory_space<vmem>>[vector<16xi32>, vector<16xi32>], vector<16xf32>,
        %gather3A_595 = arith.constant 0 : i32
        %gather3A_596 = arith.constant 0 : i32
        %gather3A_597 = tpu.memref_slice %arg12[%scan3A_161, %gather3A_595, %gather3A_596] : memref<2x128x64xf32, #tpu.memory_space<vmem>> -> memref<1x128x64xf32, #tpu.memory_space<vmem>>
        %gather3A_598 = tpu.memref_squeeze %gather3A_597 : memref<1x128x64xf32, #tpu.memory_space<vmem>> -> memref<128x64xf32, #tpu.memory_space<vmem>>
        %gather3A_599 = tpu.vector_load_idx %gather3A_598[%add3A_284, %add3A_589] : memref<128x64xf32, #tpu.memory_space<vmem>>[vector<16xi32>, vector<16xi32>], vector<16xf32>,
        %gather3A_600 = arith.constant 0 : i32
        %gather3A_601 = arith.constant 0 : i32
        %gather3A_602 = tpu.memref_slice %arg13[%scan3A_162, %gather3A_600, %gather3A_601] : memref<2x128x64xf32, #tpu.memory_space<vmem>> -> memref<1x128x64xf32, #tpu.memory_space<vmem>>
        %gather3A_603 = tpu.memref_squeeze %gather3A_602 : memref<1x128x64xf32, #tpu.memory_space<vmem>> -> memref<128x64xf32, #tpu.memory_space<vmem>>
        %gather3A_604 = tpu.vector_load_idx %gather3A_603[%add3A_284, %add3A_589] : memref<128x64xf32, #tpu.memory_space<vmem>>[vector<16xi32>, vector<16xi32>], vector<16xf32>,
        %add3A_605 = arith.addf %gather3A_594, %gather3A_599 : vector<16xf32>
        %add3A_606 = arith.addf %gather3A_594, %gather3A_604 : vector<16xf32>
        %mul3A_607 = arith.mulf %add3A_605, %add3A_606 : vector<16xf32>
        %add3A_608 = arith.constant 11 : i32
        %add3A_609 = vector.broadcast %add3A_608 : i32 to vector<16xi32>
        %add3A_610 = arith.addi %iota3A, %add3A_609 : vector<16xi32>
        %and3A_611 = arith.constant 15 : i32
        %and3A_612 = vector.broadcast %and3A_611 : i32 to vector<16xi32>
        %and3A_613 = arith.andi %add3A_610, %and3A_612 : vector<16xi32>
        %mul3A_614 = arith.constant 16 : i32
        %mul3A_615 = arith.muli %scan3A_300, %mul3A_614 : i32
        %add3A_616 = vector.broadcast %mul3A_615 : i32 to vector<16xi32>
        %add3A_617 = arith.addi %and3A_613, %add3A_616 : vector<16xi32>
        %gather3A_618 = arith.constant 0 : i32
        %gather3A_619 = arith.constant 0 : i32
        %gather3A_620 = tpu.memref_slice %arg11[%scan3A_160, %gather3A_618, %gather3A_619] : memref<2x128x64xf32, #tpu.memory_space<vmem>> -> memref<1x128x64xf32, #tpu.memory_space<vmem>>
        %gather3A_621 = tpu.memref_squeeze %gather3A_620 : memref<1x128x64xf32, #tpu.memory_space<vmem>> -> memref<128x64xf32, #tpu.memory_space<vmem>>
        %gather3A_622 = tpu.vector_load_idx %gather3A_621[%add3A_284, %add3A_617] : memref<128x64xf32, #tpu.memory_space<vmem>>[vector<16xi32>, vector<16xi32>], vector<16xf32>,
        %gather3A_623 = arith.constant 0 : i32
        %gather3A_624 = arith.constant 0 : i32
        %gather3A_625 = tpu.memref_slice %arg12[%scan3A_161, %gather3A_623, %gather3A_624] : memref<2x128x64xf32, #tpu.memory_space<vmem>> -> memref<1x128x64xf32, #tpu.memory_space<vmem>>
        %gather3A_626 = tpu.memref_squeeze %gather3A_625 : memref<1x128x64xf32, #tpu.memory_space<vmem>> -> memref<128x64xf32, #tpu.memory_space<vmem>>
        %gather3A_627 = tpu.vector_load_idx %gather3A_626[%add3A_284, %add3A_617] : memref<128x64xf32, #tpu.memory_space<vmem>>[vector<16xi32>, vector<16xi32>], vector<16xf32>,
        %gather3A_628 = arith.constant 0 : i32
        %gather3A_629 = arith.constant 0 : i32
        %gather3A_630 = tpu.memref_slice %arg13[%scan3A_162, %gather3A_628, %gather3A_629] : memref<2x128x64xf32, #tpu.memory_space<vmem>> -> memref<1x128x64xf32, #tpu.memory_space<vmem>>
        %gather3A_631 = tpu.memref_squeeze %gather3A_630 : memref<1x128x64xf32, #tpu.memory_space<vmem>> -> memref<128x64xf32, #tpu.memory_space<vmem>>
        %gather3A_632 = tpu.vector_load_idx %gather3A_631[%add3A_284, %add3A_617] : memref<128x64xf32, #tpu.memory_space<vmem>>[vector<16xi32>, vector<16xi32>], vector<16xf32>,
        %add3A_633 = arith.addf %gather3A_622, %gather3A_627 : vector<16xf32>
        %add3A_634 = arith.addf %gather3A_622, %gather3A_632 : vector<16xf32>
        %mul3A_635 = arith.mulf %add3A_633, %add3A_634 : vector<16xf32>
        %add3A_636 = arith.constant 12 : i32
        %add3A_637 = vector.broadcast %add3A_636 : i32 to vector<16xi32>
        %add3A_638 = arith.addi %iota3A, %add3A_637 : vector<16xi32>
        %and3A_639 = arith.constant 15 : i32
        %and3A_640 = vector.broadcast %and3A_639 : i32 to vector<16xi32>
        %and3A_641 = arith.andi %add3A_638, %and3A_640 : vector<16xi32>
        %mul3A_642 = arith.constant 16 : i32
        %mul3A_643 = arith.muli %scan3A_300, %mul3A_642 : i32
        %add3A_644 = vector.broadcast %mul3A_643 : i32 to vector<16xi32>
        %add3A_645 = arith.addi %and3A_641, %add3A_644 : vector<16xi32>
        %gather3A_646 = arith.constant 0 : i32
        %gather3A_647 = arith.constant 0 : i32
        %gather3A_648 = tpu.memref_slice %arg11[%scan3A_160, %gather3A_646, %gather3A_647] : memref<2x128x64xf32, #tpu.memory_space<vmem>> -> memref<1x128x64xf32, #tpu.memory_space<vmem>>
        %gather3A_649 = tpu.memref_squeeze %gather3A_648 : memref<1x128x64xf32, #tpu.memory_space<vmem>> -> memref<128x64xf32, #tpu.memory_space<vmem>>
        %gather3A_650 = tpu.vector_load_idx %gather3A_649[%add3A_284, %add3A_645] : memref<128x64xf32, #tpu.memory_space<vmem>>[vector<16xi32>, vector<16xi32>], vector<16xf32>,
        %gather3A_651 = arith.constant 0 : i32
        %gather3A_652 = arith.constant 0 : i32
        %gather3A_653 = tpu.memref_slice %arg12[%scan3A_161, %gather3A_651, %gather3A_652] : memref<2x128x64xf32, #tpu.memory_space<vmem>> -> memref<1x128x64xf32, #tpu.memory_space<vmem>>
        %gather3A_654 = tpu.memref_squeeze %gather3A_653 : memref<1x128x64xf32, #tpu.memory_space<vmem>> -> memref<128x64xf32, #tpu.memory_space<vmem>>
        %gather3A_655 = tpu.vector_load_idx %gather3A_654[%add3A_284, %add3A_645] : memref<128x64xf32, #tpu.memory_space<vmem>>[vector<16xi32>, vector<16xi32>], vector<16xf32>,
        %gather3A_656 = arith.constant 0 : i32
        %gather3A_657 = arith.constant 0 : i32
        %gather3A_658 = tpu.memref_slice %arg13[%scan3A_162, %gather3A_656, %gather3A_657] : memref<2x128x64xf32, #tpu.memory_space<vmem>> -> memref<1x128x64xf32, #tpu.memory_space<vmem>>
        %gather3A_659 = tpu.memref_squeeze %gather3A_658 : memref<1x128x64xf32, #tpu.memory_space<vmem>> -> memref<128x64xf32, #tpu.memory_space<vmem>>
        %gather3A_660 = tpu.vector_load_idx %gather3A_659[%add3A_284, %add3A_645] : memref<128x64xf32, #tpu.memory_space<vmem>>[vector<16xi32>, vector<16xi32>], vector<16xf32>,
        %add3A_661 = arith.addf %gather3A_650, %gather3A_655 : vector<16xf32>
        %add3A_662 = arith.addf %gather3A_650, %gather3A_660 : vector<16xf32>
        %mul3A_663 = arith.mulf %add3A_661, %add3A_662 : vector<16xf32>
        %add3A_664 = arith.constant 13 : i32
        %add3A_665 = vector.broadcast %add3A_664 : i32 to vector<16xi32>
        %add3A_666 = arith.addi %iota3A, %add3A_665 : vector<16xi32>
        %and3A_667 = arith.constant 15 : i32
        %and3A_668 = vector.broadcast %and3A_667 : i32 to vector<16xi32>
        %and3A_669 = arith.andi %add3A_666, %and3A_668 : vector<16xi32>
        %mul3A_670 = arith.constant 16 : i32
        %mul3A_671 = arith.muli %scan3A_300, %mul3A_670 : i32
        %add3A_672 = vector.broadcast %mul3A_671 : i32 to vector<16xi32>
        %add3A_673 = arith.addi %and3A_669, %add3A_672 : vector<16xi32>
        %gather3A_674 = arith.constant 0 : i32
        %gather3A_675 = arith.constant 0 : i32
        %gather3A_676 = tpu.memref_slice %arg11[%scan3A_160, %gather3A_674, %gather3A_675] : memref<2x128x64xf32, #tpu.memory_space<vmem>> -> memref<1x128x64xf32, #tpu.memory_space<vmem>>
        %gather3A_677 = tpu.memref_squeeze %gather3A_676 : memref<1x128x64xf32, #tpu.memory_space<vmem>> -> memref<128x64xf32, #tpu.memory_space<vmem>>
        %gather3A_678 = tpu.vector_load_idx %gather3A_677[%add3A_284, %add3A_673] : memref<128x64xf32, #tpu.memory_space<vmem>>[vector<16xi32>, vector<16xi32>], vector<16xf32>,
        %gather3A_679 = arith.constant 0 : i32
        %gather3A_680 = arith.constant 0 : i32
        %gather3A_681 = tpu.memref_slice %arg12[%scan3A_161, %gather3A_679, %gather3A_680] : memref<2x128x64xf32, #tpu.memory_space<vmem>> -> memref<1x128x64xf32, #tpu.memory_space<vmem>>
        %gather3A_682 = tpu.memref_squeeze %gather3A_681 : memref<1x128x64xf32, #tpu.memory_space<vmem>> -> memref<128x64xf32, #tpu.memory_space<vmem>>
        %gather3A_683 = tpu.vector_load_idx %gather3A_682[%add3A_284, %add3A_673] : memref<128x64xf32, #tpu.memory_space<vmem>>[vector<16xi32>, vector<16xi32>], vector<16xf32>,
        %gather3A_684 = arith.constant 0 : i32
        %gather3A_685 = arith.constant 0 : i32
        %gather3A_686 = tpu.memref_slice %arg13[%scan3A_162, %gather3A_684, %gather3A_685] : memref<2x128x64xf32, #tpu.memory_space<vmem>> -> memref<1x128x64xf32, #tpu.memory_space<vmem>>
        %gather3A_687 = tpu.memref_squeeze %gather3A_686 : memref<1x128x64xf32, #tpu.memory_space<vmem>> -> memref<128x64xf32, #tpu.memory_space<vmem>>
        %gather3A_688 = tpu.vector_load_idx %gather3A_687[%add3A_284, %add3A_673] : memref<128x64xf32, #tpu.memory_space<vmem>>[vector<16xi32>, vector<16xi32>], vector<16xf32>,
        %add3A_689 = arith.addf %gather3A_678, %gather3A_683 : vector<16xf32>
        %add3A_690 = arith.addf %gather3A_678, %gather3A_688 : vector<16xf32>
        %mul3A_691 = arith.mulf %add3A_689, %add3A_690 : vector<16xf32>
        %add3A_692 = arith.constant 14 : i32
        %add3A_693 = vector.broadcast %add3A_692 : i32 to vector<16xi32>
        %add3A_694 = arith.addi %iota3A, %add3A_693 : vector<16xi32>
        %and3A_695 = arith.constant 15 : i32
        %and3A_696 = vector.broadcast %and3A_695 : i32 to vector<16xi32>
        %and3A_697 = arith.andi %add3A_694, %and3A_696 : vector<16xi32>
        %mul3A_698 = arith.constant 16 : i32
        %mul3A_699 = arith.muli %scan3A_300, %mul3A_698 : i32
        %add3A_700 = vector.broadcast %mul3A_699 : i32 to vector<16xi32>
        %add3A_701 = arith.addi %and3A_697, %add3A_700 : vector<16xi32>
        %gather3A_702 = arith.constant 0 : i32
        %gather3A_703 = arith.constant 0 : i32
        %gather3A_704 = tpu.memref_slice %arg11[%scan3A_160, %gather3A_702, %gather3A_703] : memref<2x128x64xf32, #tpu.memory_space<vmem>> -> memref<1x128x64xf32, #tpu.memory_space<vmem>>
        %gather3A_705 = tpu.memref_squeeze %gather3A_704 : memref<1x128x64xf32, #tpu.memory_space<vmem>> -> memref<128x64xf32, #tpu.memory_space<vmem>>
        %gather3A_706 = tpu.vector_load_idx %gather3A_705[%add3A_284, %add3A_701] : memref<128x64xf32, #tpu.memory_space<vmem>>[vector<16xi32>, vector<16xi32>], vector<16xf32>,
        %gather3A_707 = arith.constant 0 : i32
        %gather3A_708 = arith.constant 0 : i32
        %gather3A_709 = tpu.memref_slice %arg12[%scan3A_161, %gather3A_707, %gather3A_708] : memref<2x128x64xf32, #tpu.memory_space<vmem>> -> memref<1x128x64xf32, #tpu.memory_space<vmem>>
        %gather3A_710 = tpu.memref_squeeze %gather3A_709 : memref<1x128x64xf32, #tpu.memory_space<vmem>> -> memref<128x64xf32, #tpu.memory_space<vmem>>
        %gather3A_711 = tpu.vector_load_idx %gather3A_710[%add3A_284, %add3A_701] : memref<128x64xf32, #tpu.memory_space<vmem>>[vector<16xi32>, vector<16xi32>], vector<16xf32>,
        %gather3A_712 = arith.constant 0 : i32
        %gather3A_713 = arith.constant 0 : i32
        %gather3A_714 = tpu.memref_slice %arg13[%scan3A_162, %gather3A_712, %gather3A_713] : memref<2x128x64xf32, #tpu.memory_space<vmem>> -> memref<1x128x64xf32, #tpu.memory_space<vmem>>
        %gather3A_715 = tpu.memref_squeeze %gather3A_714 : memref<1x128x64xf32, #tpu.memory_space<vmem>> -> memref<128x64xf32, #tpu.memory_space<vmem>>
        %gather3A_716 = tpu.vector_load_idx %gather3A_715[%add3A_284, %add3A_701] : memref<128x64xf32, #tpu.memory_space<vmem>>[vector<16xi32>, vector<16xi32>], vector<16xf32>,
        %add3A_717 = arith.addf %gather3A_706, %gather3A_711 : vector<16xf32>
        %add3A_718 = arith.addf %gather3A_706, %gather3A_716 : vector<16xf32>
        %mul3A_719 = arith.mulf %add3A_717, %add3A_718 : vector<16xf32>
        %add3A_720 = arith.constant 15 : i32
        %add3A_721 = vector.broadcast %add3A_720 : i32 to vector<16xi32>
        %add3A_722 = arith.addi %iota3A, %add3A_721 : vector<16xi32>
        %and3A_723 = arith.constant 15 : i32
        %and3A_724 = vector.broadcast %and3A_723 : i32 to vector<16xi32>
        %and3A_725 = arith.andi %add3A_722, %and3A_724 : vector<16xi32>
        %mul3A_726 = arith.constant 16 : i32
        %mul3A_727 = arith.muli %scan3A_300, %mul3A_726 : i32
        %add3A_728 = vector.broadcast %mul3A_727 : i32 to vector<16xi32>
        %add3A_729 = arith.addi %and3A_725, %add3A_728 : vector<16xi32>
        %gather3A_730 = arith.constant 0 : i32
        %gather3A_731 = arith.constant 0 : i32
        %gather3A_732 = tpu.memref_slice %arg11[%scan3A_160, %gather3A_730, %gather3A_731] : memref<2x128x64xf32, #tpu.memory_space<vmem>> -> memref<1x128x64xf32, #tpu.memory_space<vmem>>
        %gather3A_733 = tpu.memref_squeeze %gather3A_732 : memref<1x128x64xf32, #tpu.memory_space<vmem>> -> memref<128x64xf32, #tpu.memory_space<vmem>>
        %gather3A_734 = tpu.vector_load_idx %gather3A_733[%add3A_284, %add3A_729] : memref<128x64xf32, #tpu.memory_space<vmem>>[vector<16xi32>, vector<16xi32>], vector<16xf32>,
        %gather3A_735 = arith.constant 0 : i32
        %gather3A_736 = arith.constant 0 : i32
        %gather3A_737 = tpu.memref_slice %arg12[%scan3A_161, %gather3A_735, %gather3A_736] : memref<2x128x64xf32, #tpu.memory_space<vmem>> -> memref<1x128x64xf32, #tpu.memory_space<vmem>>
        %gather3A_738 = tpu.memref_squeeze %gather3A_737 : memref<1x128x64xf32, #tpu.memory_space<vmem>> -> memref<128x64xf32, #tpu.memory_space<vmem>>
        %gather3A_739 = tpu.vector_load_idx %gather3A_738[%add3A_284, %add3A_729] : memref<128x64xf32, #tpu.memory_space<vmem>>[vector<16xi32>, vector<16xi32>], vector<16xf32>,
        %gather3A_740 = arith.constant 0 : i32
        %gather3A_741 = arith.constant 0 : i32
        %gather3A_742 = tpu.memref_slice %arg13[%scan3A_162, %gather3A_740, %gather3A_741] : memref<2x128x64xf32, #tpu.memory_space<vmem>> -> memref<1x128x64xf32, #tpu.memory_space<vmem>>
        %gather3A_743 = tpu.memref_squeeze %gather3A_742 : memref<1x128x64xf32, #tpu.memory_space<vmem>> -> memref<128x64xf32, #tpu.memory_space<vmem>>
        %gather3A_744 = tpu.vector_load_idx %gather3A_743[%add3A_284, %add3A_729] : memref<128x64xf32, #tpu.memory_space<vmem>>[vector<16xi32>, vector<16xi32>], vector<16xf32>,
        %add3A_745 = arith.addf %gather3A_734, %gather3A_739 : vector<16xf32>
        %add3A_746 = arith.addf %gather3A_734, %gather3A_744 : vector<16xf32>
        %mul3A_747 = arith.mulf %add3A_745, %add3A_746 : vector<16xf32>
        %add3A_748 = arith.addf %mul3A_327, %mul3A_355 : vector<16xf32>
        %add3A_749 = arith.addf %mul3A_383, %mul3A_411 : vector<16xf32>
        %add3A_750 = arith.addf %add3A_748, %add3A_749 : vector<16xf32>
        %add3A_751 = arith.addf %mul3A_439, %mul3A_467 : vector<16xf32>
        %add3A_752 = arith.addf %mul3A_495, %mul3A_523 : vector<16xf32>
        %add3A_753 = arith.addf %add3A_751, %add3A_752 : vector<16xf32>
        %add3A_754 = arith.addf %mul3A_551, %mul3A_579 : vector<16xf32>
        %add3A_755 = arith.addf %mul3A_607, %mul3A_635 : vector<16xf32>
        %add3A_756 = arith.addf %add3A_754, %add3A_755 : vector<16xf32>
        %add3A_757 = arith.addf %mul3A_663, %mul3A_691 : vector<16xf32>
        %add3A_758 = arith.addf %mul3A_719, %mul3A_747 : vector<16xf32>
        %add3A_759 = arith.addf %add3A_757, %add3A_758 : vector<16xf32>
        %add3A_760 = arith.addf %add3A_750, %add3A_753 : vector<16xf32>
        %add3A_761 = arith.addf %add3A_756, %add3A_759 : vector<16xf32>
        %add3A_762 = arith.addf %add3A_760, %add3A_761 : vector<16xf32>
        %add3A_763 = arith.addf %scan3A_301, %add3A_762 : vector<16xf32>
        scf.yield %add3A_763 : vector<16xf32>
      }
      %scan3A_291 = arith.constant 4 : i32
      %neg3A = arith.constant 0.000000e+00 : f32
      %neg3A_292 = vector.broadcast %neg3A : f32 to vector<16xf32>
      %neg3A_293 = arith.subf %neg3A_292, %scan3A_290 : vector<16xf32>
      %exp3A = math.exp %neg3A_293 : vector<16xf32>
      %add3A_294 = arith.constant 1.000000e+00 : f32
      %add3A_295 = vector.broadcast %add3A_294 : f32 to vector<16xf32>
      %add3A_296 = arith.addf %add3A_295, %exp3A : vector<16xf32>
      %div3A = arith.constant 1.000000e+00 : f32
      %div3A_297 = vector.broadcast %div3A : f32 to vector<16xf32>
      %div3A_298 = arith.divf %div3A_297, %add3A_296 : vector<16xf32>
      %swap3A = arith.index_cast %add3A_280 : i32 to index
      %swap3A_299 = tpu.vector_load %arg14[%swap3A] {strides = array<i32>} : memref<512xf32, #tpu.memory_space<vmem>>, vector<16xf32>,
      tpu.vector_store %arg14[%swap3A], %div3A_298 {strides = array<i32>} : memref<512xf32, #tpu.memory_space<vmem>>, vector<16xf32>,
    }
    %scan3A_167 = arith.constant 8 : i32
    %dma_start3A_168 = arith.constant 1 : i32
    %dma_start3A_169 = arith.constant 0 : i32
    %dma_start3A_170 = arith.constant 0 : i32
    %dma_start3A_171 = tpu.memref_slice %arg11[%dma_start3A_168, %dma_start3A_169, %dma_start3A_170] : memref<2x128x64xf32, #tpu.memory_space<vmem>> -> memref<1x128x64xf32, #tpu.memory_space<vmem>>
    %dma_start3A_172 = tpu.memref_squeeze %dma_start3A_171 : memref<1x128x64xf32, #tpu.memory_space<vmem>> -> memref<128x64xf32, #tpu.memory_space<vmem>>
    %dma_start3A_173 = arith.constant 384 : i32
    %dma_start3A_174 = tpu.memref_slice %arg8[%dma_start3A_173] : memref<512xi32, #tpu.memory_space<vmem>> -> memref<128xi32, #tpu.memory_space<vmem>>
    %dma_start3A_175 = arith.constant 0 : i32
    %dma_start3A_176 = arith.constant 0 : i32
    %dma_start3A_177 = tpu.memref_slice %arg5[%dma_start3A_175, %dma_start3A_176] : memref<100000x64xf32, #tpu.memory_space<hbm>> -> memref<100000x64xf32, #tpu.memory_space<hbm>>
    tpu.enqueue_indirect_dma source(%dma_start3A_177 : memref<100000x64xf32, #tpu.memory_space<hbm>>) target(%dma_start3A_172 : memref<128x64xf32, #tpu.memory_space<vmem>>) offsets(%dma_start3A_174 : memref<128xi32, #tpu.memory_space<vmem>>) semaphore(%arg16 : memref<!tpu.dma_semaphore, #tpu.memory_space<semaphore_mem>>)
    %dma_start3A_178 = arith.constant 1 : i32
    %dma_start3A_179 = arith.constant 0 : i32
    %dma_start3A_180 = arith.constant 0 : i32
    %dma_start3A_181 = tpu.memref_slice %arg12[%dma_start3A_178, %dma_start3A_179, %dma_start3A_180] : memref<2x128x64xf32, #tpu.memory_space<vmem>> -> memref<1x128x64xf32, #tpu.memory_space<vmem>>
    %dma_start3A_182 = tpu.memref_squeeze %dma_start3A_181 : memref<1x128x64xf32, #tpu.memory_space<vmem>> -> memref<128x64xf32, #tpu.memory_space<vmem>>
    %dma_start3A_183 = arith.constant 384 : i32
    %dma_start3A_184 = tpu.memref_slice %arg9[%dma_start3A_183] : memref<512xi32, #tpu.memory_space<vmem>> -> memref<128xi32, #tpu.memory_space<vmem>>
    %dma_start3A_185 = arith.constant 0 : i32
    %dma_start3A_186 = arith.constant 0 : i32
    %dma_start3A_187 = tpu.memref_slice %arg6[%dma_start3A_185, %dma_start3A_186] : memref<1000000x64xf32, #tpu.memory_space<hbm>> -> memref<1000000x64xf32, #tpu.memory_space<hbm>>
    tpu.enqueue_indirect_dma source(%dma_start3A_187 : memref<1000000x64xf32, #tpu.memory_space<hbm>>) target(%dma_start3A_182 : memref<128x64xf32, #tpu.memory_space<vmem>>) offsets(%dma_start3A_184 : memref<128xi32, #tpu.memory_space<vmem>>) semaphore(%arg16 : memref<!tpu.dma_semaphore, #tpu.memory_space<semaphore_mem>>)
    %dma_start3A_188 = arith.constant 1 : i32
    %dma_start3A_189 = arith.constant 0 : i32
    %dma_start3A_190 = arith.constant 0 : i32
    %dma_start3A_191 = tpu.memref_slice %arg13[%dma_start3A_188, %dma_start3A_189, %dma_start3A_190] : memref<2x128x64xf32, #tpu.memory_space<vmem>> -> memref<1x128x64xf32, #tpu.memory_space<vmem>>
    %dma_start3A_192 = tpu.memref_squeeze %dma_start3A_191 : memref<1x128x64xf32, #tpu.memory_space<vmem>> -> memref<128x64xf32, #tpu.memory_space<vmem>>
    %dma_start3A_193 = arith.constant 384 : i32
    %dma_start3A_194 = tpu.memref_slice %arg10[%dma_start3A_193] : memref<512xi32, #tpu.memory_space<vmem>> -> memref<128xi32, #tpu.memory_space<vmem>>
    %dma_start3A_195 = arith.constant 0 : i32
    %dma_start3A_196 = arith.constant 0 : i32
    %dma_start3A_197 = tpu.memref_slice %arg6[%dma_start3A_195, %dma_start3A_196] : memref<1000000x64xf32, #tpu.memory_space<hbm>> -> memref<1000000x64xf32, #tpu.memory_space<hbm>>
    tpu.enqueue_indirect_dma source(%dma_start3A_197 : memref<1000000x64xf32, #tpu.memory_space<hbm>>) target(%dma_start3A_192 : memref<128x64xf32, #tpu.memory_space<vmem>>) offsets(%dma_start3A_194 : memref<128xi32, #tpu.memory_space<vmem>>) semaphore(%arg16 : memref<!tpu.dma_semaphore, #tpu.memory_space<semaphore_mem>>)
    %dma_wait3A_198 = arith.constant 0 : i32
    %dma_wait3A_199 = arith.constant 0 : i32
    %dma_wait3A_200 = arith.constant 0 : i32
    %dma_wait3A_201 = tpu.memref_slice %arg11[%dma_wait3A_198, %dma_wait3A_199, %dma_wait3A_200] : memref<2x128x64xf32, #tpu.memory_space<vmem>> -> memref<1x128x64xf32, #tpu.memory_space<vmem>>
    %dma_wait3A_202 = tpu.memref_squeeze %dma_wait3A_201 : memref<1x128x64xf32, #tpu.memory_space<vmem>> -> memref<128x64xf32, #tpu.memory_space<vmem>>
    %dma_wait3A_203 = arith.constant 256 : i32
    %dma_wait3A_204 = tpu.memref_slice %arg8[%dma_wait3A_203] : memref<512xi32, #tpu.memory_space<vmem>> -> memref<128xi32, #tpu.memory_space<vmem>>
    %dma_wait3A_205 = arith.constant 0 : i32
    %dma_wait3A_206 = arith.constant 0 : i32
    %dma_wait3A_207 = tpu.memref_slice %arg5[%dma_wait3A_205, %dma_wait3A_206] : memref<100000x64xf32, #tpu.memory_space<hbm>> -> memref<100000x64xf32, #tpu.memory_space<hbm>>
    tpu.wait_indirect_dma semaphore(%arg15 : memref<!tpu.dma_semaphore, #tpu.memory_space<semaphore_mem>>) src(%dma_wait3A_207 : memref<100000x64xf32, #tpu.memory_space<hbm>>) dst(%dma_wait3A_202 : memref<128x64xf32, #tpu.memory_space<vmem>>)
    %dma_wait3A_208 = arith.constant 0 : i32
    %dma_wait3A_209 = arith.constant 0 : i32
    %dma_wait3A_210 = arith.constant 0 : i32
    %dma_wait3A_211 = tpu.memref_slice %arg12[%dma_wait3A_208, %dma_wait3A_209, %dma_wait3A_210] : memref<2x128x64xf32, #tpu.memory_space<vmem>> -> memref<1x128x64xf32, #tpu.memory_space<vmem>>
    %dma_wait3A_212 = tpu.memref_squeeze %dma_wait3A_211 : memref<1x128x64xf32, #tpu.memory_space<vmem>> -> memref<128x64xf32, #tpu.memory_space<vmem>>
    %dma_wait3A_213 = arith.constant 256 : i32
    %dma_wait3A_214 = tpu.memref_slice %arg9[%dma_wait3A_213] : memref<512xi32, #tpu.memory_space<vmem>> -> memref<128xi32, #tpu.memory_space<vmem>>
    %dma_wait3A_215 = arith.constant 0 : i32
    %dma_wait3A_216 = arith.constant 0 : i32
    %dma_wait3A_217 = tpu.memref_slice %arg6[%dma_wait3A_215, %dma_wait3A_216] : memref<1000000x64xf32, #tpu.memory_space<hbm>> -> memref<1000000x64xf32, #tpu.memory_space<hbm>>
    tpu.wait_indirect_dma semaphore(%arg15 : memref<!tpu.dma_semaphore, #tpu.memory_space<semaphore_mem>>) src(%dma_wait3A_217 : memref<1000000x64xf32, #tpu.memory_space<hbm>>) dst(%dma_wait3A_212 : memref<128x64xf32, #tpu.memory_space<vmem>>)
    %dma_wait3A_218 = arith.constant 0 : i32
    %dma_wait3A_219 = arith.constant 0 : i32
    %dma_wait3A_220 = arith.constant 0 : i32
    %dma_wait3A_221 = tpu.memref_slice %arg13[%dma_wait3A_218, %dma_wait3A_219, %dma_wait3A_220] : memref<2x128x64xf32, #tpu.memory_space<vmem>> -> memref<1x128x64xf32, #tpu.memory_space<vmem>>
    %dma_wait3A_222 = tpu.memref_squeeze %dma_wait3A_221 : memref<1x128x64xf32, #tpu.memory_space<vmem>> -> memref<128x64xf32, #tpu.memory_space<vmem>>
    %dma_wait3A_223 = arith.constant 256 : i32
    %dma_wait3A_224 = tpu.memref_slice %arg10[%dma_wait3A_223] : memref<512xi32, #tpu.memory_space<vmem>> -> memref<128xi32, #tpu.memory_space<vmem>>
    %dma_wait3A_225 = arith.constant 0 : i32
    %dma_wait3A_226 = arith.constant 0 : i32
    %dma_wait3A_227 = tpu.memref_slice %arg6[%dma_wait3A_225, %dma_wait3A_226] : memref<1000000x64xf32, #tpu.memory_space<hbm>> -> memref<1000000x64xf32, #tpu.memory_space<hbm>>
    tpu.wait_indirect_dma semaphore(%arg15 : memref<!tpu.dma_semaphore, #tpu.memory_space<semaphore_mem>>) src(%dma_wait3A_227 : memref<1000000x64xf32, #tpu.memory_space<hbm>>) dst(%dma_wait3A_222 : memref<128x64xf32, #tpu.memory_space<vmem>>)
    %scan3A_228 = arith.constant 0 : i32
    %scan3A_229 = arith.constant 0 : i32
    %scan3A_230 = arith.constant 0 : i32
    %scan3A_231 = arith.constant 0 : i32
    %scan3A_232 = arith.constant 0 : i32
    %scan3A_233 = arith.constant 8 : i32
    %scan3A_234 = arith.addi %scan3A_232, %scan3A_233 : i32
    %scan3A_235 = arith.constant 1 : i32
    scf.for %scan3A_276 = %scan3A_232 to %scan3A_234 step %scan3A_235  : i32 {
      %mul3A_277 = arith.constant 16 : i32
      %mul3A_278 = arith.muli %scan3A_276, %mul3A_277 : i32
      %add3A_279 = arith.constant 256 : i32
      %add3A_280 = arith.addi %add3A_279, %mul3A_278 : i32
      %mul3A_281 = arith.constant 16 : i32
      %mul3A_282 = arith.muli %scan3A_276, %mul3A_281 : i32
      %add3A_283 = vector.broadcast %mul3A_282 : i32 to vector<16xi32>
      %add3A_284 = arith.addi %iota3A, %add3A_283 : vector<16xi32>
      %broadcast_in_dim3A = arith.constant 0.000000e+00 : f32
      %broadcast_in_dim3A_285 = vector.broadcast %broadcast_in_dim3A : f32 to vector<16xf32>
      %scan3A_286 = arith.constant 0 : i32
      %scan3A_287 = arith.constant 4 : i32
      %scan3A_288 = arith.addi %scan3A_286, %scan3A_287 : i32
      %scan3A_289 = arith.constant 1 : i32
      %scan3A_290 = scf.for %scan3A_300 = %scan3A_286 to %scan3A_288 step %scan3A_289 iter_args(%scan3A_301 = %broadcast_in_dim3A_285) -> (vector<16xf32>)  : i32 {
        %add3A_302 = arith.constant 0 : i32
        %add3A_303 = vector.broadcast %add3A_302 : i32 to vector<16xi32>
        %add3A_304 = arith.addi %iota3A, %add3A_303 : vector<16xi32>
        %and3A = arith.constant 15 : i32
        %and3A_305 = vector.broadcast %and3A : i32 to vector<16xi32>
        %and3A_306 = arith.andi %add3A_304, %and3A_305 : vector<16xi32>
        %mul3A_307 = arith.constant 16 : i32
        %mul3A_308 = arith.muli %scan3A_300, %mul3A_307 : i32
        %add3A_309 = vector.broadcast %mul3A_308 : i32 to vector<16xi32>
        %add3A_310 = arith.addi %and3A_306, %add3A_309 : vector<16xi32>
        %gather3A = arith.constant 0 : i32
        %gather3A_311 = arith.constant 0 : i32
        %gather3A_312 = tpu.memref_slice %arg11[%scan3A_229, %gather3A, %gather3A_311] : memref<2x128x64xf32, #tpu.memory_space<vmem>> -> memref<1x128x64xf32, #tpu.memory_space<vmem>>
        %gather3A_313 = tpu.memref_squeeze %gather3A_312 : memref<1x128x64xf32, #tpu.memory_space<vmem>> -> memref<128x64xf32, #tpu.memory_space<vmem>>
        %gather3A_314 = tpu.vector_load_idx %gather3A_313[%add3A_284, %add3A_310] : memref<128x64xf32, #tpu.memory_space<vmem>>[vector<16xi32>, vector<16xi32>], vector<16xf32>,
        %gather3A_315 = arith.constant 0 : i32
        %gather3A_316 = arith.constant 0 : i32
        %gather3A_317 = tpu.memref_slice %arg12[%scan3A_230, %gather3A_315, %gather3A_316] : memref<2x128x64xf32, #tpu.memory_space<vmem>> -> memref<1x128x64xf32, #tpu.memory_space<vmem>>
        %gather3A_318 = tpu.memref_squeeze %gather3A_317 : memref<1x128x64xf32, #tpu.memory_space<vmem>> -> memref<128x64xf32, #tpu.memory_space<vmem>>
        %gather3A_319 = tpu.vector_load_idx %gather3A_318[%add3A_284, %add3A_310] : memref<128x64xf32, #tpu.memory_space<vmem>>[vector<16xi32>, vector<16xi32>], vector<16xf32>,
        %gather3A_320 = arith.constant 0 : i32
        %gather3A_321 = arith.constant 0 : i32
        %gather3A_322 = tpu.memref_slice %arg13[%scan3A_231, %gather3A_320, %gather3A_321] : memref<2x128x64xf32, #tpu.memory_space<vmem>> -> memref<1x128x64xf32, #tpu.memory_space<vmem>>
        %gather3A_323 = tpu.memref_squeeze %gather3A_322 : memref<1x128x64xf32, #tpu.memory_space<vmem>> -> memref<128x64xf32, #tpu.memory_space<vmem>>
        %gather3A_324 = tpu.vector_load_idx %gather3A_323[%add3A_284, %add3A_310] : memref<128x64xf32, #tpu.memory_space<vmem>>[vector<16xi32>, vector<16xi32>], vector<16xf32>,
        %add3A_325 = arith.addf %gather3A_314, %gather3A_319 : vector<16xf32>
        %add3A_326 = arith.addf %gather3A_314, %gather3A_324 : vector<16xf32>
        %mul3A_327 = arith.mulf %add3A_325, %add3A_326 : vector<16xf32>
        %add3A_328 = arith.constant 1 : i32
        %add3A_329 = vector.broadcast %add3A_328 : i32 to vector<16xi32>
        %add3A_330 = arith.addi %iota3A, %add3A_329 : vector<16xi32>
        %and3A_331 = arith.constant 15 : i32
        %and3A_332 = vector.broadcast %and3A_331 : i32 to vector<16xi32>
        %and3A_333 = arith.andi %add3A_330, %and3A_332 : vector<16xi32>
        %mul3A_334 = arith.constant 16 : i32
        %mul3A_335 = arith.muli %scan3A_300, %mul3A_334 : i32
        %add3A_336 = vector.broadcast %mul3A_335 : i32 to vector<16xi32>
        %add3A_337 = arith.addi %and3A_333, %add3A_336 : vector<16xi32>
        %gather3A_338 = arith.constant 0 : i32
        %gather3A_339 = arith.constant 0 : i32
        %gather3A_340 = tpu.memref_slice %arg11[%scan3A_229, %gather3A_338, %gather3A_339] : memref<2x128x64xf32, #tpu.memory_space<vmem>> -> memref<1x128x64xf32, #tpu.memory_space<vmem>>
        %gather3A_341 = tpu.memref_squeeze %gather3A_340 : memref<1x128x64xf32, #tpu.memory_space<vmem>> -> memref<128x64xf32, #tpu.memory_space<vmem>>
        %gather3A_342 = tpu.vector_load_idx %gather3A_341[%add3A_284, %add3A_337] : memref<128x64xf32, #tpu.memory_space<vmem>>[vector<16xi32>, vector<16xi32>], vector<16xf32>,
        %gather3A_343 = arith.constant 0 : i32
        %gather3A_344 = arith.constant 0 : i32
        %gather3A_345 = tpu.memref_slice %arg12[%scan3A_230, %gather3A_343, %gather3A_344] : memref<2x128x64xf32, #tpu.memory_space<vmem>> -> memref<1x128x64xf32, #tpu.memory_space<vmem>>
        %gather3A_346 = tpu.memref_squeeze %gather3A_345 : memref<1x128x64xf32, #tpu.memory_space<vmem>> -> memref<128x64xf32, #tpu.memory_space<vmem>>
        %gather3A_347 = tpu.vector_load_idx %gather3A_346[%add3A_284, %add3A_337] : memref<128x64xf32, #tpu.memory_space<vmem>>[vector<16xi32>, vector<16xi32>], vector<16xf32>,
        %gather3A_348 = arith.constant 0 : i32
        %gather3A_349 = arith.constant 0 : i32
        %gather3A_350 = tpu.memref_slice %arg13[%scan3A_231, %gather3A_348, %gather3A_349] : memref<2x128x64xf32, #tpu.memory_space<vmem>> -> memref<1x128x64xf32, #tpu.memory_space<vmem>>
        %gather3A_351 = tpu.memref_squeeze %gather3A_350 : memref<1x128x64xf32, #tpu.memory_space<vmem>> -> memref<128x64xf32, #tpu.memory_space<vmem>>
        %gather3A_352 = tpu.vector_load_idx %gather3A_351[%add3A_284, %add3A_337] : memref<128x64xf32, #tpu.memory_space<vmem>>[vector<16xi32>, vector<16xi32>], vector<16xf32>,
        %add3A_353 = arith.addf %gather3A_342, %gather3A_347 : vector<16xf32>
        %add3A_354 = arith.addf %gather3A_342, %gather3A_352 : vector<16xf32>
        %mul3A_355 = arith.mulf %add3A_353, %add3A_354 : vector<16xf32>
        %add3A_356 = arith.constant 2 : i32
        %add3A_357 = vector.broadcast %add3A_356 : i32 to vector<16xi32>
        %add3A_358 = arith.addi %iota3A, %add3A_357 : vector<16xi32>
        %and3A_359 = arith.constant 15 : i32
        %and3A_360 = vector.broadcast %and3A_359 : i32 to vector<16xi32>
        %and3A_361 = arith.andi %add3A_358, %and3A_360 : vector<16xi32>
        %mul3A_362 = arith.constant 16 : i32
        %mul3A_363 = arith.muli %scan3A_300, %mul3A_362 : i32
        %add3A_364 = vector.broadcast %mul3A_363 : i32 to vector<16xi32>
        %add3A_365 = arith.addi %and3A_361, %add3A_364 : vector<16xi32>
        %gather3A_366 = arith.constant 0 : i32
        %gather3A_367 = arith.constant 0 : i32
        %gather3A_368 = tpu.memref_slice %arg11[%scan3A_229, %gather3A_366, %gather3A_367] : memref<2x128x64xf32, #tpu.memory_space<vmem>> -> memref<1x128x64xf32, #tpu.memory_space<vmem>>
        %gather3A_369 = tpu.memref_squeeze %gather3A_368 : memref<1x128x64xf32, #tpu.memory_space<vmem>> -> memref<128x64xf32, #tpu.memory_space<vmem>>
        %gather3A_370 = tpu.vector_load_idx %gather3A_369[%add3A_284, %add3A_365] : memref<128x64xf32, #tpu.memory_space<vmem>>[vector<16xi32>, vector<16xi32>], vector<16xf32>,
        %gather3A_371 = arith.constant 0 : i32
        %gather3A_372 = arith.constant 0 : i32
        %gather3A_373 = tpu.memref_slice %arg12[%scan3A_230, %gather3A_371, %gather3A_372] : memref<2x128x64xf32, #tpu.memory_space<vmem>> -> memref<1x128x64xf32, #tpu.memory_space<vmem>>
        %gather3A_374 = tpu.memref_squeeze %gather3A_373 : memref<1x128x64xf32, #tpu.memory_space<vmem>> -> memref<128x64xf32, #tpu.memory_space<vmem>>
        %gather3A_375 = tpu.vector_load_idx %gather3A_374[%add3A_284, %add3A_365] : memref<128x64xf32, #tpu.memory_space<vmem>>[vector<16xi32>, vector<16xi32>], vector<16xf32>,
        %gather3A_376 = arith.constant 0 : i32
        %gather3A_377 = arith.constant 0 : i32
        %gather3A_378 = tpu.memref_slice %arg13[%scan3A_231, %gather3A_376, %gather3A_377] : memref<2x128x64xf32, #tpu.memory_space<vmem>> -> memref<1x128x64xf32, #tpu.memory_space<vmem>>
        %gather3A_379 = tpu.memref_squeeze %gather3A_378 : memref<1x128x64xf32, #tpu.memory_space<vmem>> -> memref<128x64xf32, #tpu.memory_space<vmem>>
        %gather3A_380 = tpu.vector_load_idx %gather3A_379[%add3A_284, %add3A_365] : memref<128x64xf32, #tpu.memory_space<vmem>>[vector<16xi32>, vector<16xi32>], vector<16xf32>,
        %add3A_381 = arith.addf %gather3A_370, %gather3A_375 : vector<16xf32>
        %add3A_382 = arith.addf %gather3A_370, %gather3A_380 : vector<16xf32>
        %mul3A_383 = arith.mulf %add3A_381, %add3A_382 : vector<16xf32>
        %add3A_384 = arith.constant 3 : i32
        %add3A_385 = vector.broadcast %add3A_384 : i32 to vector<16xi32>
        %add3A_386 = arith.addi %iota3A, %add3A_385 : vector<16xi32>
        %and3A_387 = arith.constant 15 : i32
        %and3A_388 = vector.broadcast %and3A_387 : i32 to vector<16xi32>
        %and3A_389 = arith.andi %add3A_386, %and3A_388 : vector<16xi32>
        %mul3A_390 = arith.constant 16 : i32
        %mul3A_391 = arith.muli %scan3A_300, %mul3A_390 : i32
        %add3A_392 = vector.broadcast %mul3A_391 : i32 to vector<16xi32>
        %add3A_393 = arith.addi %and3A_389, %add3A_392 : vector<16xi32>
        %gather3A_394 = arith.constant 0 : i32
        %gather3A_395 = arith.constant 0 : i32
        %gather3A_396 = tpu.memref_slice %arg11[%scan3A_229, %gather3A_394, %gather3A_395] : memref<2x128x64xf32, #tpu.memory_space<vmem>> -> memref<1x128x64xf32, #tpu.memory_space<vmem>>
        %gather3A_397 = tpu.memref_squeeze %gather3A_396 : memref<1x128x64xf32, #tpu.memory_space<vmem>> -> memref<128x64xf32, #tpu.memory_space<vmem>>
        %gather3A_398 = tpu.vector_load_idx %gather3A_397[%add3A_284, %add3A_393] : memref<128x64xf32, #tpu.memory_space<vmem>>[vector<16xi32>, vector<16xi32>], vector<16xf32>,
        %gather3A_399 = arith.constant 0 : i32
        %gather3A_400 = arith.constant 0 : i32
        %gather3A_401 = tpu.memref_slice %arg12[%scan3A_230, %gather3A_399, %gather3A_400] : memref<2x128x64xf32, #tpu.memory_space<vmem>> -> memref<1x128x64xf32, #tpu.memory_space<vmem>>
        %gather3A_402 = tpu.memref_squeeze %gather3A_401 : memref<1x128x64xf32, #tpu.memory_space<vmem>> -> memref<128x64xf32, #tpu.memory_space<vmem>>
        %gather3A_403 = tpu.vector_load_idx %gather3A_402[%add3A_284, %add3A_393] : memref<128x64xf32, #tpu.memory_space<vmem>>[vector<16xi32>, vector<16xi32>], vector<16xf32>,
        %gather3A_404 = arith.constant 0 : i32
        %gather3A_405 = arith.constant 0 : i32
        %gather3A_406 = tpu.memref_slice %arg13[%scan3A_231, %gather3A_404, %gather3A_405] : memref<2x128x64xf32, #tpu.memory_space<vmem>> -> memref<1x128x64xf32, #tpu.memory_space<vmem>>
        %gather3A_407 = tpu.memref_squeeze %gather3A_406 : memref<1x128x64xf32, #tpu.memory_space<vmem>> -> memref<128x64xf32, #tpu.memory_space<vmem>>
        %gather3A_408 = tpu.vector_load_idx %gather3A_407[%add3A_284, %add3A_393] : memref<128x64xf32, #tpu.memory_space<vmem>>[vector<16xi32>, vector<16xi32>], vector<16xf32>,
        %add3A_409 = arith.addf %gather3A_398, %gather3A_403 : vector<16xf32>
        %add3A_410 = arith.addf %gather3A_398, %gather3A_408 : vector<16xf32>
        %mul3A_411 = arith.mulf %add3A_409, %add3A_410 : vector<16xf32>
        %add3A_412 = arith.constant 4 : i32
        %add3A_413 = vector.broadcast %add3A_412 : i32 to vector<16xi32>
        %add3A_414 = arith.addi %iota3A, %add3A_413 : vector<16xi32>
        %and3A_415 = arith.constant 15 : i32
        %and3A_416 = vector.broadcast %and3A_415 : i32 to vector<16xi32>
        %and3A_417 = arith.andi %add3A_414, %and3A_416 : vector<16xi32>
        %mul3A_418 = arith.constant 16 : i32
        %mul3A_419 = arith.muli %scan3A_300, %mul3A_418 : i32
        %add3A_420 = vector.broadcast %mul3A_419 : i32 to vector<16xi32>
        %add3A_421 = arith.addi %and3A_417, %add3A_420 : vector<16xi32>
        %gather3A_422 = arith.constant 0 : i32
        %gather3A_423 = arith.constant 0 : i32
        %gather3A_424 = tpu.memref_slice %arg11[%scan3A_229, %gather3A_422, %gather3A_423] : memref<2x128x64xf32, #tpu.memory_space<vmem>> -> memref<1x128x64xf32, #tpu.memory_space<vmem>>
        %gather3A_425 = tpu.memref_squeeze %gather3A_424 : memref<1x128x64xf32, #tpu.memory_space<vmem>> -> memref<128x64xf32, #tpu.memory_space<vmem>>
        %gather3A_426 = tpu.vector_load_idx %gather3A_425[%add3A_284, %add3A_421] : memref<128x64xf32, #tpu.memory_space<vmem>>[vector<16xi32>, vector<16xi32>], vector<16xf32>,
        %gather3A_427 = arith.constant 0 : i32
        %gather3A_428 = arith.constant 0 : i32
        %gather3A_429 = tpu.memref_slice %arg12[%scan3A_230, %gather3A_427, %gather3A_428] : memref<2x128x64xf32, #tpu.memory_space<vmem>> -> memref<1x128x64xf32, #tpu.memory_space<vmem>>
        %gather3A_430 = tpu.memref_squeeze %gather3A_429 : memref<1x128x64xf32, #tpu.memory_space<vmem>> -> memref<128x64xf32, #tpu.memory_space<vmem>>
        %gather3A_431 = tpu.vector_load_idx %gather3A_430[%add3A_284, %add3A_421] : memref<128x64xf32, #tpu.memory_space<vmem>>[vector<16xi32>, vector<16xi32>], vector<16xf32>,
        %gather3A_432 = arith.constant 0 : i32
        %gather3A_433 = arith.constant 0 : i32
        %gather3A_434 = tpu.memref_slice %arg13[%scan3A_231, %gather3A_432, %gather3A_433] : memref<2x128x64xf32, #tpu.memory_space<vmem>> -> memref<1x128x64xf32, #tpu.memory_space<vmem>>
        %gather3A_435 = tpu.memref_squeeze %gather3A_434 : memref<1x128x64xf32, #tpu.memory_space<vmem>> -> memref<128x64xf32, #tpu.memory_space<vmem>>
        %gather3A_436 = tpu.vector_load_idx %gather3A_435[%add3A_284, %add3A_421] : memref<128x64xf32, #tpu.memory_space<vmem>>[vector<16xi32>, vector<16xi32>], vector<16xf32>,
        %add3A_437 = arith.addf %gather3A_426, %gather3A_431 : vector<16xf32>
        %add3A_438 = arith.addf %gather3A_426, %gather3A_436 : vector<16xf32>
        %mul3A_439 = arith.mulf %add3A_437, %add3A_438 : vector<16xf32>
        %add3A_440 = arith.constant 5 : i32
        %add3A_441 = vector.broadcast %add3A_440 : i32 to vector<16xi32>
        %add3A_442 = arith.addi %iota3A, %add3A_441 : vector<16xi32>
        %and3A_443 = arith.constant 15 : i32
        %and3A_444 = vector.broadcast %and3A_443 : i32 to vector<16xi32>
        %and3A_445 = arith.andi %add3A_442, %and3A_444 : vector<16xi32>
        %mul3A_446 = arith.constant 16 : i32
        %mul3A_447 = arith.muli %scan3A_300, %mul3A_446 : i32
        %add3A_448 = vector.broadcast %mul3A_447 : i32 to vector<16xi32>
        %add3A_449 = arith.addi %and3A_445, %add3A_448 : vector<16xi32>
        %gather3A_450 = arith.constant 0 : i32
        %gather3A_451 = arith.constant 0 : i32
        %gather3A_452 = tpu.memref_slice %arg11[%scan3A_229, %gather3A_450, %gather3A_451] : memref<2x128x64xf32, #tpu.memory_space<vmem>> -> memref<1x128x64xf32, #tpu.memory_space<vmem>>
        %gather3A_453 = tpu.memref_squeeze %gather3A_452 : memref<1x128x64xf32, #tpu.memory_space<vmem>> -> memref<128x64xf32, #tpu.memory_space<vmem>>
        %gather3A_454 = tpu.vector_load_idx %gather3A_453[%add3A_284, %add3A_449] : memref<128x64xf32, #tpu.memory_space<vmem>>[vector<16xi32>, vector<16xi32>], vector<16xf32>,
        %gather3A_455 = arith.constant 0 : i32
        %gather3A_456 = arith.constant 0 : i32
        %gather3A_457 = tpu.memref_slice %arg12[%scan3A_230, %gather3A_455, %gather3A_456] : memref<2x128x64xf32, #tpu.memory_space<vmem>> -> memref<1x128x64xf32, #tpu.memory_space<vmem>>
        %gather3A_458 = tpu.memref_squeeze %gather3A_457 : memref<1x128x64xf32, #tpu.memory_space<vmem>> -> memref<128x64xf32, #tpu.memory_space<vmem>>
        %gather3A_459 = tpu.vector_load_idx %gather3A_458[%add3A_284, %add3A_449] : memref<128x64xf32, #tpu.memory_space<vmem>>[vector<16xi32>, vector<16xi32>], vector<16xf32>,
        %gather3A_460 = arith.constant 0 : i32
        %gather3A_461 = arith.constant 0 : i32
        %gather3A_462 = tpu.memref_slice %arg13[%scan3A_231, %gather3A_460, %gather3A_461] : memref<2x128x64xf32, #tpu.memory_space<vmem>> -> memref<1x128x64xf32, #tpu.memory_space<vmem>>
        %gather3A_463 = tpu.memref_squeeze %gather3A_462 : memref<1x128x64xf32, #tpu.memory_space<vmem>> -> memref<128x64xf32, #tpu.memory_space<vmem>>
        %gather3A_464 = tpu.vector_load_idx %gather3A_463[%add3A_284, %add3A_449] : memref<128x64xf32, #tpu.memory_space<vmem>>[vector<16xi32>, vector<16xi32>], vector<16xf32>,
        %add3A_465 = arith.addf %gather3A_454, %gather3A_459 : vector<16xf32>
        %add3A_466 = arith.addf %gather3A_454, %gather3A_464 : vector<16xf32>
        %mul3A_467 = arith.mulf %add3A_465, %add3A_466 : vector<16xf32>
        %add3A_468 = arith.constant 6 : i32
        %add3A_469 = vector.broadcast %add3A_468 : i32 to vector<16xi32>
        %add3A_470 = arith.addi %iota3A, %add3A_469 : vector<16xi32>
        %and3A_471 = arith.constant 15 : i32
        %and3A_472 = vector.broadcast %and3A_471 : i32 to vector<16xi32>
        %and3A_473 = arith.andi %add3A_470, %and3A_472 : vector<16xi32>
        %mul3A_474 = arith.constant 16 : i32
        %mul3A_475 = arith.muli %scan3A_300, %mul3A_474 : i32
        %add3A_476 = vector.broadcast %mul3A_475 : i32 to vector<16xi32>
        %add3A_477 = arith.addi %and3A_473, %add3A_476 : vector<16xi32>
        %gather3A_478 = arith.constant 0 : i32
        %gather3A_479 = arith.constant 0 : i32
        %gather3A_480 = tpu.memref_slice %arg11[%scan3A_229, %gather3A_478, %gather3A_479] : memref<2x128x64xf32, #tpu.memory_space<vmem>> -> memref<1x128x64xf32, #tpu.memory_space<vmem>>
        %gather3A_481 = tpu.memref_squeeze %gather3A_480 : memref<1x128x64xf32, #tpu.memory_space<vmem>> -> memref<128x64xf32, #tpu.memory_space<vmem>>
        %gather3A_482 = tpu.vector_load_idx %gather3A_481[%add3A_284, %add3A_477] : memref<128x64xf32, #tpu.memory_space<vmem>>[vector<16xi32>, vector<16xi32>], vector<16xf32>,
        %gather3A_483 = arith.constant 0 : i32
        %gather3A_484 = arith.constant 0 : i32
        %gather3A_485 = tpu.memref_slice %arg12[%scan3A_230, %gather3A_483, %gather3A_484] : memref<2x128x64xf32, #tpu.memory_space<vmem>> -> memref<1x128x64xf32, #tpu.memory_space<vmem>>
        %gather3A_486 = tpu.memref_squeeze %gather3A_485 : memref<1x128x64xf32, #tpu.memory_space<vmem>> -> memref<128x64xf32, #tpu.memory_space<vmem>>
        %gather3A_487 = tpu.vector_load_idx %gather3A_486[%add3A_284, %add3A_477] : memref<128x64xf32, #tpu.memory_space<vmem>>[vector<16xi32>, vector<16xi32>], vector<16xf32>,
        %gather3A_488 = arith.constant 0 : i32
        %gather3A_489 = arith.constant 0 : i32
        %gather3A_490 = tpu.memref_slice %arg13[%scan3A_231, %gather3A_488, %gather3A_489] : memref<2x128x64xf32, #tpu.memory_space<vmem>> -> memref<1x128x64xf32, #tpu.memory_space<vmem>>
        %gather3A_491 = tpu.memref_squeeze %gather3A_490 : memref<1x128x64xf32, #tpu.memory_space<vmem>> -> memref<128x64xf32, #tpu.memory_space<vmem>>
        %gather3A_492 = tpu.vector_load_idx %gather3A_491[%add3A_284, %add3A_477] : memref<128x64xf32, #tpu.memory_space<vmem>>[vector<16xi32>, vector<16xi32>], vector<16xf32>,
        %add3A_493 = arith.addf %gather3A_482, %gather3A_487 : vector<16xf32>
        %add3A_494 = arith.addf %gather3A_482, %gather3A_492 : vector<16xf32>
        %mul3A_495 = arith.mulf %add3A_493, %add3A_494 : vector<16xf32>
        %add3A_496 = arith.constant 7 : i32
        %add3A_497 = vector.broadcast %add3A_496 : i32 to vector<16xi32>
        %add3A_498 = arith.addi %iota3A, %add3A_497 : vector<16xi32>
        %and3A_499 = arith.constant 15 : i32
        %and3A_500 = vector.broadcast %and3A_499 : i32 to vector<16xi32>
        %and3A_501 = arith.andi %add3A_498, %and3A_500 : vector<16xi32>
        %mul3A_502 = arith.constant 16 : i32
        %mul3A_503 = arith.muli %scan3A_300, %mul3A_502 : i32
        %add3A_504 = vector.broadcast %mul3A_503 : i32 to vector<16xi32>
        %add3A_505 = arith.addi %and3A_501, %add3A_504 : vector<16xi32>
        %gather3A_506 = arith.constant 0 : i32
        %gather3A_507 = arith.constant 0 : i32
        %gather3A_508 = tpu.memref_slice %arg11[%scan3A_229, %gather3A_506, %gather3A_507] : memref<2x128x64xf32, #tpu.memory_space<vmem>> -> memref<1x128x64xf32, #tpu.memory_space<vmem>>
        %gather3A_509 = tpu.memref_squeeze %gather3A_508 : memref<1x128x64xf32, #tpu.memory_space<vmem>> -> memref<128x64xf32, #tpu.memory_space<vmem>>
        %gather3A_510 = tpu.vector_load_idx %gather3A_509[%add3A_284, %add3A_505] : memref<128x64xf32, #tpu.memory_space<vmem>>[vector<16xi32>, vector<16xi32>], vector<16xf32>,
        %gather3A_511 = arith.constant 0 : i32
        %gather3A_512 = arith.constant 0 : i32
        %gather3A_513 = tpu.memref_slice %arg12[%scan3A_230, %gather3A_511, %gather3A_512] : memref<2x128x64xf32, #tpu.memory_space<vmem>> -> memref<1x128x64xf32, #tpu.memory_space<vmem>>
        %gather3A_514 = tpu.memref_squeeze %gather3A_513 : memref<1x128x64xf32, #tpu.memory_space<vmem>> -> memref<128x64xf32, #tpu.memory_space<vmem>>
        %gather3A_515 = tpu.vector_load_idx %gather3A_514[%add3A_284, %add3A_505] : memref<128x64xf32, #tpu.memory_space<vmem>>[vector<16xi32>, vector<16xi32>], vector<16xf32>,
        %gather3A_516 = arith.constant 0 : i32
        %gather3A_517 = arith.constant 0 : i32
        %gather3A_518 = tpu.memref_slice %arg13[%scan3A_231, %gather3A_516, %gather3A_517] : memref<2x128x64xf32, #tpu.memory_space<vmem>> -> memref<1x128x64xf32, #tpu.memory_space<vmem>>
        %gather3A_519 = tpu.memref_squeeze %gather3A_518 : memref<1x128x64xf32, #tpu.memory_space<vmem>> -> memref<128x64xf32, #tpu.memory_space<vmem>>
        %gather3A_520 = tpu.vector_load_idx %gather3A_519[%add3A_284, %add3A_505] : memref<128x64xf32, #tpu.memory_space<vmem>>[vector<16xi32>, vector<16xi32>], vector<16xf32>,
        %add3A_521 = arith.addf %gather3A_510, %gather3A_515 : vector<16xf32>
        %add3A_522 = arith.addf %gather3A_510, %gather3A_520 : vector<16xf32>
        %mul3A_523 = arith.mulf %add3A_521, %add3A_522 : vector<16xf32>
        %add3A_524 = arith.constant 8 : i32
        %add3A_525 = vector.broadcast %add3A_524 : i32 to vector<16xi32>
        %add3A_526 = arith.addi %iota3A, %add3A_525 : vector<16xi32>
        %and3A_527 = arith.constant 15 : i32
        %and3A_528 = vector.broadcast %and3A_527 : i32 to vector<16xi32>
        %and3A_529 = arith.andi %add3A_526, %and3A_528 : vector<16xi32>
        %mul3A_530 = arith.constant 16 : i32
        %mul3A_531 = arith.muli %scan3A_300, %mul3A_530 : i32
        %add3A_532 = vector.broadcast %mul3A_531 : i32 to vector<16xi32>
        %add3A_533 = arith.addi %and3A_529, %add3A_532 : vector<16xi32>
        %gather3A_534 = arith.constant 0 : i32
        %gather3A_535 = arith.constant 0 : i32
        %gather3A_536 = tpu.memref_slice %arg11[%scan3A_229, %gather3A_534, %gather3A_535] : memref<2x128x64xf32, #tpu.memory_space<vmem>> -> memref<1x128x64xf32, #tpu.memory_space<vmem>>
        %gather3A_537 = tpu.memref_squeeze %gather3A_536 : memref<1x128x64xf32, #tpu.memory_space<vmem>> -> memref<128x64xf32, #tpu.memory_space<vmem>>
        %gather3A_538 = tpu.vector_load_idx %gather3A_537[%add3A_284, %add3A_533] : memref<128x64xf32, #tpu.memory_space<vmem>>[vector<16xi32>, vector<16xi32>], vector<16xf32>,
        %gather3A_539 = arith.constant 0 : i32
        %gather3A_540 = arith.constant 0 : i32
        %gather3A_541 = tpu.memref_slice %arg12[%scan3A_230, %gather3A_539, %gather3A_540] : memref<2x128x64xf32, #tpu.memory_space<vmem>> -> memref<1x128x64xf32, #tpu.memory_space<vmem>>
        %gather3A_542 = tpu.memref_squeeze %gather3A_541 : memref<1x128x64xf32, #tpu.memory_space<vmem>> -> memref<128x64xf32, #tpu.memory_space<vmem>>
        %gather3A_543 = tpu.vector_load_idx %gather3A_542[%add3A_284, %add3A_533] : memref<128x64xf32, #tpu.memory_space<vmem>>[vector<16xi32>, vector<16xi32>], vector<16xf32>,
        %gather3A_544 = arith.constant 0 : i32
        %gather3A_545 = arith.constant 0 : i32
        %gather3A_546 = tpu.memref_slice %arg13[%scan3A_231, %gather3A_544, %gather3A_545] : memref<2x128x64xf32, #tpu.memory_space<vmem>> -> memref<1x128x64xf32, #tpu.memory_space<vmem>>
        %gather3A_547 = tpu.memref_squeeze %gather3A_546 : memref<1x128x64xf32, #tpu.memory_space<vmem>> -> memref<128x64xf32, #tpu.memory_space<vmem>>
        %gather3A_548 = tpu.vector_load_idx %gather3A_547[%add3A_284, %add3A_533] : memref<128x64xf32, #tpu.memory_space<vmem>>[vector<16xi32>, vector<16xi32>], vector<16xf32>,
        %add3A_549 = arith.addf %gather3A_538, %gather3A_543 : vector<16xf32>
        %add3A_550 = arith.addf %gather3A_538, %gather3A_548 : vector<16xf32>
        %mul3A_551 = arith.mulf %add3A_549, %add3A_550 : vector<16xf32>
        %add3A_552 = arith.constant 9 : i32
        %add3A_553 = vector.broadcast %add3A_552 : i32 to vector<16xi32>
        %add3A_554 = arith.addi %iota3A, %add3A_553 : vector<16xi32>
        %and3A_555 = arith.constant 15 : i32
        %and3A_556 = vector.broadcast %and3A_555 : i32 to vector<16xi32>
        %and3A_557 = arith.andi %add3A_554, %and3A_556 : vector<16xi32>
        %mul3A_558 = arith.constant 16 : i32
        %mul3A_559 = arith.muli %scan3A_300, %mul3A_558 : i32
        %add3A_560 = vector.broadcast %mul3A_559 : i32 to vector<16xi32>
        %add3A_561 = arith.addi %and3A_557, %add3A_560 : vector<16xi32>
        %gather3A_562 = arith.constant 0 : i32
        %gather3A_563 = arith.constant 0 : i32
        %gather3A_564 = tpu.memref_slice %arg11[%scan3A_229, %gather3A_562, %gather3A_563] : memref<2x128x64xf32, #tpu.memory_space<vmem>> -> memref<1x128x64xf32, #tpu.memory_space<vmem>>
        %gather3A_565 = tpu.memref_squeeze %gather3A_564 : memref<1x128x64xf32, #tpu.memory_space<vmem>> -> memref<128x64xf32, #tpu.memory_space<vmem>>
        %gather3A_566 = tpu.vector_load_idx %gather3A_565[%add3A_284, %add3A_561] : memref<128x64xf32, #tpu.memory_space<vmem>>[vector<16xi32>, vector<16xi32>], vector<16xf32>,
        %gather3A_567 = arith.constant 0 : i32
        %gather3A_568 = arith.constant 0 : i32
        %gather3A_569 = tpu.memref_slice %arg12[%scan3A_230, %gather3A_567, %gather3A_568] : memref<2x128x64xf32, #tpu.memory_space<vmem>> -> memref<1x128x64xf32, #tpu.memory_space<vmem>>
        %gather3A_570 = tpu.memref_squeeze %gather3A_569 : memref<1x128x64xf32, #tpu.memory_space<vmem>> -> memref<128x64xf32, #tpu.memory_space<vmem>>
        %gather3A_571 = tpu.vector_load_idx %gather3A_570[%add3A_284, %add3A_561] : memref<128x64xf32, #tpu.memory_space<vmem>>[vector<16xi32>, vector<16xi32>], vector<16xf32>,
        %gather3A_572 = arith.constant 0 : i32
        %gather3A_573 = arith.constant 0 : i32
        %gather3A_574 = tpu.memref_slice %arg13[%scan3A_231, %gather3A_572, %gather3A_573] : memref<2x128x64xf32, #tpu.memory_space<vmem>> -> memref<1x128x64xf32, #tpu.memory_space<vmem>>
        %gather3A_575 = tpu.memref_squeeze %gather3A_574 : memref<1x128x64xf32, #tpu.memory_space<vmem>> -> memref<128x64xf32, #tpu.memory_space<vmem>>
        %gather3A_576 = tpu.vector_load_idx %gather3A_575[%add3A_284, %add3A_561] : memref<128x64xf32, #tpu.memory_space<vmem>>[vector<16xi32>, vector<16xi32>], vector<16xf32>,
        %add3A_577 = arith.addf %gather3A_566, %gather3A_571 : vector<16xf32>
        %add3A_578 = arith.addf %gather3A_566, %gather3A_576 : vector<16xf32>
        %mul3A_579 = arith.mulf %add3A_577, %add3A_578 : vector<16xf32>
        %add3A_580 = arith.constant 10 : i32
        %add3A_581 = vector.broadcast %add3A_580 : i32 to vector<16xi32>
        %add3A_582 = arith.addi %iota3A, %add3A_581 : vector<16xi32>
        %and3A_583 = arith.constant 15 : i32
        %and3A_584 = vector.broadcast %and3A_583 : i32 to vector<16xi32>
        %and3A_585 = arith.andi %add3A_582, %and3A_584 : vector<16xi32>
        %mul3A_586 = arith.constant 16 : i32
        %mul3A_587 = arith.muli %scan3A_300, %mul3A_586 : i32
        %add3A_588 = vector.broadcast %mul3A_587 : i32 to vector<16xi32>
        %add3A_589 = arith.addi %and3A_585, %add3A_588 : vector<16xi32>
        %gather3A_590 = arith.constant 0 : i32
        %gather3A_591 = arith.constant 0 : i32
        %gather3A_592 = tpu.memref_slice %arg11[%scan3A_229, %gather3A_590, %gather3A_591] : memref<2x128x64xf32, #tpu.memory_space<vmem>> -> memref<1x128x64xf32, #tpu.memory_space<vmem>>
        %gather3A_593 = tpu.memref_squeeze %gather3A_592 : memref<1x128x64xf32, #tpu.memory_space<vmem>> -> memref<128x64xf32, #tpu.memory_space<vmem>>
        %gather3A_594 = tpu.vector_load_idx %gather3A_593[%add3A_284, %add3A_589] : memref<128x64xf32, #tpu.memory_space<vmem>>[vector<16xi32>, vector<16xi32>], vector<16xf32>,
        %gather3A_595 = arith.constant 0 : i32
        %gather3A_596 = arith.constant 0 : i32
        %gather3A_597 = tpu.memref_slice %arg12[%scan3A_230, %gather3A_595, %gather3A_596] : memref<2x128x64xf32, #tpu.memory_space<vmem>> -> memref<1x128x64xf32, #tpu.memory_space<vmem>>
        %gather3A_598 = tpu.memref_squeeze %gather3A_597 : memref<1x128x64xf32, #tpu.memory_space<vmem>> -> memref<128x64xf32, #tpu.memory_space<vmem>>
        %gather3A_599 = tpu.vector_load_idx %gather3A_598[%add3A_284, %add3A_589] : memref<128x64xf32, #tpu.memory_space<vmem>>[vector<16xi32>, vector<16xi32>], vector<16xf32>,
        %gather3A_600 = arith.constant 0 : i32
        %gather3A_601 = arith.constant 0 : i32
        %gather3A_602 = tpu.memref_slice %arg13[%scan3A_231, %gather3A_600, %gather3A_601] : memref<2x128x64xf32, #tpu.memory_space<vmem>> -> memref<1x128x64xf32, #tpu.memory_space<vmem>>
        %gather3A_603 = tpu.memref_squeeze %gather3A_602 : memref<1x128x64xf32, #tpu.memory_space<vmem>> -> memref<128x64xf32, #tpu.memory_space<vmem>>
        %gather3A_604 = tpu.vector_load_idx %gather3A_603[%add3A_284, %add3A_589] : memref<128x64xf32, #tpu.memory_space<vmem>>[vector<16xi32>, vector<16xi32>], vector<16xf32>,
        %add3A_605 = arith.addf %gather3A_594, %gather3A_599 : vector<16xf32>
        %add3A_606 = arith.addf %gather3A_594, %gather3A_604 : vector<16xf32>
        %mul3A_607 = arith.mulf %add3A_605, %add3A_606 : vector<16xf32>
        %add3A_608 = arith.constant 11 : i32
        %add3A_609 = vector.broadcast %add3A_608 : i32 to vector<16xi32>
        %add3A_610 = arith.addi %iota3A, %add3A_609 : vector<16xi32>
        %and3A_611 = arith.constant 15 : i32
        %and3A_612 = vector.broadcast %and3A_611 : i32 to vector<16xi32>
        %and3A_613 = arith.andi %add3A_610, %and3A_612 : vector<16xi32>
        %mul3A_614 = arith.constant 16 : i32
        %mul3A_615 = arith.muli %scan3A_300, %mul3A_614 : i32
        %add3A_616 = vector.broadcast %mul3A_615 : i32 to vector<16xi32>
        %add3A_617 = arith.addi %and3A_613, %add3A_616 : vector<16xi32>
        %gather3A_618 = arith.constant 0 : i32
        %gather3A_619 = arith.constant 0 : i32
        %gather3A_620 = tpu.memref_slice %arg11[%scan3A_229, %gather3A_618, %gather3A_619] : memref<2x128x64xf32, #tpu.memory_space<vmem>> -> memref<1x128x64xf32, #tpu.memory_space<vmem>>
        %gather3A_621 = tpu.memref_squeeze %gather3A_620 : memref<1x128x64xf32, #tpu.memory_space<vmem>> -> memref<128x64xf32, #tpu.memory_space<vmem>>
        %gather3A_622 = tpu.vector_load_idx %gather3A_621[%add3A_284, %add3A_617] : memref<128x64xf32, #tpu.memory_space<vmem>>[vector<16xi32>, vector<16xi32>], vector<16xf32>,
        %gather3A_623 = arith.constant 0 : i32
        %gather3A_624 = arith.constant 0 : i32
        %gather3A_625 = tpu.memref_slice %arg12[%scan3A_230, %gather3A_623, %gather3A_624] : memref<2x128x64xf32, #tpu.memory_space<vmem>> -> memref<1x128x64xf32, #tpu.memory_space<vmem>>
        %gather3A_626 = tpu.memref_squeeze %gather3A_625 : memref<1x128x64xf32, #tpu.memory_space<vmem>> -> memref<128x64xf32, #tpu.memory_space<vmem>>
        %gather3A_627 = tpu.vector_load_idx %gather3A_626[%add3A_284, %add3A_617] : memref<128x64xf32, #tpu.memory_space<vmem>>[vector<16xi32>, vector<16xi32>], vector<16xf32>,
        %gather3A_628 = arith.constant 0 : i32
        %gather3A_629 = arith.constant 0 : i32
        %gather3A_630 = tpu.memref_slice %arg13[%scan3A_231, %gather3A_628, %gather3A_629] : memref<2x128x64xf32, #tpu.memory_space<vmem>> -> memref<1x128x64xf32, #tpu.memory_space<vmem>>
        %gather3A_631 = tpu.memref_squeeze %gather3A_630 : memref<1x128x64xf32, #tpu.memory_space<vmem>> -> memref<128x64xf32, #tpu.memory_space<vmem>>
        %gather3A_632 = tpu.vector_load_idx %gather3A_631[%add3A_284, %add3A_617] : memref<128x64xf32, #tpu.memory_space<vmem>>[vector<16xi32>, vector<16xi32>], vector<16xf32>,
        %add3A_633 = arith.addf %gather3A_622, %gather3A_627 : vector<16xf32>
        %add3A_634 = arith.addf %gather3A_622, %gather3A_632 : vector<16xf32>
        %mul3A_635 = arith.mulf %add3A_633, %add3A_634 : vector<16xf32>
        %add3A_636 = arith.constant 12 : i32
        %add3A_637 = vector.broadcast %add3A_636 : i32 to vector<16xi32>
        %add3A_638 = arith.addi %iota3A, %add3A_637 : vector<16xi32>
        %and3A_639 = arith.constant 15 : i32
        %and3A_640 = vector.broadcast %and3A_639 : i32 to vector<16xi32>
        %and3A_641 = arith.andi %add3A_638, %and3A_640 : vector<16xi32>
        %mul3A_642 = arith.constant 16 : i32
        %mul3A_643 = arith.muli %scan3A_300, %mul3A_642 : i32
        %add3A_644 = vector.broadcast %mul3A_643 : i32 to vector<16xi32>
        %add3A_645 = arith.addi %and3A_641, %add3A_644 : vector<16xi32>
        %gather3A_646 = arith.constant 0 : i32
        %gather3A_647 = arith.constant 0 : i32
        %gather3A_648 = tpu.memref_slice %arg11[%scan3A_229, %gather3A_646, %gather3A_647] : memref<2x128x64xf32, #tpu.memory_space<vmem>> -> memref<1x128x64xf32, #tpu.memory_space<vmem>>
        %gather3A_649 = tpu.memref_squeeze %gather3A_648 : memref<1x128x64xf32, #tpu.memory_space<vmem>> -> memref<128x64xf32, #tpu.memory_space<vmem>>
        %gather3A_650 = tpu.vector_load_idx %gather3A_649[%add3A_284, %add3A_645] : memref<128x64xf32, #tpu.memory_space<vmem>>[vector<16xi32>, vector<16xi32>], vector<16xf32>,
        %gather3A_651 = arith.constant 0 : i32
        %gather3A_652 = arith.constant 0 : i32
        %gather3A_653 = tpu.memref_slice %arg12[%scan3A_230, %gather3A_651, %gather3A_652] : memref<2x128x64xf32, #tpu.memory_space<vmem>> -> memref<1x128x64xf32, #tpu.memory_space<vmem>>
        %gather3A_654 = tpu.memref_squeeze %gather3A_653 : memref<1x128x64xf32, #tpu.memory_space<vmem>> -> memref<128x64xf32, #tpu.memory_space<vmem>>
        %gather3A_655 = tpu.vector_load_idx %gather3A_654[%add3A_284, %add3A_645] : memref<128x64xf32, #tpu.memory_space<vmem>>[vector<16xi32>, vector<16xi32>], vector<16xf32>,
        %gather3A_656 = arith.constant 0 : i32
        %gather3A_657 = arith.constant 0 : i32
        %gather3A_658 = tpu.memref_slice %arg13[%scan3A_231, %gather3A_656, %gather3A_657] : memref<2x128x64xf32, #tpu.memory_space<vmem>> -> memref<1x128x64xf32, #tpu.memory_space<vmem>>
        %gather3A_659 = tpu.memref_squeeze %gather3A_658 : memref<1x128x64xf32, #tpu.memory_space<vmem>> -> memref<128x64xf32, #tpu.memory_space<vmem>>
        %gather3A_660 = tpu.vector_load_idx %gather3A_659[%add3A_284, %add3A_645] : memref<128x64xf32, #tpu.memory_space<vmem>>[vector<16xi32>, vector<16xi32>], vector<16xf32>,
        %add3A_661 = arith.addf %gather3A_650, %gather3A_655 : vector<16xf32>
        %add3A_662 = arith.addf %gather3A_650, %gather3A_660 : vector<16xf32>
        %mul3A_663 = arith.mulf %add3A_661, %add3A_662 : vector<16xf32>
        %add3A_664 = arith.constant 13 : i32
        %add3A_665 = vector.broadcast %add3A_664 : i32 to vector<16xi32>
        %add3A_666 = arith.addi %iota3A, %add3A_665 : vector<16xi32>
        %and3A_667 = arith.constant 15 : i32
        %and3A_668 = vector.broadcast %and3A_667 : i32 to vector<16xi32>
        %and3A_669 = arith.andi %add3A_666, %and3A_668 : vector<16xi32>
        %mul3A_670 = arith.constant 16 : i32
        %mul3A_671 = arith.muli %scan3A_300, %mul3A_670 : i32
        %add3A_672 = vector.broadcast %mul3A_671 : i32 to vector<16xi32>
        %add3A_673 = arith.addi %and3A_669, %add3A_672 : vector<16xi32>
        %gather3A_674 = arith.constant 0 : i32
        %gather3A_675 = arith.constant 0 : i32
        %gather3A_676 = tpu.memref_slice %arg11[%scan3A_229, %gather3A_674, %gather3A_675] : memref<2x128x64xf32, #tpu.memory_space<vmem>> -> memref<1x128x64xf32, #tpu.memory_space<vmem>>
        %gather3A_677 = tpu.memref_squeeze %gather3A_676 : memref<1x128x64xf32, #tpu.memory_space<vmem>> -> memref<128x64xf32, #tpu.memory_space<vmem>>
        %gather3A_678 = tpu.vector_load_idx %gather3A_677[%add3A_284, %add3A_673] : memref<128x64xf32, #tpu.memory_space<vmem>>[vector<16xi32>, vector<16xi32>], vector<16xf32>,
        %gather3A_679 = arith.constant 0 : i32
        %gather3A_680 = arith.constant 0 : i32
        %gather3A_681 = tpu.memref_slice %arg12[%scan3A_230, %gather3A_679, %gather3A_680] : memref<2x128x64xf32, #tpu.memory_space<vmem>> -> memref<1x128x64xf32, #tpu.memory_space<vmem>>
        %gather3A_682 = tpu.memref_squeeze %gather3A_681 : memref<1x128x64xf32, #tpu.memory_space<vmem>> -> memref<128x64xf32, #tpu.memory_space<vmem>>
        %gather3A_683 = tpu.vector_load_idx %gather3A_682[%add3A_284, %add3A_673] : memref<128x64xf32, #tpu.memory_space<vmem>>[vector<16xi32>, vector<16xi32>], vector<16xf32>,
        %gather3A_684 = arith.constant 0 : i32
        %gather3A_685 = arith.constant 0 : i32
        %gather3A_686 = tpu.memref_slice %arg13[%scan3A_231, %gather3A_684, %gather3A_685] : memref<2x128x64xf32, #tpu.memory_space<vmem>> -> memref<1x128x64xf32, #tpu.memory_space<vmem>>
        %gather3A_687 = tpu.memref_squeeze %gather3A_686 : memref<1x128x64xf32, #tpu.memory_space<vmem>> -> memref<128x64xf32, #tpu.memory_space<vmem>>
        %gather3A_688 = tpu.vector_load_idx %gather3A_687[%add3A_284, %add3A_673] : memref<128x64xf32, #tpu.memory_space<vmem>>[vector<16xi32>, vector<16xi32>], vector<16xf32>,
        %add3A_689 = arith.addf %gather3A_678, %gather3A_683 : vector<16xf32>
        %add3A_690 = arith.addf %gather3A_678, %gather3A_688 : vector<16xf32>
        %mul3A_691 = arith.mulf %add3A_689, %add3A_690 : vector<16xf32>
        %add3A_692 = arith.constant 14 : i32
        %add3A_693 = vector.broadcast %add3A_692 : i32 to vector<16xi32>
        %add3A_694 = arith.addi %iota3A, %add3A_693 : vector<16xi32>
        %and3A_695 = arith.constant 15 : i32
        %and3A_696 = vector.broadcast %and3A_695 : i32 to vector<16xi32>
        %and3A_697 = arith.andi %add3A_694, %and3A_696 : vector<16xi32>
        %mul3A_698 = arith.constant 16 : i32
        %mul3A_699 = arith.muli %scan3A_300, %mul3A_698 : i32
        %add3A_700 = vector.broadcast %mul3A_699 : i32 to vector<16xi32>
        %add3A_701 = arith.addi %and3A_697, %add3A_700 : vector<16xi32>
        %gather3A_702 = arith.constant 0 : i32
        %gather3A_703 = arith.constant 0 : i32
        %gather3A_704 = tpu.memref_slice %arg11[%scan3A_229, %gather3A_702, %gather3A_703] : memref<2x128x64xf32, #tpu.memory_space<vmem>> -> memref<1x128x64xf32, #tpu.memory_space<vmem>>
        %gather3A_705 = tpu.memref_squeeze %gather3A_704 : memref<1x128x64xf32, #tpu.memory_space<vmem>> -> memref<128x64xf32, #tpu.memory_space<vmem>>
        %gather3A_706 = tpu.vector_load_idx %gather3A_705[%add3A_284, %add3A_701] : memref<128x64xf32, #tpu.memory_space<vmem>>[vector<16xi32>, vector<16xi32>], vector<16xf32>,
        %gather3A_707 = arith.constant 0 : i32
        %gather3A_708 = arith.constant 0 : i32
        %gather3A_709 = tpu.memref_slice %arg12[%scan3A_230, %gather3A_707, %gather3A_708] : memref<2x128x64xf32, #tpu.memory_space<vmem>> -> memref<1x128x64xf32, #tpu.memory_space<vmem>>
        %gather3A_710 = tpu.memref_squeeze %gather3A_709 : memref<1x128x64xf32, #tpu.memory_space<vmem>> -> memref<128x64xf32, #tpu.memory_space<vmem>>
        %gather3A_711 = tpu.vector_load_idx %gather3A_710[%add3A_284, %add3A_701] : memref<128x64xf32, #tpu.memory_space<vmem>>[vector<16xi32>, vector<16xi32>], vector<16xf32>,
        %gather3A_712 = arith.constant 0 : i32
        %gather3A_713 = arith.constant 0 : i32
        %gather3A_714 = tpu.memref_slice %arg13[%scan3A_231, %gather3A_712, %gather3A_713] : memref<2x128x64xf32, #tpu.memory_space<vmem>> -> memref<1x128x64xf32, #tpu.memory_space<vmem>>
        %gather3A_715 = tpu.memref_squeeze %gather3A_714 : memref<1x128x64xf32, #tpu.memory_space<vmem>> -> memref<128x64xf32, #tpu.memory_space<vmem>>
        %gather3A_716 = tpu.vector_load_idx %gather3A_715[%add3A_284, %add3A_701] : memref<128x64xf32, #tpu.memory_space<vmem>>[vector<16xi32>, vector<16xi32>], vector<16xf32>,
        %add3A_717 = arith.addf %gather3A_706, %gather3A_711 : vector<16xf32>
        %add3A_718 = arith.addf %gather3A_706, %gather3A_716 : vector<16xf32>
        %mul3A_719 = arith.mulf %add3A_717, %add3A_718 : vector<16xf32>
        %add3A_720 = arith.constant 15 : i32
        %add3A_721 = vector.broadcast %add3A_720 : i32 to vector<16xi32>
        %add3A_722 = arith.addi %iota3A, %add3A_721 : vector<16xi32>
        %and3A_723 = arith.constant 15 : i32
        %and3A_724 = vector.broadcast %and3A_723 : i32 to vector<16xi32>
        %and3A_725 = arith.andi %add3A_722, %and3A_724 : vector<16xi32>
        %mul3A_726 = arith.constant 16 : i32
        %mul3A_727 = arith.muli %scan3A_300, %mul3A_726 : i32
        %add3A_728 = vector.broadcast %mul3A_727 : i32 to vector<16xi32>
        %add3A_729 = arith.addi %and3A_725, %add3A_728 : vector<16xi32>
        %gather3A_730 = arith.constant 0 : i32
        %gather3A_731 = arith.constant 0 : i32
        %gather3A_732 = tpu.memref_slice %arg11[%scan3A_229, %gather3A_730, %gather3A_731] : memref<2x128x64xf32, #tpu.memory_space<vmem>> -> memref<1x128x64xf32, #tpu.memory_space<vmem>>
        %gather3A_733 = tpu.memref_squeeze %gather3A_732 : memref<1x128x64xf32, #tpu.memory_space<vmem>> -> memref<128x64xf32, #tpu.memory_space<vmem>>
        %gather3A_734 = tpu.vector_load_idx %gather3A_733[%add3A_284, %add3A_729] : memref<128x64xf32, #tpu.memory_space<vmem>>[vector<16xi32>, vector<16xi32>], vector<16xf32>,
        %gather3A_735 = arith.constant 0 : i32
        %gather3A_736 = arith.constant 0 : i32
        %gather3A_737 = tpu.memref_slice %arg12[%scan3A_230, %gather3A_735, %gather3A_736] : memref<2x128x64xf32, #tpu.memory_space<vmem>> -> memref<1x128x64xf32, #tpu.memory_space<vmem>>
        %gather3A_738 = tpu.memref_squeeze %gather3A_737 : memref<1x128x64xf32, #tpu.memory_space<vmem>> -> memref<128x64xf32, #tpu.memory_space<vmem>>
        %gather3A_739 = tpu.vector_load_idx %gather3A_738[%add3A_284, %add3A_729] : memref<128x64xf32, #tpu.memory_space<vmem>>[vector<16xi32>, vector<16xi32>], vector<16xf32>,
        %gather3A_740 = arith.constant 0 : i32
        %gather3A_741 = arith.constant 0 : i32
        %gather3A_742 = tpu.memref_slice %arg13[%scan3A_231, %gather3A_740, %gather3A_741] : memref<2x128x64xf32, #tpu.memory_space<vmem>> -> memref<1x128x64xf32, #tpu.memory_space<vmem>>
        %gather3A_743 = tpu.memref_squeeze %gather3A_742 : memref<1x128x64xf32, #tpu.memory_space<vmem>> -> memref<128x64xf32, #tpu.memory_space<vmem>>
        %gather3A_744 = tpu.vector_load_idx %gather3A_743[%add3A_284, %add3A_729] : memref<128x64xf32, #tpu.memory_space<vmem>>[vector<16xi32>, vector<16xi32>], vector<16xf32>,
        %add3A_745 = arith.addf %gather3A_734, %gather3A_739 : vector<16xf32>
        %add3A_746 = arith.addf %gather3A_734, %gather3A_744 : vector<16xf32>
        %mul3A_747 = arith.mulf %add3A_745, %add3A_746 : vector<16xf32>
        %add3A_748 = arith.addf %mul3A_327, %mul3A_355 : vector<16xf32>
        %add3A_749 = arith.addf %mul3A_383, %mul3A_411 : vector<16xf32>
        %add3A_750 = arith.addf %add3A_748, %add3A_749 : vector<16xf32>
        %add3A_751 = arith.addf %mul3A_439, %mul3A_467 : vector<16xf32>
        %add3A_752 = arith.addf %mul3A_495, %mul3A_523 : vector<16xf32>
        %add3A_753 = arith.addf %add3A_751, %add3A_752 : vector<16xf32>
        %add3A_754 = arith.addf %mul3A_551, %mul3A_579 : vector<16xf32>
        %add3A_755 = arith.addf %mul3A_607, %mul3A_635 : vector<16xf32>
        %add3A_756 = arith.addf %add3A_754, %add3A_755 : vector<16xf32>
        %add3A_757 = arith.addf %mul3A_663, %mul3A_691 : vector<16xf32>
        %add3A_758 = arith.addf %mul3A_719, %mul3A_747 : vector<16xf32>
        %add3A_759 = arith.addf %add3A_757, %add3A_758 : vector<16xf32>
        %add3A_760 = arith.addf %add3A_750, %add3A_753 : vector<16xf32>
        %add3A_761 = arith.addf %add3A_756, %add3A_759 : vector<16xf32>
        %add3A_762 = arith.addf %add3A_760, %add3A_761 : vector<16xf32>
        %add3A_763 = arith.addf %scan3A_301, %add3A_762 : vector<16xf32>
        scf.yield %add3A_763 : vector<16xf32>
      }
      %scan3A_291 = arith.constant 4 : i32
      %neg3A = arith.constant 0.000000e+00 : f32
      %neg3A_292 = vector.broadcast %neg3A : f32 to vector<16xf32>
      %neg3A_293 = arith.subf %neg3A_292, %scan3A_290 : vector<16xf32>
      %exp3A = math.exp %neg3A_293 : vector<16xf32>
      %add3A_294 = arith.constant 1.000000e+00 : f32
      %add3A_295 = vector.broadcast %add3A_294 : f32 to vector<16xf32>
      %add3A_296 = arith.addf %add3A_295, %exp3A : vector<16xf32>
      %div3A = arith.constant 1.000000e+00 : f32
      %div3A_297 = vector.broadcast %div3A : f32 to vector<16xf32>
      %div3A_298 = arith.divf %div3A_297, %add3A_296 : vector<16xf32>
      %swap3A = arith.index_cast %add3A_280 : i32 to index
      %swap3A_299 = tpu.vector_load %arg14[%swap3A] {strides = array<i32>} : memref<512xf32, #tpu.memory_space<vmem>>, vector<16xf32>,
      tpu.vector_store %arg14[%swap3A], %div3A_298 {strides = array<i32>} : memref<512xf32, #tpu.memory_space<vmem>>, vector<16xf32>,
    }
    %scan3A_236 = arith.constant 8 : i32
    %dma_wait3A_237 = arith.constant 1 : i32
    %dma_wait3A_238 = arith.constant 0 : i32
    %dma_wait3A_239 = arith.constant 0 : i32
    %dma_wait3A_240 = tpu.memref_slice %arg11[%dma_wait3A_237, %dma_wait3A_238, %dma_wait3A_239] : memref<2x128x64xf32, #tpu.memory_space<vmem>> -> memref<1x128x64xf32, #tpu.memory_space<vmem>>
    %dma_wait3A_241 = tpu.memref_squeeze %dma_wait3A_240 : memref<1x128x64xf32, #tpu.memory_space<vmem>> -> memref<128x64xf32, #tpu.memory_space<vmem>>
    %dma_wait3A_242 = arith.constant 384 : i32
    %dma_wait3A_243 = tpu.memref_slice %arg8[%dma_wait3A_242] : memref<512xi32, #tpu.memory_space<vmem>> -> memref<128xi32, #tpu.memory_space<vmem>>
    %dma_wait3A_244 = arith.constant 0 : i32
    %dma_wait3A_245 = arith.constant 0 : i32
    %dma_wait3A_246 = tpu.memref_slice %arg5[%dma_wait3A_244, %dma_wait3A_245] : memref<100000x64xf32, #tpu.memory_space<hbm>> -> memref<100000x64xf32, #tpu.memory_space<hbm>>
    tpu.wait_indirect_dma semaphore(%arg16 : memref<!tpu.dma_semaphore, #tpu.memory_space<semaphore_mem>>) src(%dma_wait3A_246 : memref<100000x64xf32, #tpu.memory_space<hbm>>) dst(%dma_wait3A_241 : memref<128x64xf32, #tpu.memory_space<vmem>>)
    %dma_wait3A_247 = arith.constant 1 : i32
    %dma_wait3A_248 = arith.constant 0 : i32
    %dma_wait3A_249 = arith.constant 0 : i32
    %dma_wait3A_250 = tpu.memref_slice %arg12[%dma_wait3A_247, %dma_wait3A_248, %dma_wait3A_249] : memref<2x128x64xf32, #tpu.memory_space<vmem>> -> memref<1x128x64xf32, #tpu.memory_space<vmem>>
    %dma_wait3A_251 = tpu.memref_squeeze %dma_wait3A_250 : memref<1x128x64xf32, #tpu.memory_space<vmem>> -> memref<128x64xf32, #tpu.memory_space<vmem>>
    %dma_wait3A_252 = arith.constant 384 : i32
    %dma_wait3A_253 = tpu.memref_slice %arg9[%dma_wait3A_252] : memref<512xi32, #tpu.memory_space<vmem>> -> memref<128xi32, #tpu.memory_space<vmem>>
    %dma_wait3A_254 = arith.constant 0 : i32
    %dma_wait3A_255 = arith.constant 0 : i32
    %dma_wait3A_256 = tpu.memref_slice %arg6[%dma_wait3A_254, %dma_wait3A_255] : memref<1000000x64xf32, #tpu.memory_space<hbm>> -> memref<1000000x64xf32, #tpu.memory_space<hbm>>
    tpu.wait_indirect_dma semaphore(%arg16 : memref<!tpu.dma_semaphore, #tpu.memory_space<semaphore_mem>>) src(%dma_wait3A_256 : memref<1000000x64xf32, #tpu.memory_space<hbm>>) dst(%dma_wait3A_251 : memref<128x64xf32, #tpu.memory_space<vmem>>)
    %dma_wait3A_257 = arith.constant 1 : i32
    %dma_wait3A_258 = arith.constant 0 : i32
    %dma_wait3A_259 = arith.constant 0 : i32
    %dma_wait3A_260 = tpu.memref_slice %arg13[%dma_wait3A_257, %dma_wait3A_258, %dma_wait3A_259] : memref<2x128x64xf32, #tpu.memory_space<vmem>> -> memref<1x128x64xf32, #tpu.memory_space<vmem>>
    %dma_wait3A_261 = tpu.memref_squeeze %dma_wait3A_260 : memref<1x128x64xf32, #tpu.memory_space<vmem>> -> memref<128x64xf32, #tpu.memory_space<vmem>>
    %dma_wait3A_262 = arith.constant 384 : i32
    %dma_wait3A_263 = tpu.memref_slice %arg10[%dma_wait3A_262] : memref<512xi32, #tpu.memory_space<vmem>> -> memref<128xi32, #tpu.memory_space<vmem>>
    %dma_wait3A_264 = arith.constant 0 : i32
    %dma_wait3A_265 = arith.constant 0 : i32
    %dma_wait3A_266 = tpu.memref_slice %arg6[%dma_wait3A_264, %dma_wait3A_265] : memref<1000000x64xf32, #tpu.memory_space<hbm>> -> memref<1000000x64xf32, #tpu.memory_space<hbm>>
    tpu.wait_indirect_dma semaphore(%arg16 : memref<!tpu.dma_semaphore, #tpu.memory_space<semaphore_mem>>) src(%dma_wait3A_266 : memref<1000000x64xf32, #tpu.memory_space<hbm>>) dst(%dma_wait3A_261 : memref<128x64xf32, #tpu.memory_space<vmem>>)
    %scan3A_267 = arith.constant 0 : i32
    %scan3A_268 = arith.constant 1 : i32
    %scan3A_269 = arith.constant 1 : i32
    %scan3A_270 = arith.constant 1 : i32
    %scan3A_271 = arith.constant 0 : i32
    %scan3A_272 = arith.constant 8 : i32
    %scan3A_273 = arith.addi %scan3A_271, %scan3A_272 : i32
    %scan3A_274 = arith.constant 1 : i32
    scf.for %scan3A_276 = %scan3A_271 to %scan3A_273 step %scan3A_274  : i32 {
      %mul3A_277 = arith.constant 16 : i32
      %mul3A_278 = arith.muli %scan3A_276, %mul3A_277 : i32
      %add3A_279 = arith.constant 384 : i32
      %add3A_280 = arith.addi %add3A_279, %mul3A_278 : i32
      %mul3A_281 = arith.constant 16 : i32
      %mul3A_282 = arith.muli %scan3A_276, %mul3A_281 : i32
      %add3A_283 = vector.broadcast %mul3A_282 : i32 to vector<16xi32>
      %add3A_284 = arith.addi %iota3A, %add3A_283 : vector<16xi32>
      %broadcast_in_dim3A = arith.constant 0.000000e+00 : f32
      %broadcast_in_dim3A_285 = vector.broadcast %broadcast_in_dim3A : f32 to vector<16xf32>
      %scan3A_286 = arith.constant 0 : i32
      %scan3A_287 = arith.constant 4 : i32
      %scan3A_288 = arith.addi %scan3A_286, %scan3A_287 : i32
      %scan3A_289 = arith.constant 1 : i32
      %scan3A_290 = scf.for %scan3A_300 = %scan3A_286 to %scan3A_288 step %scan3A_289 iter_args(%scan3A_301 = %broadcast_in_dim3A_285) -> (vector<16xf32>)  : i32 {
        %add3A_302 = arith.constant 0 : i32
        %add3A_303 = vector.broadcast %add3A_302 : i32 to vector<16xi32>
        %add3A_304 = arith.addi %iota3A, %add3A_303 : vector<16xi32>
        %and3A = arith.constant 15 : i32
        %and3A_305 = vector.broadcast %and3A : i32 to vector<16xi32>
        %and3A_306 = arith.andi %add3A_304, %and3A_305 : vector<16xi32>
        %mul3A_307 = arith.constant 16 : i32
        %mul3A_308 = arith.muli %scan3A_300, %mul3A_307 : i32
        %add3A_309 = vector.broadcast %mul3A_308 : i32 to vector<16xi32>
        %add3A_310 = arith.addi %and3A_306, %add3A_309 : vector<16xi32>
        %gather3A = arith.constant 0 : i32
        %gather3A_311 = arith.constant 0 : i32
        %gather3A_312 = tpu.memref_slice %arg11[%scan3A_268, %gather3A, %gather3A_311] : memref<2x128x64xf32, #tpu.memory_space<vmem>> -> memref<1x128x64xf32, #tpu.memory_space<vmem>>
        %gather3A_313 = tpu.memref_squeeze %gather3A_312 : memref<1x128x64xf32, #tpu.memory_space<vmem>> -> memref<128x64xf32, #tpu.memory_space<vmem>>
        %gather3A_314 = tpu.vector_load_idx %gather3A_313[%add3A_284, %add3A_310] : memref<128x64xf32, #tpu.memory_space<vmem>>[vector<16xi32>, vector<16xi32>], vector<16xf32>,
        %gather3A_315 = arith.constant 0 : i32
        %gather3A_316 = arith.constant 0 : i32
        %gather3A_317 = tpu.memref_slice %arg12[%scan3A_269, %gather3A_315, %gather3A_316] : memref<2x128x64xf32, #tpu.memory_space<vmem>> -> memref<1x128x64xf32, #tpu.memory_space<vmem>>
        %gather3A_318 = tpu.memref_squeeze %gather3A_317 : memref<1x128x64xf32, #tpu.memory_space<vmem>> -> memref<128x64xf32, #tpu.memory_space<vmem>>
        %gather3A_319 = tpu.vector_load_idx %gather3A_318[%add3A_284, %add3A_310] : memref<128x64xf32, #tpu.memory_space<vmem>>[vector<16xi32>, vector<16xi32>], vector<16xf32>,
        %gather3A_320 = arith.constant 0 : i32
        %gather3A_321 = arith.constant 0 : i32
        %gather3A_322 = tpu.memref_slice %arg13[%scan3A_270, %gather3A_320, %gather3A_321] : memref<2x128x64xf32, #tpu.memory_space<vmem>> -> memref<1x128x64xf32, #tpu.memory_space<vmem>>
        %gather3A_323 = tpu.memref_squeeze %gather3A_322 : memref<1x128x64xf32, #tpu.memory_space<vmem>> -> memref<128x64xf32, #tpu.memory_space<vmem>>
        %gather3A_324 = tpu.vector_load_idx %gather3A_323[%add3A_284, %add3A_310] : memref<128x64xf32, #tpu.memory_space<vmem>>[vector<16xi32>, vector<16xi32>], vector<16xf32>,
        %add3A_325 = arith.addf %gather3A_314, %gather3A_319 : vector<16xf32>
        %add3A_326 = arith.addf %gather3A_314, %gather3A_324 : vector<16xf32>
        %mul3A_327 = arith.mulf %add3A_325, %add3A_326 : vector<16xf32>
        %add3A_328 = arith.constant 1 : i32
        %add3A_329 = vector.broadcast %add3A_328 : i32 to vector<16xi32>
        %add3A_330 = arith.addi %iota3A, %add3A_329 : vector<16xi32>
        %and3A_331 = arith.constant 15 : i32
        %and3A_332 = vector.broadcast %and3A_331 : i32 to vector<16xi32>
        %and3A_333 = arith.andi %add3A_330, %and3A_332 : vector<16xi32>
        %mul3A_334 = arith.constant 16 : i32
        %mul3A_335 = arith.muli %scan3A_300, %mul3A_334 : i32
        %add3A_336 = vector.broadcast %mul3A_335 : i32 to vector<16xi32>
        %add3A_337 = arith.addi %and3A_333, %add3A_336 : vector<16xi32>
        %gather3A_338 = arith.constant 0 : i32
        %gather3A_339 = arith.constant 0 : i32
        %gather3A_340 = tpu.memref_slice %arg11[%scan3A_268, %gather3A_338, %gather3A_339] : memref<2x128x64xf32, #tpu.memory_space<vmem>> -> memref<1x128x64xf32, #tpu.memory_space<vmem>>
        %gather3A_341 = tpu.memref_squeeze %gather3A_340 : memref<1x128x64xf32, #tpu.memory_space<vmem>> -> memref<128x64xf32, #tpu.memory_space<vmem>>
        %gather3A_342 = tpu.vector_load_idx %gather3A_341[%add3A_284, %add3A_337] : memref<128x64xf32, #tpu.memory_space<vmem>>[vector<16xi32>, vector<16xi32>], vector<16xf32>,
        %gather3A_343 = arith.constant 0 : i32
        %gather3A_344 = arith.constant 0 : i32
        %gather3A_345 = tpu.memref_slice %arg12[%scan3A_269, %gather3A_343, %gather3A_344] : memref<2x128x64xf32, #tpu.memory_space<vmem>> -> memref<1x128x64xf32, #tpu.memory_space<vmem>>
        %gather3A_346 = tpu.memref_squeeze %gather3A_345 : memref<1x128x64xf32, #tpu.memory_space<vmem>> -> memref<128x64xf32, #tpu.memory_space<vmem>>
        %gather3A_347 = tpu.vector_load_idx %gather3A_346[%add3A_284, %add3A_337] : memref<128x64xf32, #tpu.memory_space<vmem>>[vector<16xi32>, vector<16xi32>], vector<16xf32>,
        %gather3A_348 = arith.constant 0 : i32
        %gather3A_349 = arith.constant 0 : i32
        %gather3A_350 = tpu.memref_slice %arg13[%scan3A_270, %gather3A_348, %gather3A_349] : memref<2x128x64xf32, #tpu.memory_space<vmem>> -> memref<1x128x64xf32, #tpu.memory_space<vmem>>
        %gather3A_351 = tpu.memref_squeeze %gather3A_350 : memref<1x128x64xf32, #tpu.memory_space<vmem>> -> memref<128x64xf32, #tpu.memory_space<vmem>>
        %gather3A_352 = tpu.vector_load_idx %gather3A_351[%add3A_284, %add3A_337] : memref<128x64xf32, #tpu.memory_space<vmem>>[vector<16xi32>, vector<16xi32>], vector<16xf32>,
        %add3A_353 = arith.addf %gather3A_342, %gather3A_347 : vector<16xf32>
        %add3A_354 = arith.addf %gather3A_342, %gather3A_352 : vector<16xf32>
        %mul3A_355 = arith.mulf %add3A_353, %add3A_354 : vector<16xf32>
        %add3A_356 = arith.constant 2 : i32
        %add3A_357 = vector.broadcast %add3A_356 : i32 to vector<16xi32>
        %add3A_358 = arith.addi %iota3A, %add3A_357 : vector<16xi32>
        %and3A_359 = arith.constant 15 : i32
        %and3A_360 = vector.broadcast %and3A_359 : i32 to vector<16xi32>
        %and3A_361 = arith.andi %add3A_358, %and3A_360 : vector<16xi32>
        %mul3A_362 = arith.constant 16 : i32
        %mul3A_363 = arith.muli %scan3A_300, %mul3A_362 : i32
        %add3A_364 = vector.broadcast %mul3A_363 : i32 to vector<16xi32>
        %add3A_365 = arith.addi %and3A_361, %add3A_364 : vector<16xi32>
        %gather3A_366 = arith.constant 0 : i32
        %gather3A_367 = arith.constant 0 : i32
        %gather3A_368 = tpu.memref_slice %arg11[%scan3A_268, %gather3A_366, %gather3A_367] : memref<2x128x64xf32, #tpu.memory_space<vmem>> -> memref<1x128x64xf32, #tpu.memory_space<vmem>>
        %gather3A_369 = tpu.memref_squeeze %gather3A_368 : memref<1x128x64xf32, #tpu.memory_space<vmem>> -> memref<128x64xf32, #tpu.memory_space<vmem>>
        %gather3A_370 = tpu.vector_load_idx %gather3A_369[%add3A_284, %add3A_365] : memref<128x64xf32, #tpu.memory_space<vmem>>[vector<16xi32>, vector<16xi32>], vector<16xf32>,
        %gather3A_371 = arith.constant 0 : i32
        %gather3A_372 = arith.constant 0 : i32
        %gather3A_373 = tpu.memref_slice %arg12[%scan3A_269, %gather3A_371, %gather3A_372] : memref<2x128x64xf32, #tpu.memory_space<vmem>> -> memref<1x128x64xf32, #tpu.memory_space<vmem>>
        %gather3A_374 = tpu.memref_squeeze %gather3A_373 : memref<1x128x64xf32, #tpu.memory_space<vmem>> -> memref<128x64xf32, #tpu.memory_space<vmem>>
        %gather3A_375 = tpu.vector_load_idx %gather3A_374[%add3A_284, %add3A_365] : memref<128x64xf32, #tpu.memory_space<vmem>>[vector<16xi32>, vector<16xi32>], vector<16xf32>,
        %gather3A_376 = arith.constant 0 : i32
        %gather3A_377 = arith.constant 0 : i32
        %gather3A_378 = tpu.memref_slice %arg13[%scan3A_270, %gather3A_376, %gather3A_377] : memref<2x128x64xf32, #tpu.memory_space<vmem>> -> memref<1x128x64xf32, #tpu.memory_space<vmem>>
        %gather3A_379 = tpu.memref_squeeze %gather3A_378 : memref<1x128x64xf32, #tpu.memory_space<vmem>> -> memref<128x64xf32, #tpu.memory_space<vmem>>
        %gather3A_380 = tpu.vector_load_idx %gather3A_379[%add3A_284, %add3A_365] : memref<128x64xf32, #tpu.memory_space<vmem>>[vector<16xi32>, vector<16xi32>], vector<16xf32>,
        %add3A_381 = arith.addf %gather3A_370, %gather3A_375 : vector<16xf32>
        %add3A_382 = arith.addf %gather3A_370, %gather3A_380 : vector<16xf32>
        %mul3A_383 = arith.mulf %add3A_381, %add3A_382 : vector<16xf32>
        %add3A_384 = arith.constant 3 : i32
        %add3A_385 = vector.broadcast %add3A_384 : i32 to vector<16xi32>
        %add3A_386 = arith.addi %iota3A, %add3A_385 : vector<16xi32>
        %and3A_387 = arith.constant 15 : i32
        %and3A_388 = vector.broadcast %and3A_387 : i32 to vector<16xi32>
        %and3A_389 = arith.andi %add3A_386, %and3A_388 : vector<16xi32>
        %mul3A_390 = arith.constant 16 : i32
        %mul3A_391 = arith.muli %scan3A_300, %mul3A_390 : i32
        %add3A_392 = vector.broadcast %mul3A_391 : i32 to vector<16xi32>
        %add3A_393 = arith.addi %and3A_389, %add3A_392 : vector<16xi32>
        %gather3A_394 = arith.constant 0 : i32
        %gather3A_395 = arith.constant 0 : i32
        %gather3A_396 = tpu.memref_slice %arg11[%scan3A_268, %gather3A_394, %gather3A_395] : memref<2x128x64xf32, #tpu.memory_space<vmem>> -> memref<1x128x64xf32, #tpu.memory_space<vmem>>
        %gather3A_397 = tpu.memref_squeeze %gather3A_396 : memref<1x128x64xf32, #tpu.memory_space<vmem>> -> memref<128x64xf32, #tpu.memory_space<vmem>>
        %gather3A_398 = tpu.vector_load_idx %gather3A_397[%add3A_284, %add3A_393] : memref<128x64xf32, #tpu.memory_space<vmem>>[vector<16xi32>, vector<16xi32>], vector<16xf32>,
        %gather3A_399 = arith.constant 0 : i32
        %gather3A_400 = arith.constant 0 : i32
        %gather3A_401 = tpu.memref_slice %arg12[%scan3A_269, %gather3A_399, %gather3A_400] : memref<2x128x64xf32, #tpu.memory_space<vmem>> -> memref<1x128x64xf32, #tpu.memory_space<vmem>>
        %gather3A_402 = tpu.memref_squeeze %gather3A_401 : memref<1x128x64xf32, #tpu.memory_space<vmem>> -> memref<128x64xf32, #tpu.memory_space<vmem>>
        %gather3A_403 = tpu.vector_load_idx %gather3A_402[%add3A_284, %add3A_393] : memref<128x64xf32, #tpu.memory_space<vmem>>[vector<16xi32>, vector<16xi32>], vector<16xf32>,
        %gather3A_404 = arith.constant 0 : i32
        %gather3A_405 = arith.constant 0 : i32
        %gather3A_406 = tpu.memref_slice %arg13[%scan3A_270, %gather3A_404, %gather3A_405] : memref<2x128x64xf32, #tpu.memory_space<vmem>> -> memref<1x128x64xf32, #tpu.memory_space<vmem>>
        %gather3A_407 = tpu.memref_squeeze %gather3A_406 : memref<1x128x64xf32, #tpu.memory_space<vmem>> -> memref<128x64xf32, #tpu.memory_space<vmem>>
        %gather3A_408 = tpu.vector_load_idx %gather3A_407[%add3A_284, %add3A_393] : memref<128x64xf32, #tpu.memory_space<vmem>>[vector<16xi32>, vector<16xi32>], vector<16xf32>,
        %add3A_409 = arith.addf %gather3A_398, %gather3A_403 : vector<16xf32>
        %add3A_410 = arith.addf %gather3A_398, %gather3A_408 : vector<16xf32>
        %mul3A_411 = arith.mulf %add3A_409, %add3A_410 : vector<16xf32>
        %add3A_412 = arith.constant 4 : i32
        %add3A_413 = vector.broadcast %add3A_412 : i32 to vector<16xi32>
        %add3A_414 = arith.addi %iota3A, %add3A_413 : vector<16xi32>
        %and3A_415 = arith.constant 15 : i32
        %and3A_416 = vector.broadcast %and3A_415 : i32 to vector<16xi32>
        %and3A_417 = arith.andi %add3A_414, %and3A_416 : vector<16xi32>
        %mul3A_418 = arith.constant 16 : i32
        %mul3A_419 = arith.muli %scan3A_300, %mul3A_418 : i32
        %add3A_420 = vector.broadcast %mul3A_419 : i32 to vector<16xi32>
        %add3A_421 = arith.addi %and3A_417, %add3A_420 : vector<16xi32>
        %gather3A_422 = arith.constant 0 : i32
        %gather3A_423 = arith.constant 0 : i32
        %gather3A_424 = tpu.memref_slice %arg11[%scan3A_268, %gather3A_422, %gather3A_423] : memref<2x128x64xf32, #tpu.memory_space<vmem>> -> memref<1x128x64xf32, #tpu.memory_space<vmem>>
        %gather3A_425 = tpu.memref_squeeze %gather3A_424 : memref<1x128x64xf32, #tpu.memory_space<vmem>> -> memref<128x64xf32, #tpu.memory_space<vmem>>
        %gather3A_426 = tpu.vector_load_idx %gather3A_425[%add3A_284, %add3A_421] : memref<128x64xf32, #tpu.memory_space<vmem>>[vector<16xi32>, vector<16xi32>], vector<16xf32>,
        %gather3A_427 = arith.constant 0 : i32
        %gather3A_428 = arith.constant 0 : i32
        %gather3A_429 = tpu.memref_slice %arg12[%scan3A_269, %gather3A_427, %gather3A_428] : memref<2x128x64xf32, #tpu.memory_space<vmem>> -> memref<1x128x64xf32, #tpu.memory_space<vmem>>
        %gather3A_430 = tpu.memref_squeeze %gather3A_429 : memref<1x128x64xf32, #tpu.memory_space<vmem>> -> memref<128x64xf32, #tpu.memory_space<vmem>>
        %gather3A_431 = tpu.vector_load_idx %gather3A_430[%add3A_284, %add3A_421] : memref<128x64xf32, #tpu.memory_space<vmem>>[vector<16xi32>, vector<16xi32>], vector<16xf32>,
        %gather3A_432 = arith.constant 0 : i32
        %gather3A_433 = arith.constant 0 : i32
        %gather3A_434 = tpu.memref_slice %arg13[%scan3A_270, %gather3A_432, %gather3A_433] : memref<2x128x64xf32, #tpu.memory_space<vmem>> -> memref<1x128x64xf32, #tpu.memory_space<vmem>>
        %gather3A_435 = tpu.memref_squeeze %gather3A_434 : memref<1x128x64xf32, #tpu.memory_space<vmem>> -> memref<128x64xf32, #tpu.memory_space<vmem>>
        %gather3A_436 = tpu.vector_load_idx %gather3A_435[%add3A_284, %add3A_421] : memref<128x64xf32, #tpu.memory_space<vmem>>[vector<16xi32>, vector<16xi32>], vector<16xf32>,
        %add3A_437 = arith.addf %gather3A_426, %gather3A_431 : vector<16xf32>
        %add3A_438 = arith.addf %gather3A_426, %gather3A_436 : vector<16xf32>
        %mul3A_439 = arith.mulf %add3A_437, %add3A_438 : vector<16xf32>
        %add3A_440 = arith.constant 5 : i32
        %add3A_441 = vector.broadcast %add3A_440 : i32 to vector<16xi32>
        %add3A_442 = arith.addi %iota3A, %add3A_441 : vector<16xi32>
        %and3A_443 = arith.constant 15 : i32
        %and3A_444 = vector.broadcast %and3A_443 : i32 to vector<16xi32>
        %and3A_445 = arith.andi %add3A_442, %and3A_444 : vector<16xi32>
        %mul3A_446 = arith.constant 16 : i32
        %mul3A_447 = arith.muli %scan3A_300, %mul3A_446 : i32
        %add3A_448 = vector.broadcast %mul3A_447 : i32 to vector<16xi32>
        %add3A_449 = arith.addi %and3A_445, %add3A_448 : vector<16xi32>
        %gather3A_450 = arith.constant 0 : i32
        %gather3A_451 = arith.constant 0 : i32
        %gather3A_452 = tpu.memref_slice %arg11[%scan3A_268, %gather3A_450, %gather3A_451] : memref<2x128x64xf32, #tpu.memory_space<vmem>> -> memref<1x128x64xf32, #tpu.memory_space<vmem>>
        %gather3A_453 = tpu.memref_squeeze %gather3A_452 : memref<1x128x64xf32, #tpu.memory_space<vmem>> -> memref<128x64xf32, #tpu.memory_space<vmem>>
        %gather3A_454 = tpu.vector_load_idx %gather3A_453[%add3A_284, %add3A_449] : memref<128x64xf32, #tpu.memory_space<vmem>>[vector<16xi32>, vector<16xi32>], vector<16xf32>,
        %gather3A_455 = arith.constant 0 : i32
        %gather3A_456 = arith.constant 0 : i32
        %gather3A_457 = tpu.memref_slice %arg12[%scan3A_269, %gather3A_455, %gather3A_456] : memref<2x128x64xf32, #tpu.memory_space<vmem>> -> memref<1x128x64xf32, #tpu.memory_space<vmem>>
        %gather3A_458 = tpu.memref_squeeze %gather3A_457 : memref<1x128x64xf32, #tpu.memory_space<vmem>> -> memref<128x64xf32, #tpu.memory_space<vmem>>
        %gather3A_459 = tpu.vector_load_idx %gather3A_458[%add3A_284, %add3A_449] : memref<128x64xf32, #tpu.memory_space<vmem>>[vector<16xi32>, vector<16xi32>], vector<16xf32>,
        %gather3A_460 = arith.constant 0 : i32
        %gather3A_461 = arith.constant 0 : i32
        %gather3A_462 = tpu.memref_slice %arg13[%scan3A_270, %gather3A_460, %gather3A_461] : memref<2x128x64xf32, #tpu.memory_space<vmem>> -> memref<1x128x64xf32, #tpu.memory_space<vmem>>
        %gather3A_463 = tpu.memref_squeeze %gather3A_462 : memref<1x128x64xf32, #tpu.memory_space<vmem>> -> memref<128x64xf32, #tpu.memory_space<vmem>>
        %gather3A_464 = tpu.vector_load_idx %gather3A_463[%add3A_284, %add3A_449] : memref<128x64xf32, #tpu.memory_space<vmem>>[vector<16xi32>, vector<16xi32>], vector<16xf32>,
        %add3A_465 = arith.addf %gather3A_454, %gather3A_459 : vector<16xf32>
        %add3A_466 = arith.addf %gather3A_454, %gather3A_464 : vector<16xf32>
        %mul3A_467 = arith.mulf %add3A_465, %add3A_466 : vector<16xf32>
        %add3A_468 = arith.constant 6 : i32
        %add3A_469 = vector.broadcast %add3A_468 : i32 to vector<16xi32>
        %add3A_470 = arith.addi %iota3A, %add3A_469 : vector<16xi32>
        %and3A_471 = arith.constant 15 : i32
        %and3A_472 = vector.broadcast %and3A_471 : i32 to vector<16xi32>
        %and3A_473 = arith.andi %add3A_470, %and3A_472 : vector<16xi32>
        %mul3A_474 = arith.constant 16 : i32
        %mul3A_475 = arith.muli %scan3A_300, %mul3A_474 : i32
        %add3A_476 = vector.broadcast %mul3A_475 : i32 to vector<16xi32>
        %add3A_477 = arith.addi %and3A_473, %add3A_476 : vector<16xi32>
        %gather3A_478 = arith.constant 0 : i32
        %gather3A_479 = arith.constant 0 : i32
        %gather3A_480 = tpu.memref_slice %arg11[%scan3A_268, %gather3A_478, %gather3A_479] : memref<2x128x64xf32, #tpu.memory_space<vmem>> -> memref<1x128x64xf32, #tpu.memory_space<vmem>>
        %gather3A_481 = tpu.memref_squeeze %gather3A_480 : memref<1x128x64xf32, #tpu.memory_space<vmem>> -> memref<128x64xf32, #tpu.memory_space<vmem>>
        %gather3A_482 = tpu.vector_load_idx %gather3A_481[%add3A_284, %add3A_477] : memref<128x64xf32, #tpu.memory_space<vmem>>[vector<16xi32>, vector<16xi32>], vector<16xf32>,
        %gather3A_483 = arith.constant 0 : i32
        %gather3A_484 = arith.constant 0 : i32
        %gather3A_485 = tpu.memref_slice %arg12[%scan3A_269, %gather3A_483, %gather3A_484] : memref<2x128x64xf32, #tpu.memory_space<vmem>> -> memref<1x128x64xf32, #tpu.memory_space<vmem>>
        %gather3A_486 = tpu.memref_squeeze %gather3A_485 : memref<1x128x64xf32, #tpu.memory_space<vmem>> -> memref<128x64xf32, #tpu.memory_space<vmem>>
        %gather3A_487 = tpu.vector_load_idx %gather3A_486[%add3A_284, %add3A_477] : memref<128x64xf32, #tpu.memory_space<vmem>>[vector<16xi32>, vector<16xi32>], vector<16xf32>,
        %gather3A_488 = arith.constant 0 : i32
        %gather3A_489 = arith.constant 0 : i32
        %gather3A_490 = tpu.memref_slice %arg13[%scan3A_270, %gather3A_488, %gather3A_489] : memref<2x128x64xf32, #tpu.memory_space<vmem>> -> memref<1x128x64xf32, #tpu.memory_space<vmem>>
        %gather3A_491 = tpu.memref_squeeze %gather3A_490 : memref<1x128x64xf32, #tpu.memory_space<vmem>> -> memref<128x64xf32, #tpu.memory_space<vmem>>
        %gather3A_492 = tpu.vector_load_idx %gather3A_491[%add3A_284, %add3A_477] : memref<128x64xf32, #tpu.memory_space<vmem>>[vector<16xi32>, vector<16xi32>], vector<16xf32>,
        %add3A_493 = arith.addf %gather3A_482, %gather3A_487 : vector<16xf32>
        %add3A_494 = arith.addf %gather3A_482, %gather3A_492 : vector<16xf32>
        %mul3A_495 = arith.mulf %add3A_493, %add3A_494 : vector<16xf32>
        %add3A_496 = arith.constant 7 : i32
        %add3A_497 = vector.broadcast %add3A_496 : i32 to vector<16xi32>
        %add3A_498 = arith.addi %iota3A, %add3A_497 : vector<16xi32>
        %and3A_499 = arith.constant 15 : i32
        %and3A_500 = vector.broadcast %and3A_499 : i32 to vector<16xi32>
        %and3A_501 = arith.andi %add3A_498, %and3A_500 : vector<16xi32>
        %mul3A_502 = arith.constant 16 : i32
        %mul3A_503 = arith.muli %scan3A_300, %mul3A_502 : i32
        %add3A_504 = vector.broadcast %mul3A_503 : i32 to vector<16xi32>
        %add3A_505 = arith.addi %and3A_501, %add3A_504 : vector<16xi32>
        %gather3A_506 = arith.constant 0 : i32
        %gather3A_507 = arith.constant 0 : i32
        %gather3A_508 = tpu.memref_slice %arg11[%scan3A_268, %gather3A_506, %gather3A_507] : memref<2x128x64xf32, #tpu.memory_space<vmem>> -> memref<1x128x64xf32, #tpu.memory_space<vmem>>
        %gather3A_509 = tpu.memref_squeeze %gather3A_508 : memref<1x128x64xf32, #tpu.memory_space<vmem>> -> memref<128x64xf32, #tpu.memory_space<vmem>>
        %gather3A_510 = tpu.vector_load_idx %gather3A_509[%add3A_284, %add3A_505] : memref<128x64xf32, #tpu.memory_space<vmem>>[vector<16xi32>, vector<16xi32>], vector<16xf32>,
        %gather3A_511 = arith.constant 0 : i32
        %gather3A_512 = arith.constant 0 : i32
        %gather3A_513 = tpu.memref_slice %arg12[%scan3A_269, %gather3A_511, %gather3A_512] : memref<2x128x64xf32, #tpu.memory_space<vmem>> -> memref<1x128x64xf32, #tpu.memory_space<vmem>>
        %gather3A_514 = tpu.memref_squeeze %gather3A_513 : memref<1x128x64xf32, #tpu.memory_space<vmem>> -> memref<128x64xf32, #tpu.memory_space<vmem>>
        %gather3A_515 = tpu.vector_load_idx %gather3A_514[%add3A_284, %add3A_505] : memref<128x64xf32, #tpu.memory_space<vmem>>[vector<16xi32>, vector<16xi32>], vector<16xf32>,
        %gather3A_516 = arith.constant 0 : i32
        %gather3A_517 = arith.constant 0 : i32
        %gather3A_518 = tpu.memref_slice %arg13[%scan3A_270, %gather3A_516, %gather3A_517] : memref<2x128x64xf32, #tpu.memory_space<vmem>> -> memref<1x128x64xf32, #tpu.memory_space<vmem>>
        %gather3A_519 = tpu.memref_squeeze %gather3A_518 : memref<1x128x64xf32, #tpu.memory_space<vmem>> -> memref<128x64xf32, #tpu.memory_space<vmem>>
        %gather3A_520 = tpu.vector_load_idx %gather3A_519[%add3A_284, %add3A_505] : memref<128x64xf32, #tpu.memory_space<vmem>>[vector<16xi32>, vector<16xi32>], vector<16xf32>,
        %add3A_521 = arith.addf %gather3A_510, %gather3A_515 : vector<16xf32>
        %add3A_522 = arith.addf %gather3A_510, %gather3A_520 : vector<16xf32>
        %mul3A_523 = arith.mulf %add3A_521, %add3A_522 : vector<16xf32>
        %add3A_524 = arith.constant 8 : i32
        %add3A_525 = vector.broadcast %add3A_524 : i32 to vector<16xi32>
        %add3A_526 = arith.addi %iota3A, %add3A_525 : vector<16xi32>
        %and3A_527 = arith.constant 15 : i32
        %and3A_528 = vector.broadcast %and3A_527 : i32 to vector<16xi32>
        %and3A_529 = arith.andi %add3A_526, %and3A_528 : vector<16xi32>
        %mul3A_530 = arith.constant 16 : i32
        %mul3A_531 = arith.muli %scan3A_300, %mul3A_530 : i32
        %add3A_532 = vector.broadcast %mul3A_531 : i32 to vector<16xi32>
        %add3A_533 = arith.addi %and3A_529, %add3A_532 : vector<16xi32>
        %gather3A_534 = arith.constant 0 : i32
        %gather3A_535 = arith.constant 0 : i32
        %gather3A_536 = tpu.memref_slice %arg11[%scan3A_268, %gather3A_534, %gather3A_535] : memref<2x128x64xf32, #tpu.memory_space<vmem>> -> memref<1x128x64xf32, #tpu.memory_space<vmem>>
        %gather3A_537 = tpu.memref_squeeze %gather3A_536 : memref<1x128x64xf32, #tpu.memory_space<vmem>> -> memref<128x64xf32, #tpu.memory_space<vmem>>
        %gather3A_538 = tpu.vector_load_idx %gather3A_537[%add3A_284, %add3A_533] : memref<128x64xf32, #tpu.memory_space<vmem>>[vector<16xi32>, vector<16xi32>], vector<16xf32>,
        %gather3A_539 = arith.constant 0 : i32
        %gather3A_540 = arith.constant 0 : i32
        %gather3A_541 = tpu.memref_slice %arg12[%scan3A_269, %gather3A_539, %gather3A_540] : memref<2x128x64xf32, #tpu.memory_space<vmem>> -> memref<1x128x64xf32, #tpu.memory_space<vmem>>
        %gather3A_542 = tpu.memref_squeeze %gather3A_541 : memref<1x128x64xf32, #tpu.memory_space<vmem>> -> memref<128x64xf32, #tpu.memory_space<vmem>>
        %gather3A_543 = tpu.vector_load_idx %gather3A_542[%add3A_284, %add3A_533] : memref<128x64xf32, #tpu.memory_space<vmem>>[vector<16xi32>, vector<16xi32>], vector<16xf32>,
        %gather3A_544 = arith.constant 0 : i32
        %gather3A_545 = arith.constant 0 : i32
        %gather3A_546 = tpu.memref_slice %arg13[%scan3A_270, %gather3A_544, %gather3A_545] : memref<2x128x64xf32, #tpu.memory_space<vmem>> -> memref<1x128x64xf32, #tpu.memory_space<vmem>>
        %gather3A_547 = tpu.memref_squeeze %gather3A_546 : memref<1x128x64xf32, #tpu.memory_space<vmem>> -> memref<128x64xf32, #tpu.memory_space<vmem>>
        %gather3A_548 = tpu.vector_load_idx %gather3A_547[%add3A_284, %add3A_533] : memref<128x64xf32, #tpu.memory_space<vmem>>[vector<16xi32>, vector<16xi32>], vector<16xf32>,
        %add3A_549 = arith.addf %gather3A_538, %gather3A_543 : vector<16xf32>
        %add3A_550 = arith.addf %gather3A_538, %gather3A_548 : vector<16xf32>
        %mul3A_551 = arith.mulf %add3A_549, %add3A_550 : vector<16xf32>
        %add3A_552 = arith.constant 9 : i32
        %add3A_553 = vector.broadcast %add3A_552 : i32 to vector<16xi32>
        %add3A_554 = arith.addi %iota3A, %add3A_553 : vector<16xi32>
        %and3A_555 = arith.constant 15 : i32
        %and3A_556 = vector.broadcast %and3A_555 : i32 to vector<16xi32>
        %and3A_557 = arith.andi %add3A_554, %and3A_556 : vector<16xi32>
        %mul3A_558 = arith.constant 16 : i32
        %mul3A_559 = arith.muli %scan3A_300, %mul3A_558 : i32
        %add3A_560 = vector.broadcast %mul3A_559 : i32 to vector<16xi32>
        %add3A_561 = arith.addi %and3A_557, %add3A_560 : vector<16xi32>
        %gather3A_562 = arith.constant 0 : i32
        %gather3A_563 = arith.constant 0 : i32
        %gather3A_564 = tpu.memref_slice %arg11[%scan3A_268, %gather3A_562, %gather3A_563] : memref<2x128x64xf32, #tpu.memory_space<vmem>> -> memref<1x128x64xf32, #tpu.memory_space<vmem>>
        %gather3A_565 = tpu.memref_squeeze %gather3A_564 : memref<1x128x64xf32, #tpu.memory_space<vmem>> -> memref<128x64xf32, #tpu.memory_space<vmem>>
        %gather3A_566 = tpu.vector_load_idx %gather3A_565[%add3A_284, %add3A_561] : memref<128x64xf32, #tpu.memory_space<vmem>>[vector<16xi32>, vector<16xi32>], vector<16xf32>,
        %gather3A_567 = arith.constant 0 : i32
        %gather3A_568 = arith.constant 0 : i32
        %gather3A_569 = tpu.memref_slice %arg12[%scan3A_269, %gather3A_567, %gather3A_568] : memref<2x128x64xf32, #tpu.memory_space<vmem>> -> memref<1x128x64xf32, #tpu.memory_space<vmem>>
        %gather3A_570 = tpu.memref_squeeze %gather3A_569 : memref<1x128x64xf32, #tpu.memory_space<vmem>> -> memref<128x64xf32, #tpu.memory_space<vmem>>
        %gather3A_571 = tpu.vector_load_idx %gather3A_570[%add3A_284, %add3A_561] : memref<128x64xf32, #tpu.memory_space<vmem>>[vector<16xi32>, vector<16xi32>], vector<16xf32>,
        %gather3A_572 = arith.constant 0 : i32
        %gather3A_573 = arith.constant 0 : i32
        %gather3A_574 = tpu.memref_slice %arg13[%scan3A_270, %gather3A_572, %gather3A_573] : memref<2x128x64xf32, #tpu.memory_space<vmem>> -> memref<1x128x64xf32, #tpu.memory_space<vmem>>
        %gather3A_575 = tpu.memref_squeeze %gather3A_574 : memref<1x128x64xf32, #tpu.memory_space<vmem>> -> memref<128x64xf32, #tpu.memory_space<vmem>>
        %gather3A_576 = tpu.vector_load_idx %gather3A_575[%add3A_284, %add3A_561] : memref<128x64xf32, #tpu.memory_space<vmem>>[vector<16xi32>, vector<16xi32>], vector<16xf32>,
        %add3A_577 = arith.addf %gather3A_566, %gather3A_571 : vector<16xf32>
        %add3A_578 = arith.addf %gather3A_566, %gather3A_576 : vector<16xf32>
        %mul3A_579 = arith.mulf %add3A_577, %add3A_578 : vector<16xf32>
        %add3A_580 = arith.constant 10 : i32
        %add3A_581 = vector.broadcast %add3A_580 : i32 to vector<16xi32>
        %add3A_582 = arith.addi %iota3A, %add3A_581 : vector<16xi32>
        %and3A_583 = arith.constant 15 : i32
        %and3A_584 = vector.broadcast %and3A_583 : i32 to vector<16xi32>
        %and3A_585 = arith.andi %add3A_582, %and3A_584 : vector<16xi32>
        %mul3A_586 = arith.constant 16 : i32
        %mul3A_587 = arith.muli %scan3A_300, %mul3A_586 : i32
        %add3A_588 = vector.broadcast %mul3A_587 : i32 to vector<16xi32>
        %add3A_589 = arith.addi %and3A_585, %add3A_588 : vector<16xi32>
        %gather3A_590 = arith.constant 0 : i32
        %gather3A_591 = arith.constant 0 : i32
        %gather3A_592 = tpu.memref_slice %arg11[%scan3A_268, %gather3A_590, %gather3A_591] : memref<2x128x64xf32, #tpu.memory_space<vmem>> -> memref<1x128x64xf32, #tpu.memory_space<vmem>>
        %gather3A_593 = tpu.memref_squeeze %gather3A_592 : memref<1x128x64xf32, #tpu.memory_space<vmem>> -> memref<128x64xf32, #tpu.memory_space<vmem>>
        %gather3A_594 = tpu.vector_load_idx %gather3A_593[%add3A_284, %add3A_589] : memref<128x64xf32, #tpu.memory_space<vmem>>[vector<16xi32>, vector<16xi32>], vector<16xf32>,
        %gather3A_595 = arith.constant 0 : i32
        %gather3A_596 = arith.constant 0 : i32
        %gather3A_597 = tpu.memref_slice %arg12[%scan3A_269, %gather3A_595, %gather3A_596] : memref<2x128x64xf32, #tpu.memory_space<vmem>> -> memref<1x128x64xf32, #tpu.memory_space<vmem>>
        %gather3A_598 = tpu.memref_squeeze %gather3A_597 : memref<1x128x64xf32, #tpu.memory_space<vmem>> -> memref<128x64xf32, #tpu.memory_space<vmem>>
        %gather3A_599 = tpu.vector_load_idx %gather3A_598[%add3A_284, %add3A_589] : memref<128x64xf32, #tpu.memory_space<vmem>>[vector<16xi32>, vector<16xi32>], vector<16xf32>,
        %gather3A_600 = arith.constant 0 : i32
        %gather3A_601 = arith.constant 0 : i32
        %gather3A_602 = tpu.memref_slice %arg13[%scan3A_270, %gather3A_600, %gather3A_601] : memref<2x128x64xf32, #tpu.memory_space<vmem>> -> memref<1x128x64xf32, #tpu.memory_space<vmem>>
        %gather3A_603 = tpu.memref_squeeze %gather3A_602 : memref<1x128x64xf32, #tpu.memory_space<vmem>> -> memref<128x64xf32, #tpu.memory_space<vmem>>
        %gather3A_604 = tpu.vector_load_idx %gather3A_603[%add3A_284, %add3A_589] : memref<128x64xf32, #tpu.memory_space<vmem>>[vector<16xi32>, vector<16xi32>], vector<16xf32>,
        %add3A_605 = arith.addf %gather3A_594, %gather3A_599 : vector<16xf32>
        %add3A_606 = arith.addf %gather3A_594, %gather3A_604 : vector<16xf32>
        %mul3A_607 = arith.mulf %add3A_605, %add3A_606 : vector<16xf32>
        %add3A_608 = arith.constant 11 : i32
        %add3A_609 = vector.broadcast %add3A_608 : i32 to vector<16xi32>
        %add3A_610 = arith.addi %iota3A, %add3A_609 : vector<16xi32>
        %and3A_611 = arith.constant 15 : i32
        %and3A_612 = vector.broadcast %and3A_611 : i32 to vector<16xi32>
        %and3A_613 = arith.andi %add3A_610, %and3A_612 : vector<16xi32>
        %mul3A_614 = arith.constant 16 : i32
        %mul3A_615 = arith.muli %scan3A_300, %mul3A_614 : i32
        %add3A_616 = vector.broadcast %mul3A_615 : i32 to vector<16xi32>
        %add3A_617 = arith.addi %and3A_613, %add3A_616 : vector<16xi32>
        %gather3A_618 = arith.constant 0 : i32
        %gather3A_619 = arith.constant 0 : i32
        %gather3A_620 = tpu.memref_slice %arg11[%scan3A_268, %gather3A_618, %gather3A_619] : memref<2x128x64xf32, #tpu.memory_space<vmem>> -> memref<1x128x64xf32, #tpu.memory_space<vmem>>
        %gather3A_621 = tpu.memref_squeeze %gather3A_620 : memref<1x128x64xf32, #tpu.memory_space<vmem>> -> memref<128x64xf32, #tpu.memory_space<vmem>>
        %gather3A_622 = tpu.vector_load_idx %gather3A_621[%add3A_284, %add3A_617] : memref<128x64xf32, #tpu.memory_space<vmem>>[vector<16xi32>, vector<16xi32>], vector<16xf32>,
        %gather3A_623 = arith.constant 0 : i32
        %gather3A_624 = arith.constant 0 : i32
        %gather3A_625 = tpu.memref_slice %arg12[%scan3A_269, %gather3A_623, %gather3A_624] : memref<2x128x64xf32, #tpu.memory_space<vmem>> -> memref<1x128x64xf32, #tpu.memory_space<vmem>>
        %gather3A_626 = tpu.memref_squeeze %gather3A_625 : memref<1x128x64xf32, #tpu.memory_space<vmem>> -> memref<128x64xf32, #tpu.memory_space<vmem>>
        %gather3A_627 = tpu.vector_load_idx %gather3A_626[%add3A_284, %add3A_617] : memref<128x64xf32, #tpu.memory_space<vmem>>[vector<16xi32>, vector<16xi32>], vector<16xf32>,
        %gather3A_628 = arith.constant 0 : i32
        %gather3A_629 = arith.constant 0 : i32
        %gather3A_630 = tpu.memref_slice %arg13[%scan3A_270, %gather3A_628, %gather3A_629] : memref<2x128x64xf32, #tpu.memory_space<vmem>> -> memref<1x128x64xf32, #tpu.memory_space<vmem>>
        %gather3A_631 = tpu.memref_squeeze %gather3A_630 : memref<1x128x64xf32, #tpu.memory_space<vmem>> -> memref<128x64xf32, #tpu.memory_space<vmem>>
        %gather3A_632 = tpu.vector_load_idx %gather3A_631[%add3A_284, %add3A_617] : memref<128x64xf32, #tpu.memory_space<vmem>>[vector<16xi32>, vector<16xi32>], vector<16xf32>,
        %add3A_633 = arith.addf %gather3A_622, %gather3A_627 : vector<16xf32>
        %add3A_634 = arith.addf %gather3A_622, %gather3A_632 : vector<16xf32>
        %mul3A_635 = arith.mulf %add3A_633, %add3A_634 : vector<16xf32>
        %add3A_636 = arith.constant 12 : i32
        %add3A_637 = vector.broadcast %add3A_636 : i32 to vector<16xi32>
        %add3A_638 = arith.addi %iota3A, %add3A_637 : vector<16xi32>
        %and3A_639 = arith.constant 15 : i32
        %and3A_640 = vector.broadcast %and3A_639 : i32 to vector<16xi32>
        %and3A_641 = arith.andi %add3A_638, %and3A_640 : vector<16xi32>
        %mul3A_642 = arith.constant 16 : i32
        %mul3A_643 = arith.muli %scan3A_300, %mul3A_642 : i32
        %add3A_644 = vector.broadcast %mul3A_643 : i32 to vector<16xi32>
        %add3A_645 = arith.addi %and3A_641, %add3A_644 : vector<16xi32>
        %gather3A_646 = arith.constant 0 : i32
        %gather3A_647 = arith.constant 0 : i32
        %gather3A_648 = tpu.memref_slice %arg11[%scan3A_268, %gather3A_646, %gather3A_647] : memref<2x128x64xf32, #tpu.memory_space<vmem>> -> memref<1x128x64xf32, #tpu.memory_space<vmem>>
        %gather3A_649 = tpu.memref_squeeze %gather3A_648 : memref<1x128x64xf32, #tpu.memory_space<vmem>> -> memref<128x64xf32, #tpu.memory_space<vmem>>
        %gather3A_650 = tpu.vector_load_idx %gather3A_649[%add3A_284, %add3A_645] : memref<128x64xf32, #tpu.memory_space<vmem>>[vector<16xi32>, vector<16xi32>], vector<16xf32>,
        %gather3A_651 = arith.constant 0 : i32
        %gather3A_652 = arith.constant 0 : i32
        %gather3A_653 = tpu.memref_slice %arg12[%scan3A_269, %gather3A_651, %gather3A_652] : memref<2x128x64xf32, #tpu.memory_space<vmem>> -> memref<1x128x64xf32, #tpu.memory_space<vmem>>
        %gather3A_654 = tpu.memref_squeeze %gather3A_653 : memref<1x128x64xf32, #tpu.memory_space<vmem>> -> memref<128x64xf32, #tpu.memory_space<vmem>>
        %gather3A_655 = tpu.vector_load_idx %gather3A_654[%add3A_284, %add3A_645] : memref<128x64xf32, #tpu.memory_space<vmem>>[vector<16xi32>, vector<16xi32>], vector<16xf32>,
        %gather3A_656 = arith.constant 0 : i32
        %gather3A_657 = arith.constant 0 : i32
        %gather3A_658 = tpu.memref_slice %arg13[%scan3A_270, %gather3A_656, %gather3A_657] : memref<2x128x64xf32, #tpu.memory_space<vmem>> -> memref<1x128x64xf32, #tpu.memory_space<vmem>>
        %gather3A_659 = tpu.memref_squeeze %gather3A_658 : memref<1x128x64xf32, #tpu.memory_space<vmem>> -> memref<128x64xf32, #tpu.memory_space<vmem>>
        %gather3A_660 = tpu.vector_load_idx %gather3A_659[%add3A_284, %add3A_645] : memref<128x64xf32, #tpu.memory_space<vmem>>[vector<16xi32>, vector<16xi32>], vector<16xf32>,
        %add3A_661 = arith.addf %gather3A_650, %gather3A_655 : vector<16xf32>
        %add3A_662 = arith.addf %gather3A_650, %gather3A_660 : vector<16xf32>
        %mul3A_663 = arith.mulf %add3A_661, %add3A_662 : vector<16xf32>
        %add3A_664 = arith.constant 13 : i32
        %add3A_665 = vector.broadcast %add3A_664 : i32 to vector<16xi32>
        %add3A_666 = arith.addi %iota3A, %add3A_665 : vector<16xi32>
        %and3A_667 = arith.constant 15 : i32
        %and3A_668 = vector.broadcast %and3A_667 : i32 to vector<16xi32>
        %and3A_669 = arith.andi %add3A_666, %and3A_668 : vector<16xi32>
        %mul3A_670 = arith.constant 16 : i32
        %mul3A_671 = arith.muli %scan3A_300, %mul3A_670 : i32
        %add3A_672 = vector.broadcast %mul3A_671 : i32 to vector<16xi32>
        %add3A_673 = arith.addi %and3A_669, %add3A_672 : vector<16xi32>
        %gather3A_674 = arith.constant 0 : i32
        %gather3A_675 = arith.constant 0 : i32
        %gather3A_676 = tpu.memref_slice %arg11[%scan3A_268, %gather3A_674, %gather3A_675] : memref<2x128x64xf32, #tpu.memory_space<vmem>> -> memref<1x128x64xf32, #tpu.memory_space<vmem>>
        %gather3A_677 = tpu.memref_squeeze %gather3A_676 : memref<1x128x64xf32, #tpu.memory_space<vmem>> -> memref<128x64xf32, #tpu.memory_space<vmem>>
        %gather3A_678 = tpu.vector_load_idx %gather3A_677[%add3A_284, %add3A_673] : memref<128x64xf32, #tpu.memory_space<vmem>>[vector<16xi32>, vector<16xi32>], vector<16xf32>,
        %gather3A_679 = arith.constant 0 : i32
        %gather3A_680 = arith.constant 0 : i32
        %gather3A_681 = tpu.memref_slice %arg12[%scan3A_269, %gather3A_679, %gather3A_680] : memref<2x128x64xf32, #tpu.memory_space<vmem>> -> memref<1x128x64xf32, #tpu.memory_space<vmem>>
        %gather3A_682 = tpu.memref_squeeze %gather3A_681 : memref<1x128x64xf32, #tpu.memory_space<vmem>> -> memref<128x64xf32, #tpu.memory_space<vmem>>
        %gather3A_683 = tpu.vector_load_idx %gather3A_682[%add3A_284, %add3A_673] : memref<128x64xf32, #tpu.memory_space<vmem>>[vector<16xi32>, vector<16xi32>], vector<16xf32>,
        %gather3A_684 = arith.constant 0 : i32
        %gather3A_685 = arith.constant 0 : i32
        %gather3A_686 = tpu.memref_slice %arg13[%scan3A_270, %gather3A_684, %gather3A_685] : memref<2x128x64xf32, #tpu.memory_space<vmem>> -> memref<1x128x64xf32, #tpu.memory_space<vmem>>
        %gather3A_687 = tpu.memref_squeeze %gather3A_686 : memref<1x128x64xf32, #tpu.memory_space<vmem>> -> memref<128x64xf32, #tpu.memory_space<vmem>>
        %gather3A_688 = tpu.vector_load_idx %gather3A_687[%add3A_284, %add3A_673] : memref<128x64xf32, #tpu.memory_space<vmem>>[vector<16xi32>, vector<16xi32>], vector<16xf32>,
        %add3A_689 = arith.addf %gather3A_678, %gather3A_683 : vector<16xf32>
        %add3A_690 = arith.addf %gather3A_678, %gather3A_688 : vector<16xf32>
        %mul3A_691 = arith.mulf %add3A_689, %add3A_690 : vector<16xf32>
        %add3A_692 = arith.constant 14 : i32
        %add3A_693 = vector.broadcast %add3A_692 : i32 to vector<16xi32>
        %add3A_694 = arith.addi %iota3A, %add3A_693 : vector<16xi32>
        %and3A_695 = arith.constant 15 : i32
        %and3A_696 = vector.broadcast %and3A_695 : i32 to vector<16xi32>
        %and3A_697 = arith.andi %add3A_694, %and3A_696 : vector<16xi32>
        %mul3A_698 = arith.constant 16 : i32
        %mul3A_699 = arith.muli %scan3A_300, %mul3A_698 : i32
        %add3A_700 = vector.broadcast %mul3A_699 : i32 to vector<16xi32>
        %add3A_701 = arith.addi %and3A_697, %add3A_700 : vector<16xi32>
        %gather3A_702 = arith.constant 0 : i32
        %gather3A_703 = arith.constant 0 : i32
        %gather3A_704 = tpu.memref_slice %arg11[%scan3A_268, %gather3A_702, %gather3A_703] : memref<2x128x64xf32, #tpu.memory_space<vmem>> -> memref<1x128x64xf32, #tpu.memory_space<vmem>>
        %gather3A_705 = tpu.memref_squeeze %gather3A_704 : memref<1x128x64xf32, #tpu.memory_space<vmem>> -> memref<128x64xf32, #tpu.memory_space<vmem>>
        %gather3A_706 = tpu.vector_load_idx %gather3A_705[%add3A_284, %add3A_701] : memref<128x64xf32, #tpu.memory_space<vmem>>[vector<16xi32>, vector<16xi32>], vector<16xf32>,
        %gather3A_707 = arith.constant 0 : i32
        %gather3A_708 = arith.constant 0 : i32
        %gather3A_709 = tpu.memref_slice %arg12[%scan3A_269, %gather3A_707, %gather3A_708] : memref<2x128x64xf32, #tpu.memory_space<vmem>> -> memref<1x128x64xf32, #tpu.memory_space<vmem>>
        %gather3A_710 = tpu.memref_squeeze %gather3A_709 : memref<1x128x64xf32, #tpu.memory_space<vmem>> -> memref<128x64xf32, #tpu.memory_space<vmem>>
        %gather3A_711 = tpu.vector_load_idx %gather3A_710[%add3A_284, %add3A_701] : memref<128x64xf32, #tpu.memory_space<vmem>>[vector<16xi32>, vector<16xi32>], vector<16xf32>,
        %gather3A_712 = arith.constant 0 : i32
        %gather3A_713 = arith.constant 0 : i32
        %gather3A_714 = tpu.memref_slice %arg13[%scan3A_270, %gather3A_712, %gather3A_713] : memref<2x128x64xf32, #tpu.memory_space<vmem>> -> memref<1x128x64xf32, #tpu.memory_space<vmem>>
        %gather3A_715 = tpu.memref_squeeze %gather3A_714 : memref<1x128x64xf32, #tpu.memory_space<vmem>> -> memref<128x64xf32, #tpu.memory_space<vmem>>
        %gather3A_716 = tpu.vector_load_idx %gather3A_715[%add3A_284, %add3A_701] : memref<128x64xf32, #tpu.memory_space<vmem>>[vector<16xi32>, vector<16xi32>], vector<16xf32>,
        %add3A_717 = arith.addf %gather3A_706, %gather3A_711 : vector<16xf32>
        %add3A_718 = arith.addf %gather3A_706, %gather3A_716 : vector<16xf32>
        %mul3A_719 = arith.mulf %add3A_717, %add3A_718 : vector<16xf32>
        %add3A_720 = arith.constant 15 : i32
        %add3A_721 = vector.broadcast %add3A_720 : i32 to vector<16xi32>
        %add3A_722 = arith.addi %iota3A, %add3A_721 : vector<16xi32>
        %and3A_723 = arith.constant 15 : i32
        %and3A_724 = vector.broadcast %and3A_723 : i32 to vector<16xi32>
        %and3A_725 = arith.andi %add3A_722, %and3A_724 : vector<16xi32>
        %mul3A_726 = arith.constant 16 : i32
        %mul3A_727 = arith.muli %scan3A_300, %mul3A_726 : i32
        %add3A_728 = vector.broadcast %mul3A_727 : i32 to vector<16xi32>
        %add3A_729 = arith.addi %and3A_725, %add3A_728 : vector<16xi32>
        %gather3A_730 = arith.constant 0 : i32
        %gather3A_731 = arith.constant 0 : i32
        %gather3A_732 = tpu.memref_slice %arg11[%scan3A_268, %gather3A_730, %gather3A_731] : memref<2x128x64xf32, #tpu.memory_space<vmem>> -> memref<1x128x64xf32, #tpu.memory_space<vmem>>
        %gather3A_733 = tpu.memref_squeeze %gather3A_732 : memref<1x128x64xf32, #tpu.memory_space<vmem>> -> memref<128x64xf32, #tpu.memory_space<vmem>>
        %gather3A_734 = tpu.vector_load_idx %gather3A_733[%add3A_284, %add3A_729] : memref<128x64xf32, #tpu.memory_space<vmem>>[vector<16xi32>, vector<16xi32>], vector<16xf32>,
        %gather3A_735 = arith.constant 0 : i32
        %gather3A_736 = arith.constant 0 : i32
        %gather3A_737 = tpu.memref_slice %arg12[%scan3A_269, %gather3A_735, %gather3A_736] : memref<2x128x64xf32, #tpu.memory_space<vmem>> -> memref<1x128x64xf32, #tpu.memory_space<vmem>>
        %gather3A_738 = tpu.memref_squeeze %gather3A_737 : memref<1x128x64xf32, #tpu.memory_space<vmem>> -> memref<128x64xf32, #tpu.memory_space<vmem>>
        %gather3A_739 = tpu.vector_load_idx %gather3A_738[%add3A_284, %add3A_729] : memref<128x64xf32, #tpu.memory_space<vmem>>[vector<16xi32>, vector<16xi32>], vector<16xf32>,
        %gather3A_740 = arith.constant 0 : i32
        %gather3A_741 = arith.constant 0 : i32
        %gather3A_742 = tpu.memref_slice %arg13[%scan3A_270, %gather3A_740, %gather3A_741] : memref<2x128x64xf32, #tpu.memory_space<vmem>> -> memref<1x128x64xf32, #tpu.memory_space<vmem>>
        %gather3A_743 = tpu.memref_squeeze %gather3A_742 : memref<1x128x64xf32, #tpu.memory_space<vmem>> -> memref<128x64xf32, #tpu.memory_space<vmem>>
        %gather3A_744 = tpu.vector_load_idx %gather3A_743[%add3A_284, %add3A_729] : memref<128x64xf32, #tpu.memory_space<vmem>>[vector<16xi32>, vector<16xi32>], vector<16xf32>,
        %add3A_745 = arith.addf %gather3A_734, %gather3A_739 : vector<16xf32>
        %add3A_746 = arith.addf %gather3A_734, %gather3A_744 : vector<16xf32>
        %mul3A_747 = arith.mulf %add3A_745, %add3A_746 : vector<16xf32>
        %add3A_748 = arith.addf %mul3A_327, %mul3A_355 : vector<16xf32>
        %add3A_749 = arith.addf %mul3A_383, %mul3A_411 : vector<16xf32>
        %add3A_750 = arith.addf %add3A_748, %add3A_749 : vector<16xf32>
        %add3A_751 = arith.addf %mul3A_439, %mul3A_467 : vector<16xf32>
        %add3A_752 = arith.addf %mul3A_495, %mul3A_523 : vector<16xf32>
        %add3A_753 = arith.addf %add3A_751, %add3A_752 : vector<16xf32>
        %add3A_754 = arith.addf %mul3A_551, %mul3A_579 : vector<16xf32>
        %add3A_755 = arith.addf %mul3A_607, %mul3A_635 : vector<16xf32>
        %add3A_756 = arith.addf %add3A_754, %add3A_755 : vector<16xf32>
        %add3A_757 = arith.addf %mul3A_663, %mul3A_691 : vector<16xf32>
        %add3A_758 = arith.addf %mul3A_719, %mul3A_747 : vector<16xf32>
        %add3A_759 = arith.addf %add3A_757, %add3A_758 : vector<16xf32>
        %add3A_760 = arith.addf %add3A_750, %add3A_753 : vector<16xf32>
        %add3A_761 = arith.addf %add3A_756, %add3A_759 : vector<16xf32>
        %add3A_762 = arith.addf %add3A_760, %add3A_761 : vector<16xf32>
        %add3A_763 = arith.addf %scan3A_301, %add3A_762 : vector<16xf32>
        scf.yield %add3A_763 : vector<16xf32>
      }
      %scan3A_291 = arith.constant 4 : i32
      %neg3A = arith.constant 0.000000e+00 : f32
      %neg3A_292 = vector.broadcast %neg3A : f32 to vector<16xf32>
      %neg3A_293 = arith.subf %neg3A_292, %scan3A_290 : vector<16xf32>
      %exp3A = math.exp %neg3A_293 : vector<16xf32>
      %add3A_294 = arith.constant 1.000000e+00 : f32
      %add3A_295 = vector.broadcast %add3A_294 : f32 to vector<16xf32>
      %add3A_296 = arith.addf %add3A_295, %exp3A : vector<16xf32>
      %div3A = arith.constant 1.000000e+00 : f32
      %div3A_297 = vector.broadcast %div3A : f32 to vector<16xf32>
      %div3A_298 = arith.divf %div3A_297, %add3A_296 : vector<16xf32>
      %swap3A = arith.index_cast %add3A_280 : i32 to index
      %swap3A_299 = tpu.vector_load %arg14[%swap3A] {strides = array<i32>} : memref<512xf32, #tpu.memory_space<vmem>>, vector<16xf32>,
      tpu.vector_store %arg14[%swap3A], %div3A_298 {strides = array<i32>} : memref<512xf32, #tpu.memory_space<vmem>>, vector<16xf32>,
    }
    %scan3A_275 = arith.constant 8 : i32
    "tpu.region"() ({
      %run_scoped3A = tpu.sem_alloc : memref<!tpu.dma_semaphore, #tpu.memory_space<semaphore_mem>>
      %dma_start3A_276 = tpu.memref_slice %arg7[%mul3A_2] : memref<16384xf32, #tpu.memory_space<hbm>> -> memref<512xf32, #tpu.memory_space<hbm>>
      %dma_start3A_277 = tpu.memref_slice %arg7[%mul3A_2] : memref<16384xf32, #tpu.memory_space<hbm>> -> memref<512xf32, #tpu.memory_space<hbm>>
      tpu.enqueue_dma source(%arg14 : memref<512xf32, #tpu.memory_space<vmem>>) target(%dma_start3A_277 : memref<512xf32, #tpu.memory_space<hbm>>) target_semaphore(%run_scoped3A : memref<!tpu.dma_semaphore, #tpu.memory_space<semaphore_mem>>)
      %dma_wait3A_278 = tpu.memref_slice %arg7[%mul3A_2] : memref<16384xf32, #tpu.memory_space<hbm>> -> memref<512xf32, #tpu.memory_space<hbm>>
      %dma_wait3A_279 = tpu.memref_slice %arg7[%mul3A_2] : memref<16384xf32, #tpu.memory_space<hbm>> -> memref<512xf32, #tpu.memory_space<hbm>>
      tpu.wait_dma2 semaphore(%run_scoped3A : memref<!tpu.dma_semaphore, #tpu.memory_space<semaphore_mem>>) src(%arg14 : memref<512xf32, #tpu.memory_space<vmem>>) dst(%dma_wait3A_279 : memref<512xf32, #tpu.memory_space<hbm>>)
      tpu.yield
    }) : () -> ()
    return
  }
}

</mosaic_0001>

<sc_bundles>
// kernel: kernel.3.cloned.1.call-start
scs
__scs_entry_jumppad:
0x0: {  	(pc) =	sbr.rel $0x88, $3  }
0x1: {  	(tag) =	ssettag $0x0;
	lr =	simm.s32 $0x1  }
0x2: {  	[smem:$0x3F9C] =	sst lr;
	_ =	strace $0xD0000000  }
0x3: {  	_ = 	snop  }
0x4: {  	_ = 	snop  }
0x5: {  	_ = 	snop  }
0x6: {  	_ = 	snop  }
0x7: {  	_ = 	snop  }
__scs_overlays_trampoline_lowered:
0x8: {  	[smem:$0x3FAB] =	sst s0  }
0x9: {  	[smem:$0x3FAC] =	sst s1  }
0xa: {  	[smem:$0x3FAD] =	sst s2  }
0xb: {  	[smem:$0x3FAE] =	sst s3  }
0xc: {  	[smem:$0x3FAF] =	sst s4  }
0xd: {  	[smem:$0x3FB0] =	sst s5  }
0xe: {  	[smem:$0x3FB1] =	sst s6  }
0xf: {  	[smem:$0x3FB2] =	sst s7  }
0x10: {  	[smem:$0x3FB3] =	sst s8  }
0x11: {  	[smem:$0x3FB4] =	sst s9;
	s0 =	simm.s32 @!p0 $0x0  }
0x12: {  	s1 =	sld [smem:$0x3F9A];
	s0 =	simm.s32 @p0 $0x1  }
0x13: {  	[smem:$0x3FB5] =	sst s0;
	s0 =	simm.s32 @!p1 $0x0  }
0x14: {  	s2 =	sld [smem:$0x3F99];
	s0 =	simm.s32 @p1 $0x1  }
0x15: {  	[smem:$0x3FB6] =	sst s0;
	s0 =	simm.s32 @!p2 $0x0  }
0x16: {  	s3 =	sld [smem:$0x3FDB];
	s0 =	simm.s32 @p2 $0x1  }
0x17: {  	s4 =	simm.s32 $0x1BF5;
	[smem:$0x3FB8] =	sst s0  }
0x18: {  	s0 =	sld [smem:$0x3F9B];
	_ =	swait.ge [sflag:s4], $0x0  }
0x19: {  	s7 =	sld [smem:$0x3F9C]  }
0x1a: {  	s8 =	sadd.s32 $0xFFFFE003, lr  }
0x1b: {  	s9 =	sadd.s32 $0xFFFFFEF7, lr;
	s5 =	simm.s32 $0xFFFFFFFF;
	p2 =	slt.u32 s8, $0xFFFFF086  }
0x1c: {  	p1 =	slt.u32 s9, $0xF7A;
	s5 =	simm.s32 @!p2 $0x0  }
0x1d: {  	s5 =	simm.s32 @p1 $0x1;
	p0 =	seq.s32 s7, s2  }
0x1e: {  	s7 =	smul.u32 @!p0 $0xF7A, s2;
	p2 =	seq.s32 @!p0 s5, $0x0  }
0x1f: {  	s9 =	smul.u32 $0xF7A, s1;
	s8 =	simm.s32 @!p0 $0x1BF5;
	p2 =	por !p2, p0  }
0x20: {  	[sflag:s8] =	ssyncset.s32 @!p0 $0xFFFFF086;
	s6 =	sadd.s32 @!p0 s3, s7;
	s7 =	simm.s32 @!p0 $0x108  }
0x21: {  	s3 =	sadd.s32 s3, s9;
	s6 =	sadd.s32 @!p0 $0x88, s6;
	s7 =	simm.s32 @p2 $0x1082  }
0x22: {  	[simem:s7], [sflag:s8] =	dma.local @!p0 [hbm:s6], $0xF7A  }
0x23: {  	s9 =	sor.u32 $0xD0000000, s2;
	s6 =	simm.s32 $0x108;
	_ =	swait.ge @!p0 [sflag:s8], $0x0  }
0x24: {  	s3 =	sadd.s32 $0x88, s3;
	s6 =	simm.s32 @!p1 $0x1082;
	[sflag:s4] =	ssyncset.s32 $0xFFFFF086  }
0x25: {  	[simem:s6], [sflag:s4] =	dma.local [hbm:s3], $0xF7A  }
0x26: {  	[smem:$0x3F9C] =	sst s1;
	(tag) =	ssettag s2;
	_ =	strace s9  }
0x27: {  	s1 =	sld [smem:$0x3FAC]  }
0x28: {  	s2 =	sld [smem:$0x3FAD]  }
0x29: {  	s4 =	sld [smem:$0x3FAF]  }
0x2a: {  	p0 =	seq.s32 s5, $0x0;
	s5 =	sld [smem:$0x3FB0]  }
0x2b: {  	s6 =	sld [smem:$0x3FB1]  }
0x2c: {  	s7 =	sld [smem:$0x3FB2]  }
0x2d: {  	s3 =	simm.s32 $0x108;
	s8 =	sld [smem:$0x3FB3]  }
0x2e: {  	s3 =	simm.s32 @!p0 $0x1082;
	s9 =	sld [smem:$0x3FB4]  }
0x2f: {  	lr =	sadd.s32 s0, s3;
	s0 =	sld [smem:$0x3FAB]  }
0x30: {  	s3 =	sld [smem:$0x3FAE]  }
0x31: {  	[smem:$0x3FB7] =	sst s10  }
0x32: {  	s10 =	sld [smem:$0x3FB5];
	_ =	sdelay $0x3  }
0x33: {  	p0 =	seq.s32 s10, $0x1;
	s10 =	sld [smem:$0x3FB7];
	_ =	sdelay $0x3  }
0x34: {  	[smem:$0x3FB7] =	sst s10  }
0x35: {  	s10 =	sld [smem:$0x3FB6];
	_ =	sdelay $0x3  }
0x36: {  	p1 =	seq.s32 s10, $0x1;
	s10 =	sld [smem:$0x3FB7];
	_ =	sdelay $0x3  }
0x37: {  	[smem:$0x3FB7] =	sst s10  }
0x38: {  	s10 =	sld [smem:$0x3FB8]  }
0x39: {  	_ = 	snop;
	(pc) =	sbr.ind lr, $3  }
0x3a: {  	_ = 	snop  }
0x3b: {  	_ = 	snop  }
0x3c: {  	p2 =	seq.s32 s10, $0x1;
	s10 =	sld [smem:$0x3FB7]  }
0x3d: {  	_ =	shalt  }
0x3e: {  	_ =	shalt  }
0x3f: {  	_ =	shalt  }
0x40: {  	_ =	shalt  }
0x41: {  	_ =	shalt  }
0x42: {  	_ =	shalt  }
0x43: {  	_ =	shalt  }
0x44: {  	_ =	shalt  }
0x45: {  	_ =	shalt  }
0x46: {  	_ =	shalt  }
0x47: {  	_ =	shalt  }
0x48: {  	_ =	shalt  }
0x49: {  	_ =	shalt  }
0x4a: {  	_ =	shalt  }
0x4b: {  	_ =	shalt  }
0x4c: {  	_ =	shalt  }
0x4d: {  	_ =	shalt  }
0x4e: {  	_ =	shalt  }
0x4f: {  	_ =	shalt  }
0x50: {  	_ =	shalt  }
0x51: {  	_ =	shalt  }
0x52: {  	_ =	shalt  }
0x53: {  	_ =	shalt  }
0x54: {  	_ =	shalt  }
0x55: {  	_ =	shalt  }
0x56: {  	_ =	shalt  }
0x57: {  	_ =	shalt  }
0x58: {  	_ =	shalt  }
0x59: {  	_ =	shalt  }
0x5a: {  	_ =	shalt  }
0x5b: {  	_ =	shalt  }
0x5c: {  	_ =	shalt  }
0x5d: {  	_ =	shalt  }
0x5e: {  	_ =	shalt  }
0x5f: {  	_ =	shalt  }
0x60: {  	_ =	shalt  }
0x61: {  	_ =	shalt  }
0x62: {  	_ =	shalt  }
0x63: {  	_ =	shalt  }
0x64: {  	_ =	shalt  }
0x65: {  	_ =	shalt  }
0x66: {  	_ =	shalt  }
0x67: {  	_ =	shalt  }
0x68: {  	_ =	shalt  }
0x69: {  	_ =	shalt  }
0x6a: {  	_ =	shalt  }
0x6b: {  	_ =	shalt  }
0x6c: {  	_ =	shalt  }
0x6d: {  	_ =	shalt  }
0x6e: {  	_ =	shalt  }
0x6f: {  	_ =	shalt  }
0x70: {  	_ =	shalt  }
0x71: {  	_ =	shalt  }
0x72: {  	_ =	shalt  }
0x73: {  	_ =	shalt  }
0x74: {  	_ =	shalt  }
0x75: {  	_ =	shalt  }
0x76: {  	_ =	shalt  }
0x77: {  	_ =	shalt  }
0x78: {  	_ =	shalt  }
0x79: {  	_ =	shalt  }
0x7a: {  	_ =	shalt  }
0x7b: {  	_ =	shalt  }
0x7c: {  	_ =	shalt  }
0x7d: {  	_ =	shalt  }
0x7e: {  	_ =	shalt  }
0x7f: {  	_ =	shalt  }
0x80: {  	_ =	shalt  }
0x81: {  	_ =	shalt  }
0x82: {  	_ =	shalt  }
0x83: {  	_ =	shalt  }
0x84: {  	_ =	shalt  }
0x85: {  	_ =	shalt  }
0x86: {  	_ =	shalt  }
0x87: {  	_ =	shalt  }
.Lfunc_end0:
.L_simem_size_0:
called_computation_lowered:
.L_overlay_start_0:
0x88: {  	s2 =	sld [smem:$0x3FD9]  }
0x89: {  	s3 =	sld [smem:$0x3FFE];
	_ =	sdelay $0x1  }
0x8a: {  	s1 =	srdreg.scid  }
0x8b: {  	s0 =	sand.u32 $0x1, s1  }
0x8c: {  	s17 =	sshll.u32 s0, $0xA;
	s2 =	sadd.s32 s3, s2  }
0x8d: {  	s2 =	sadd.s32 s2, s17  }
0x8e: {  	[smem:$0x3FC3] =	sst s2  }
0x8f: {  	_ = 	snop  }
0x90: {  	s2 =	sld [smem:$0x3FC9]  }
0x91: {  	s18 =	sld [smem:$0x3FC8]  }
0x92: {  	s4 =	sld [smem:$0x3FC7]  }
0x93: {  	s5 =	sld [smem:$0x3FD0];
	(tm) =	ssettm $0x1  }
0x94: {  	s6 =	sld [smem:$0x3FFB];
	_ =	sdelay $0x3  }
0x95: {  	_ =	strace s6  }
0x96: {  	s6 =	sld [smem:$0x3FFC];
	_ =	sdelay $0x3  }
0x97: {  	_ =	strace s6  }
0x98: {  	s6 =	sld [smem:$0x3FFD];
	_ =	sdelay $0x3  }
0x99: {  	_ =	strace s6  }
0x9a: {  	_ =	strace $0x8FFFFFFF  }
0x9b: {  	s19 =	sld [smem:$0x3FDB];
	_ =	sdelay $0x1  }
0x9c: {  	s7 =	simm.s32 $_scs_section_size  }
0x9d: {  	s8 =	simm.s32 $_size__tile_overlayer_lowered;
	s9 =	simm.s32 $_tile_overlayer_lowered  }
0x9e: {  	s22 =	simm.s32 $0x1BFF;
	s21 =	sshll.u32 s9, $0x1;
	s6 =	sadd.s32 s7, s19  }
0x9f: {  	s10 =	simm.s32 $0x0;
	s20 =	sshll.u32 s8, $0x1;
	s8 =	sadd.s32 s21, s6  }
0xa0: {  	[timem:s10], [sflag:s22] =	dma.local [hbm:s8], s20  }
0xa1: {  	_ =	swait.ge [sflag:s22], s20  }
0xa2: {  	s7 =	ssub.s32 $0x0, s20;
	[sflag:s22] =	ssyncset.done $0x0  }
0xa3: {  	[sflag:s22] =	ssyncadd.s32 s7;
	_ =	sdelay $0x1  }
0xa4: {  	s23 =	simm.s32 $0x1B8B  }
0xa5: {  	_ =	swait.ge [sflag:s23], $0x1  }
0xa6: {  	[sflag:s23] =	ssyncset.done $0x0  }
0xa7: {  	s25 =	simm.s32 $0x1B8E;
	s24 =	sld [smem:$0x3FFE];
	[sflag:s23] =	ssyncadd.s32 $0xFFFFFFFF  }
0xa8: {  	s26 =	simm.s32 $execute0_lowered;
	[smem:$0x3FD2] =	sst s25  }
0xa9: {  	s8 =	sshll.u32 s26, $0x1;
	_ =	strace $0x80000046;
	[dreg:$0x1] =	wrdreg $0xFFFFFFFF  }
0xaa: {  	s28 =	simm.s32 $_size_execute0_lowered;
	s6 =	sadd.s32 s6, s8;
	[dreg:$0x0] =	wrdreg $0x0  }
0xab: {  	s8 =	sshll.u32 s28, $0x1;
	[dreg:$0x2] =	wrdreg s6  }
0xac: {  	[dreg:$0x3] =	wrdreg s8  }
0xad: {  	[dreg:$0x4] =	wrdreg $0xC0  }
0xae: {  	_ =	task [dreg:s10], $0x5FFFF  }
0xaf: {  	[dreg:$0x1] =	wrdreg $0xFFFFFFFF  }
0xb0: {  	[dreg:$0x0] =	wrdreg $0x60  }
0xb1: {  	[dreg:$0x2] =	wrdreg s2  }
0xb2: {  	[dreg:$0x3] =	wrdreg s18  }
0xb3: {  	[dreg:$0x4] =	wrdreg s4  }
0xb4: {  	[dreg:$0x5] =	wrdreg s24  }
0xb5: {  	[dreg:$0x6] =	wrdreg s5  }
0xb6: {  	[dreg:$0x7] =	wrdreg $0x9  }
0xb7: {  	_ =	task.clear_ibuf [dreg:s10], $0x8FFFF;
	_ =	strace $0x90000046  }
0xb8: {  	s29 =	simm.s32 $0x9;
	_ =	strace $0x80000048  }
0xb9: {  	_ =	swait.ge [sflag:s29], $0x1  }
0xba: {  	[sflag:s29] =	ssyncadd.s32 $0xFFFFFFFF  }
0xbb: {  	_ =	strace $0x90000048  }
0xbc: {  	_ =	sfence  }
0xbd: {  	s30 =	sld [smem:$0x0];
	_ =	sdelay $0x2  }
0xbe: {  	s31 =	sshll.u32 s1, $0xD;
	s1 =	sshrl.u32 s1, $0x2  }
0xbf: {  	s3 =	sand.u32 $0x4000, s31;
	s1 =	sadd.s32 s1, s30  }
0xc0: {  	s0 =	sor.u32 s3, s0;
	s1 =	sshll.u32 s1, $0x11  }
0xc1: {  	s0 =	sor.u32 s1, s0  }
0xc2: {  	s0 =	sadd.s32 $0x8F2B, s0  }
0xc3: {  	[sflag:s0] =	ssyncadd.remote.s32 $0x1  }
0xc4: {  	_ =	sfence.sel $0xFFFF  }
0xc5: {  	[dreg:$0x0] =	wrdreg $0xFFFFFFFF;
	(pc) =	sbr.abs _section_cstart, $3  }
0xc6: {  	[dreg:$0x1] =	wrdreg $0xFFFFFFFF  }
0xc7: {  	_ =	task.clear_ibuf [dreg:s10], $0x2FFFF;
	_ =	strace $0x9FFFFFFF  }
0xc8: {  	(tm) =	ssettm $0x7FFFFFFF  }
0xc9: {  	_ =	shalt  }
tec
execute0_lowered:
.L_overlay_start_1:
0x0: {  	(tag) =	ssettag $0x1  }
0x1: {  	v1 =	vimm.s32 $0xFEDCBA9;
	v0 =	vlaneseq.u32;
	v3 =	vimm.s32 $0x87654321  }
0x2: {  	v35 =	vimm.s32 $0x10FEDCBA;
	v4 =	vimm.s32 $0x98765432;
	v5 =	vimm.s32 $0x210FEDCB  }
0x3: {  	v6 =	vimm.s32 $0xA9876543;
	v37 =	vimm.s32 $0x3210FEDC;
	v39 =	vimm.s32 $0xBA987654  }
0x4: {  	v43 =	vimm.s32 $0x43210FED;
	v16 =	vimm.s32 $0xCBA98765;
	v49 =	vimm.s32 $0x543210FE  }
0x5: {  	v50 =	vimm.s32 $0xDCBA9876;
	v18 =	vimm.s32 $0x6543210F;
	v19 =	vimm.s32 $0xEDCBA987  }
0x6: {  	v20 =	vimm.s32 $0xFEDCBA98;
	v21 =	vimm.s32 $0x76543210;
	v2 =	vunpack.c.l.s4.s8 v1  }
0x7: {  	v0 =	vmul.u32 $0x40, v0;
	v34 =	vunpack.c.l.s4.s8 v3;
	v3 =	vunpack.c.l.s4.s8 v35  }
0x8: {  	v4 =	vunpack.c.l.s4.s8 v4;
	v5 =	vunpack.c.l.s4.s8 v5;
	v36 =	vunpack.c.l.s4.s8 v6  }
0x9: {  	v38 =	vunpack.c.l.s4.s8 v37;
	v7 =	vunpack.c.l.s4.s8 v43;
	v46 =	vunpack.c.l.s4.s8 v16  }
0xa: {  	v18 =	vunpack.c.l.s4.s8 v18;
	v19 =	vunpack.c.l.s4.s8 v19;
	v20 =	vunpack.c.l.s4.s8 v20  }
0xb: {  	v51 =	vunpack.c.l.s4.s8 v21;
	v8 =	vunpack.c.0.s8.s32 v2;
	v9 =	vunpack.c.0.s8.s32 v34  }
0xc: {  	s0 =	rddreg [dreg:$0x0];
	v10 =	vunpack.c.0.s8.s32 v3;
	v11 =	vunpack.c.0.s8.s32 v4;
	v12 =	vunpack.c.0.s8.s32 v5  }
0xd: {  	s2 =	rddreg [dreg:$0x1];
	v13 =	vunpack.c.0.s8.s32 v36;
	v16 =	vunpack.c.0.s8.s32 v7;
	v17 =	vunpack.c.0.s8.s32 v46  }
0xe: {  	s7 =	rddreg [dreg:$0x2];
	v7 =	vunpack.c.l.s4.s8 v50;
	v18 =	vunpack.c.0.s8.s32 v18;
	v40 =	vcombine.low v9, v8  }
0xf: {  	s4 =	rddreg [dreg:$0x3];
	v19 =	vunpack.c.0.s8.s32 v19;
	v20 =	vunpack.c.0.s8.s32 v20;
	v41 =	vcombine.low v11, v10  }
0x10: {  	s8 =	rddreg [dreg:$0x4];
	s1 =	simm.s32 $0x0;
	[tilespmem:$0x1FF30] =	vst v0;
	v42 =	vcombine.low v13, v12;
	v23 =	vunpack.c.0.s8.s32 v7;
	v44 =	vand.u32 $0xF, v40  }
0x11: {  	s3 =	srdreg.scid;
	s10 =	stileid.u32;
	s11 =	simm.s32 $0x200;
	v53 =	vcombine.low v17, v16;
	v7 =	vunpack.c.0.s8.s32 v51;
	v45 =	vand.u32 $0xF, v41;
	[tilespmem:$0x1FF40] =	vst v44  }
0x12: {  	s12 =	simm.s32 $0x400;
	s13 =	simm.s32 $0x80;
	s14 =	simm.s32 $0x600;
	v3 =	vunpack.c.l.s4.s8 v39;
	v20 =	vand.u32 $0xF, v20;
	v47 =	vand.u32 $0xF, v42;
	[tilespmem:$0x1FF50] =	vst v45  }
0x13: {  	s15 =	simm.s32 $0x4600;
	s16 =	simm.s32 $0x8600;
	[smem:$0x7FF] =	sst s1;
	v24 =	vcombine.low v19, v18;
	v55 =	vand.u32 $0xF, v53;
	v56 =	vcombine.low v20, v7;
	[tilespmem:$0x1FF60] =	vst v47  }
0x14: {  	s17 =	simm.s32 $0x2600;
	s19 =	simm.s32 $0x6600;
	v14 =	vunpack.c.0.s8.s32 v38;
	v5 =	vunpack.c.l.s4.s8 v49;
	v57 =	vcombine.low v8, v9;
	_ =	strace $0x80000047;
	[tilespmem:$0x1FF80] =	vst v55  }
0x15: {  	s21 =	simm.s32 $0xA600;
	s22 =	simm.s32 $0x1;
	s25 =	simm.s32 $0x500;
	v15 =	vunpack.c.0.s8.s32 v3;
	v11 =	vcombine.low v10, v11;
	v59 =	vand.u32 $0xF, v24;
	[tilespmem:$0x1FF90] =	vst v56  }
0x16: {  	s26 =	simm.s32 $0x2;
	s28 =	simm.s32 $0x180;
	s29 =	simm.s32 $0x380;
	v22 =	vunpack.c.0.s8.s32 v5;
	v12 =	vcombine.low v12, v13;
	v60 =	vand.u32 $0xF, v57;
	[tilespmem:$0x1FFB0] =	vst v59  }
0x17: {  	s30 =	simm.s32 $0x580;
	s31 =	simm.s32 $0xC600;
	s5 =	sand.u32 $0x1, s3;
	v48 =	vcombine.low v15, v14;
	v61 =	vand.u32 $0xF, v11;
	[tilespmem:$0x1FFC0] =	vst v60  }
0x18: {  	s10 =	sshll.u32 s10, $0x7;
	s6 =	ssub.s32 $0x2, s5;
	s5 =	sshll.u32 s5, $0x6;
	v54 =	vcombine.low v23, v22;
	v62 =	vand.u32 $0xF, v12;
	[tilespmem:$0x1FFD0] =	vst v61  }
0x19: {  	s3 =	sadd.s32 $0x187000, s4;
	s9 =	sshrl.u32 s6, $0x1;
	s10 =	sor.u32 s5, s10;
	v13 =	vcombine.low v14, v15;
	v14 =	vcombine.low v16, v17;
	v52 =	vand.u32 $0xF, v48;
	[tilespmem:$0x1FFE0] =	vst v62  }
0x1a: {  	s4 =	sadd.s32 $0xF42A00, s4;
	s9 =	ssub.s32 s6, s9;
	s5 =	sadd.s32 s0, s10;
	v15 =	vcombine.low v22, v23;
	v16 =	vcombine.low v18, v19;
	v58 =	vand.u32 $0xF, v54;
	[tilespmem:$0x1FF70] =	vst v52  }
0x1b: {  	s6 =	sadd.s32 s2, s10;
	s7 =	sadd.s32 s7, s10;
	s8 =	sadd.s32 s8, s10;
	v63 =	vand.u32 $0xF, v13;
	[tilespmem:$0x1FFA0] =	vst v58  }
0x1c: {  	s10 =	simm.s32 $0x3;
	s0 =	simm.s32 $0x0;
	s9 =	smax.u32 s9, $0x1;
	v14 =	vand.u32 $0xF, v14;
	v15 =	vand.u32 $0xF, v15;
	v16 =	vand.u32 $0xF, v16;
	[tilespmem:$0x1FFF0] =	vst v63  }
.LBB2_1:
0x1d: {  	[tilespmem:s1], [sflag:$0x3] =	stream.linear.gather [hbm4b:s5+s1], $0x200, $0x38;
	[tilespmem:$0xC800] =	vst v63  }
0x1e: {  	_ =	swait.ge [sflag:s10], $0x200  }
0x1f: {  	[sflag:s10] =	ssyncset.done $0x0  }
0x20: {  	[sflag:s10] =	ssyncadd.s32 $0xFFFFFE00  }
0x21: {  	[tilespmem:s11], [sflag:$0x3] =	stream.linear.gather [hbm4b:s6+s1], $0x200, $0x38;
	[tilespmem:$0xC800] =	vst v63  }
0x22: {  	_ =	swait.ge [sflag:s10], $0x200  }
0x23: {  	[sflag:s10] =	ssyncset.done $0x0  }
0x24: {  	[sflag:s10] =	ssyncadd.s32 $0xFFFFFE00  }
0x25: {  	[tilespmem:s12], [sflag:$0x3] =	stream.linear.gather [hbm4b:s7+s1], $0x200, $0x38;
	[tilespmem:$0xC800] =	vst v63  }
0x26: {  	_ =	swait.ge [sflag:s10], $0x200  }
0x27: {  	[sflag:s10] =	ssyncset.done $0x0  }
0x28: {  	[sflag:s10] =	ssyncadd.s32 $0xFFFFFE00  }
0x29: {  	[tilespmem:s14], [sflag:$0x1] =	stream.indirect.gather [hbm4b:s3+s13], $0x40, s1, s13, $0xb8;
	[tilespmem:$0xC800] =	vst v63  }
0x2a: {  	_ = 	snop  }
0x2b: {  	[tilespmem:s15], [sflag:$0x1] =	stream.indirect.gather [hbm4b:s4+s13], $0x40, s11, s13, $0xb8;
	[tilespmem:$0xC800] =	vst v63  }
0x2c: {  	_ = 	snop  }
0x2d: {  	[tilespmem:s16], [sflag:$0x1] =	stream.indirect.gather [hbm4b:s4+s13], $0x40, s12, s13, $0xb8;
	[tilespmem:$0xC800] =	vst v63  }
0x2e: {  	_ = 	snop  }
0x2f: {  	[tilespmem:s17], [sflag:$0x2] =	stream.indirect.gather [hbm4b:s3+s13], $0x40, s13, s13, $0xb8;
	[tilespmem:$0xC800] =	vst v63  }
0x30: {  	s2 =	simm.s32 $0x280  }
0x31: {  	[tilespmem:s19], [sflag:$0x2] =	stream.indirect.gather [hbm4b:s4+s13], $0x40, s2, s13, $0xb8;
	[tilespmem:$0xC800] =	vst v63  }
0x32: {  	s24 =	simm.s32 $0x480  }
0x33: {  	[tilespmem:s21], [sflag:$0x2] =	stream.indirect.gather [hbm4b:s4+s13], $0x40, s24, s13, $0xb8;
	[tilespmem:$0xC800] =	vst v63  }
0x34: {  	_ =	swait.ge [sflag:s22], $0x2000  }
0x35: {  	[sflag:s22] =	ssyncset.done $0x0  }
0x36: {  	[sflag:s22] =	ssyncadd.s32 $0xFFFFE000  }
0x37: {  	_ =	swait.ge [sflag:s22], $0x2000  }
0x38: {  	[sflag:s22] =	ssyncset.done $0x0  }
0x39: {  	[sflag:s22] =	ssyncadd.s32 $0xFFFFE000  }
0x3a: {  	_ =	swait.ge [sflag:s22], $0x2000  }
0x3b: {  	[sflag:s22] =	ssyncset.done $0x0  }
0x3c: {  	s2 =	simm.s32 $0x0;
	[sflag:s22] =	ssyncadd.s32 $0xFFFFE000  }
.LBB2_2:
0x3d: {  	v0 =	vld [tilespmem:$0x1FF30]  }
0x3e: {  	v56 =	vld [tilespmem:$0x1FF70]  }
0x3f: {  	v57 =	vld [tilespmem:$0x1FFB0]  }
0x40: {  	s18 =	sshll.u32 s2, $0x4;
	v58 =	vld [tilespmem:$0x1FFF0]  }
0x41: {  	v59 =	vld [tilespmem:$0x1FFE0];
	v17 =	vmov s18  }
0x42: {  	v60 =	vld [tilespmem:$0x1FFC0];
	v17 =	vshll.u32 v17, $0x6  }
0x43: {  	v61 =	vld [tilespmem:$0x1FFD0];
	v36 =	vor.u32 v0, v17  }
0x44: {  	s20 =	simm.s32 $0x0;
	v62 =	vld [tilespmem:$0x1FF90];
	v17 =	vor.u32 v56, v36  }
0x45: {  	v63 =	vld [tilespmem:$0x1FF80];
	v18 =	vor.u32 v57, v36;
	v37 =	vor.u32 s20, v17  }
0x46: {  	v4 =	vld [tilespmem:$0x1FFA0];
	v19 =	vor.u32 v16, v36;
	v35 =	vor.u32 s20, v18  }
0x47: {  	v6 =	vld [tilespmem:$0x1FF40];
	v22 =	vor.u32 v58, v36;
	v20 =	vor.u32 s20, v19  }
0x48: {  	v7 =	vld [tilespmem:$0x1FF60];
	v24 =	vor.u32 v59, v36;
	v21 =	vor.u32 s20, v22  }
0x49: {  	v8 =	vld [tilespmem:$0x1FF50];
	v30 =	vor.u32 s20, v24  }
0x4a: {  	v25 =	vor.u32 v60, v36;
	v39 =	vld.idx.msk [tilespmem:v37+s16+$0x0], $0xffff  }
0x4b: {  	v28 =	vor.u32 s20, v25;
	v40 =	vld.idx.msk [tilespmem:v35+s14+$0x0], $0xffff  }
0x4c: {  	v23 =	vld.idx.msk [tilespmem:v20+s15+$0x0], $0xffff  }
0x4d: {  	v26 =	vor.u32 v61, v36;
	v29 =	vld.idx.msk [tilespmem:v21+s16+$0x0], $0xffff  }
0x4e: {  	v32 =	vor.u32 s20, v26;
	v42 =	vld.idx.msk [tilespmem:v30+s16+$0x0], $0xffff  }
0x4f: {  	v43 =	vld.idx.msk [tilespmem:v30+s15+$0x0], $0xffff  }
0x50: {  	v27 =	vor.u32 v62, v36;
	v44 =	vld.idx.msk [tilespmem:v28+s16+$0x0], $0xffff  }
0x51: {  	v33 =	vor.u32 s20, v27;
	v45 =	vld.idx.msk [tilespmem:v30+s14+$0x0], $0xffff  }
0x52: {  	v46 =	vld.idx.msk [tilespmem:v35+s16+$0x0], $0xffff  }
0x53: {  	v31 =	vor.u32 v4, v36;
	v47 =	vld.idx.msk [tilespmem:v32+s14+$0x0], $0xffff  }
0x54: {  	v41 =	vor.u32 s20, v31;
	v48 =	vld.idx.msk [tilespmem:v32+s16+$0x0], $0xffff  }
0x55: {  	v49 =	vld.idx.msk [tilespmem:v32+s15+$0x0], $0xffff  }
0x56: {  	v50 =	vld.idx.msk [tilespmem:v33+s15+$0x0], $0xffff  }
0x57: {  	v38 =	vld.idx.msk [tilespmem:v28+s14+$0x0], $0xffff  }
0x58: {  	v51 =	vld.idx.msk [tilespmem:v33+s16+$0x0], $0xffff  }
0x59: {  	v56 =	vld.idx.msk [tilespmem:v41+s16+$0x0], $0xffff  }
0x5a: {  	v57 =	vld.idx.msk [tilespmem:v41+s14+$0x0], $0xffff  }
0x5b: {  	v52 =	vld.idx.msk [tilespmem:v33+s14+$0x0], $0xffff  }
0x5c: {  	v30 =	vor.u32 v63, v36;
	v55 =	vld.idx.msk [tilespmem:v41+s15+$0x0], $0xffff  }
0x5d: {  	v61 =	vld.idx.msk [tilespmem:v35+s15+$0x0], $0xffff;
	v34 =	vor.u32 s20, v30  }
0x5e: {  	v5 =	vlaneseq.u32;
	v1 =	vld.idx.msk [tilespmem:v37+s15+$0x0], $0xffff  }
0x5f: {  	v32 =	vor.u32 v5, v36;
	v33 =	vor.u32 v6, v36;
	v37 =	vld.idx.msk [tilespmem:v37+s14+$0x0], $0xffff;
	v10 =	vadd.f32 v56, v57  }
0x60: {  	v53 =	vor.u32 s20, v32;
	v48 =	vadd.f32 v48, v47;
	v49 =	vadd.f32 v49, v47;
	v47 =	vld.idx.msk [tilespmem:v21+s14+$0x0], $0xffff  }
0x61: {  	v59 =	vor.u32 s20, v33;
	v56 =	vadd.f32 v50, v52;
	v52 =	vadd.f32 v51, v52;
	v51 =	vld.idx.msk [tilespmem:v20+s16+$0x0], $0xffff  }
0x62: {  	v35 =	vor.u32 v8, v36;
	v54 =	vld.idx.msk [tilespmem:v34+s16+$0x0], $0xffff  }
0x63: {  	v0 =	vor.u32 s20, v35;
	v58 =	vld.idx.msk [tilespmem:v34+s15+$0x0], $0xffff  }
0x64: {  	v60 =	vld.idx.msk [tilespmem:v34+s14+$0x0], $0xffff  }
0x65: {  	v63 =	vld.idx.msk [tilespmem:v53+s15+$0x0], $0xffff  }
0x66: {  	v2 =	vld.idx.msk [tilespmem:v59+s16+$0x0], $0xffff  }
0x67: {  	v34 =	vor.u32 v7, v36;
	v3 =	vld.idx.msk [tilespmem:v59+s15+$0x0], $0xffff  }
0x68: {  	v9 =	vadd.f32 v55, v57;
	v57 =	vld.idx.msk [tilespmem:v0+s16+$0x0], $0xffff;
	v62 =	vor.u32 s20, v34  }
0x69: {  	v43 =	vadd.f32 v43, v45;
	v42 =	vadd.f32 v42, v45;
	v7 =	vld.idx.msk [tilespmem:v0+s15+$0x0], $0xffff  }
0x6a: {  	v6 =	vadd.f32 v61, v40;
	v40 =	vadd.f32 v46, v40;
	v0 =	vld.idx.msk [tilespmem:v0+s14+$0x0], $0xffff  }
0x6b: {  	v1 =	vadd.f32 v1, v37;
	v39 =	vadd.f32 v39, v37;
	v37 =	vor.u32 v14, v36;
	v50 =	vld.idx.msk [tilespmem:v53+s14+$0x0], $0xffff  }
0x6c: {  	v8 =	vmul.f32 v10, v9;
	v10 =	vor.u32 s20, v37;
	v11 =	vadd.f32 v58, v60;
	v58 =	vld.idx.msk [tilespmem:v59+s14+$0x0], $0xffff  }
0x6d: {  	v5 =	vmul.f32 v42, v43;
	v42 =	vmul.f32 v40, v6;
	v54 =	vadd.f32 v54, v60;
	v4 =	vld.idx.msk [tilespmem:v62+s16+$0x0], $0xffff  }
0x6e: {  	v1 =	vmul.f32 v39, v1;
	v40 =	vor.u32 v15, v36;
	v49 =	vmul.f32 v48, v49;
	v9 =	vld.idx.msk [tilespmem:v62+s15+$0x0], $0xffff  }
0x6f: {  	v39 =	vor.u32 s20, v40;
	v45 =	vadd.f32 v42, v8;
	v54 =	vmul.f32 v54, v11;
	v11 =	vld.idx.msk [tilespmem:v62+s14+$0x0], $0xffff  }
0x70: {  	v41 =	vld.idx.msk [tilespmem:v53+s16+$0x0], $0xffff;
	v42 =	vadd.f32 v44, v38;
	v46 =	vadd.f32 v5, v49  }
0x71: {  	v44 =	vadd.f32 v7, v0;
	v59 =	vadd.f32 v57, v0;
	v53 =	vld.idx.msk [tilespmem:v10+s14+$0x0], $0xffff  }
0x72: {  	v43 =	vmul.f32 v52, v56;
	v56 =	vld.idx.msk [tilespmem:v10+s15+$0x0], $0xffff;
	v62 =	vadd.f32 v3, v58;
	v2 =	vadd.f32 v2, v58  }
0x73: {  	v36 =	vimm.f32 $0.0e+00;
	v55 =	vld.idx.msk [tilespmem:v10+s16+$0x0], $0xffff;
	v48 =	vadd.f32 v54, v1;
	v54 =	vadd.f32 v63, v50  }
0x74: {  	s20 =	simm.s32 $0x10;
	v52 =	vld.idx.msk [tilespmem:v39+s14+$0x0], $0xffff;
	v49 =	vmul.f32 v2, v62;
	v57 =	vadd.f32 v9, v11;
	v58 =	vadd.f32 v4, v11  }
.LBB2_3:
0x75: {  	v0 =	vor.u32 s20, v17;
	v1 =	vor.u32 s20, v18;
	p0 =	sne.s32 s20, $0x30;
	v2 =	vmul.f32 v59, v44;
	v3 =	vld.idx.msk [tilespmem:v28+s15+$0x0], $0xffff;
	s23 =	smov.u32 s20;
	s20 =	sadd.s32 $0x10, s20  }
0x76: {  	v44 =	vor.u32 s23, v32;
	v4 =	vor.u32 s23, v31;
	v59 =	vor.u32 s23, v19;
	v60 =	vld.idx.msk [tilespmem:v39+s15+$0x0], $0xffff  }
0x77: {  	v61 =	vor.u32 s23, v27;
	v28 =	vor.u32 s23, v25;
	v62 =	vld.idx.msk [tilespmem:v39+s16+$0x0], $0xffff;
	v39 =	vor.u32 s23, v40  }
0x78: {  	v63 =	vor.u32 s23, v33;
	v5 =	vor.u32 s23, v26;
	v6 =	vor.u32 s23, v22;
	v7 =	vld.idx.msk [tilespmem:v20+s14+$0x0], $0xffff;
	v20 =	vmovc v59  }
0x79: {  	v8 =	vor.u32 s23, v30;
	v9 =	vor.u32 s23, v24;
	v57 =	vmul.f32 v58, v57;
	v58 =	vld.idx.msk [tilespmem:v21+s15+$0x0], $0xffff;
	v21 =	vmovc v6  }
0x7a: {  	v11 =	vadd.f32 v29, v47;
	v56 =	vadd.f32 v56, v53;
	v10 =	vld.idx.msk [tilespmem:v0+s16+$0x0], $0xffff  }
0x7b: {  	v12 =	vor.u32 s23, v35;
	v3 =	vadd.f32 v3, v38;
	v38 =	vadd.f32 v55, v53;
	v13 =	vld.idx.msk [tilespmem:v1+s14+$0x0], $0xffff  }
0x7c: {  	v41 =	vadd.f32 v41, v50;
	v2 =	vadd.f32 v57, v2;
	v53 =	vld.idx.msk [tilespmem:v59+s15+$0x0], $0xffff  }
0x7d: {  	v45 =	vadd.f32 v45, v48;
	v29 =	vld.idx.msk [tilespmem:v6+s16+$0x0], $0xffff;
	v6 =	vmul.f32 v38, v56;
	v38 =	vadd.f32 v62, v52  }
0x7e: {  	v48 =	vor.u32 s23, v34;
	v41 =	vmul.f32 v41, v54;
	v51 =	vadd.f32 v51, v7;
	v50 =	vld.idx.msk [tilespmem:v9+s16+$0x0], $0xffff  }
0x7f: {  	v3 =	vmul.f32 v42, v3;
	v42 =	vadd.f32 v58, v47;
	v47 =	vadd.f32 v60, v52;
	v54 =	vld.idx.msk [tilespmem:v9+s15+$0x0], $0xffff  }
0x80: {  	v41 =	vadd.f32 v49, v41;
	v7 =	vadd.f32 v23, v7;
	v52 =	vld.idx.msk [tilespmem:v28+s16+$0x0], $0xffff  }
0x81: {  	v3 =	vadd.f32 v3, v43;
	v11 =	vmul.f32 v11, v42;
	v38 =	vmul.f32 v38, v47;
	v9 =	vld.idx.msk [tilespmem:v9+s14+$0x0], $0xffff  }
0x82: {  	v2 =	vadd.f32 v2, v41;
	v7 =	vmul.f32 v51, v7;
	v23 =	vmov v53;
	v47 =	vld.idx.msk [tilespmem:v1+s16+$0x0], $0xffff  }
0x83: {  	v3 =	vadd.f32 v46, v3;
	v6 =	vadd.f32 v6, v11;
	v49 =	vld.idx.msk [tilespmem:v5+s14+$0x0], $0xffff  }
0x84: {  	v2 =	vadd.f32 v45, v2;
	v7 =	vadd.f32 v7, v38;
	v11 =	vld.idx.msk [tilespmem:v5+s16+$0x0], $0xffff  }
0x85: {  	v5 =	vld.idx.msk [tilespmem:v5+s15+$0x0], $0xffff  }
0x86: {  	v6 =	vadd.f32 v7, v6;
	v43 =	vld.idx.msk [tilespmem:v61+s15+$0x0], $0xffff  }
0x87: {  	v7 =	vadd.f32 v54, v9;
	v38 =	vld.idx.msk [tilespmem:v28+s14+$0x0], $0xffff  }
0x88: {  	v9 =	vadd.f32 v50, v9;
	v3 =	vadd.f32 v6, v3;
	v45 =	vld.idx.msk [tilespmem:v61+s16+$0x0], $0xffff  }
0x89: {  	v6 =	vld.idx.msk [tilespmem:v61+s14+$0x0], $0xffff  }
0x8a: {  	v7 =	vmul.f32 v9, v7;
	v2 =	vadd.f32 v3, v2;
	v11 =	vadd.f32 v11, v49;
	v46 =	vld.idx.msk [tilespmem:v8+s16+$0x0], $0xffff  }
0x8b: {  	v3 =	vld.idx.msk [tilespmem:v4+s15+$0x0], $0xffff  }
0x8c: {  	v36 =	vadd.f32 v2, v36;
	v9 =	vld.idx.msk [tilespmem:v4+s16+$0x0], $0xffff  }
0x8d: {  	v42 =	vadd.f32 v52, v38;
	v2 =	vld.idx.msk [tilespmem:v4+s14+$0x0], $0xffff  }
0x8e: {  	v4 =	vld.idx.msk [tilespmem:v8+s15+$0x0], $0xffff  }
0x8f: {  	v43 =	vadd.f32 v43, v6;
	v6 =	vadd.f32 v45, v6;
	v41 =	vld.idx.msk [tilespmem:v44+s16+$0x0], $0xffff  }
0x90: {  	v8 =	vld.idx.msk [tilespmem:v8+s14+$0x0], $0xffff  }
0x91: {  	v43 =	vmul.f32 v6, v43;
	v1 =	vld.idx.msk [tilespmem:v1+s15+$0x0], $0xffff  }
0x92: {  	v6 =	vld.idx.msk [tilespmem:v44+s15+$0x0], $0xffff  }
0x93: {  	v3 =	vadd.f32 v3, v2;
	v2 =	vadd.f32 v9, v2;
	v45 =	vld.idx.msk [tilespmem:v0+s15+$0x0], $0xffff  }
0x94: {  	v9 =	vld.idx.msk [tilespmem:v63+s16+$0x0], $0xffff  }
0x95: {  	v2 =	vmul.f32 v2, v3;
	v0 =	vld.idx.msk [tilespmem:v0+s14+$0x0], $0xffff  }
0x96: {  	v4 =	vadd.f32 v4, v8;
	v8 =	vadd.f32 v46, v8;
	v3 =	vld.idx.msk [tilespmem:v63+s15+$0x0], $0xffff  }
0x97: {  	v1 =	vadd.f32 v1, v13;
	v13 =	vadd.f32 v47, v13;
	v52 =	vld.idx.msk [tilespmem:v48+s16+$0x0], $0xffff  }
0x98: {  	v4 =	vmul.f32 v8, v4;
	v54 =	vld.idx.msk [tilespmem:v12+s16+$0x0], $0xffff  }
0x99: {  	v1 =	vmul.f32 v13, v1;
	v8 =	vld.idx.msk [tilespmem:v63+s14+$0x0], $0xffff  }
0x9a: {  	v13 =	vld.idx.msk [tilespmem:v12+s15+$0x0], $0xffff  }
0x9b: {  	v46 =	vadd.f32 v45, v0;
	v0 =	vadd.f32 v10, v0;
	v12 =	vld.idx.msk [tilespmem:v12+s14+$0x0], $0xffff  }
0x9c: {  	v55 =	vor.u32 s23, v37;
	v45 =	vadd.f32 v1, v2;
	v10 =	vld.idx.msk [tilespmem:v48+s15+$0x0], $0xffff  }
0x9d: {  	v2 =	vadd.f32 v5, v49;
	v0 =	vmul.f32 v0, v46;
	v1 =	vld.idx.msk [tilespmem:v48+s14+$0x0], $0xffff  }
0x9e: {  	v50 =	vld.idx.msk [tilespmem:v44+s14+$0x0], $0xffff  }
0x9f: {  	v2 =	vmul.f32 v11, v2;
	v3 =	vadd.f32 v3, v8;
	v48 =	vadd.f32 v4, v0;
	v47 =	vld.idx.msk [tilespmem:v21+s14+$0x0], $0xffff  }
.Ltmp0:
0xa0: {  	v0 =	vadd.f32 v9, v8;
	v51 =	vld.idx.msk [tilespmem:v20+s16+$0x0], $0xffff;
	(pc) =	sbr.rel @p0 .LBB2_3-.Ltmp0, $4  }
0xa1: {  	v46 =	vadd.f32 v7, v2;
	v44 =	vadd.f32 v13, v12;
	v53 =	vld.idx.msk [tilespmem:v55+s14+$0x0], $0xffff  }
0xa2: {  	v49 =	vmul.f32 v0, v3;
	v59 =	vadd.f32 v54, v12;
	v56 =	vld.idx.msk [tilespmem:v55+s15+$0x0], $0xffff  }
0xa3: {  	v57 =	vadd.f32 v10, v1;
	v55 =	vld.idx.msk [tilespmem:v55+s16+$0x0], $0xffff  }
0xa4: {  	v58 =	vadd.f32 v52, v1;
	v54 =	vadd.f32 v6, v50;
	v52 =	vld.idx.msk [tilespmem:v39+s14+$0x0], $0xffff  }
0xa5: {  	_ =	sdelay $0x3  }
0xa6: {  	v0 =	vld.idx.msk [tilespmem:v28+s15+$0x0], $0xffff  }
0xa7: {  	v1 =	vld.idx.msk [tilespmem:v39+s16+$0x0], $0xffff  }
0xa8: {  	v2 =	vld.idx.msk [tilespmem:v20+s14+$0x0], $0xffff  }
0xa9: {  	v3 =	vld.idx.msk [tilespmem:v21+s15+$0x0], $0xffff  }
0xaa: {  	v4 =	vld.idx.msk [tilespmem:v39+s15+$0x0], $0xffff  }
0xab: {  	v5 =	vadd.f32 v29, v47;
	v10 =	vadd.f32 v41, v50  }
0xac: {  	v7 =	vmul.f32 v59, v44;
	v6 =	vadd.f32 v56, v53;
	v8 =	vadd.f32 v55, v53  }
0xad: {  	v9 =	vmul.f32 v58, v57;
	v0 =	vadd.f32 v0, v38;
	v1 =	vadd.f32 v1, v52  }
0xae: {  	v10 =	vmul.f32 v10, v54;
	v60 =	vadd.f32 v51, v2;
	v3 =	vadd.f32 v3, v47  }
0xaf: {  	v6 =	vmul.f32 v8, v6;
	v4 =	vadd.f32 v4, v52;
	v2 =	vadd.f32 v23, v2  }
0xb0: {  	v0 =	vmul.f32 v42, v0;
	v3 =	vmul.f32 v5, v3  }
0xb1: {  	v61 =	vadd.f32 v9, v7;
	v1 =	vmul.f32 v1, v4;
	v2 =	vmul.f32 v60, v2  }
0xb2: {  	v62 =	vadd.f32 v49, v10;
	v0 =	vadd.f32 v0, v43  }
0xb3: {  	v3 =	vadd.f32 v6, v3;
	v1 =	vadd.f32 v2, v1  }
0xb4: {  	v63 =	vadd.f32 v45, v48;
	v4 =	vadd.f32 v61, v62  }
0xb5: {  	v0 =	vadd.f32 v46, v0;
	v1 =	vadd.f32 v1, v3;
	_ =	sdelay $0x1  }
0xb6: {  	v2 =	vadd.f32 v63, v4;
	v0 =	vadd.f32 v1, v0;
	_ =	sdelay $0x1  }
0xb7: {  	v0 =	vadd.f32 v0, v2;
	_ =	sdelay $0x1  }
0xb8: {  	v0 =	vadd.f32 v0, v36;
	_ =	sdelay $0x1  }
0xb9: {  	v0 =	vsub.f32 $0.0e+00, v0;
	_ =	sdelay $0x1  }
0xba: {  	v0 =	vmul.f32 $1.442695020e+00, v0;
	_ =	sdelay $0x1  }
0xbb: {  	(erf) = vpow2.f32 v0;
	_ =	sdelay $0x8  }
0xbc: {  	v0 =	vpop (erf)  }
0xbd: {  	v0 =	vadd.f32 $1.000000000e+00, v0;
	_ =	sdelay $0x1  }
0xbe: {  	(erf) = vrcp.f32 v0;
	_ =	sdelay $0x3  }
0xbf: {  	s2 =	sadd.s32 $0x1, s2  }
0xc0: {  	p0 =	sne.s32 s2, $0x8  }
.Ltmp1:
0xc1: {  	_ = 	snop;
	(pc) =	sbr.rel @p0 .LBB2_2-.Ltmp1, $3  }
0xc2: {  	_ =	sdelay $0x1  }
0xc3: {  	v0 =	vpop (erf)  }
0xc4: {  	[tilespmem:s18+$0xC600] =	vst v0  }
0xc5: {  	s2 =	simm.s32 $0x100  }
0xc6: {  	[tilespmem:s14], [sflag:$0x1] =	stream.indirect.gather [hbm4b:s3+s13], $0x40, s2, s13, $0xb8;
	[tilespmem:$0xC800] =	vst v63  }
0xc7: {  	s24 =	simm.s32 $0x300  }
0xc8: {  	[tilespmem:s15], [sflag:$0x1] =	stream.indirect.gather [hbm4b:s4+s13], $0x40, s24, s13, $0xb8;
	[tilespmem:$0xC800] =	vst v63  }
0xc9: {  	_ = 	snop  }
0xca: {  	[tilespmem:s16], [sflag:$0x1] =	stream.indirect.gather [hbm4b:s4+s13], $0x40, s25, s13, $0xb8;
	[tilespmem:$0xC800] =	vst v63  }
0xcb: {  	_ =	swait.ge [sflag:s26], $0x2000  }
0xcc: {  	[sflag:s26] =	ssyncset.done $0x0  }
0xcd: {  	[sflag:s26] =	ssyncadd.s32 $0xFFFFE000  }
0xce: {  	_ =	swait.ge [sflag:s26], $0x2000  }
0xcf: {  	[sflag:s26] =	ssyncset.done $0x0  }
0xd0: {  	[sflag:s26] =	ssyncadd.s32 $0xFFFFE000  }
0xd1: {  	_ =	swait.ge [sflag:s26], $0x2000  }
0xd2: {  	[sflag:s26] =	ssyncset.done $0x0  }
0xd3: {  	s18 =	simm.s32 $0x0;
	s2 =	simm.s32 $0x0;
	[sflag:s26] =	ssyncadd.s32 $0xFFFFE000  }
.LBB2_6:
0xd4: {  	v1 =	vld [tilespmem:$0x1FF30]  }
0xd5: {  	v55 =	vld [tilespmem:$0x1FF70]  }
0xd6: {  	v56 =	vld [tilespmem:$0x1FFB0]  }
0xd7: {  	s20 =	sshll.u32 s18, $0x4;
	v3 =	vld [tilespmem:$0x1FFF0]  }
0xd8: {  	v58 =	vld [tilespmem:$0x1FFE0];
	v0 =	vmov s20  }
0xd9: {  	v4 =	vld [tilespmem:$0x1FFC0];
	v0 =	vshll.u32 v0, $0x6  }
0xda: {  	v6 =	vld [tilespmem:$0x1FFD0];
	v0 =	vor.u32 v1, v0  }
0xdb: {  	v9 =	vld [tilespmem:$0x1FF90];
	v17 =	vor.u32 v55, v0  }
0xdc: {  	v13 =	vld [tilespmem:$0x1FF80];
	v18 =	vor.u32 v56, v0;
	v57 =	vor.u32 s2, v17  }
0xdd: {  	v31 =	vld [tilespmem:$0x1FFA0];
	v19 =	vor.u32 v16, v0;
	v2 =	vor.u32 s2, v18  }
0xde: {  	v60 =	vld [tilespmem:$0x1FF40];
	v22 =	vor.u32 v3, v0;
	v20 =	vor.u32 s2, v19  }
0xdf: {  	v61 =	vld [tilespmem:$0x1FF60];
	v24 =	vor.u32 v58, v0;
	v21 =	vor.u32 s2, v22  }
0xe0: {  	v35 =	vld [tilespmem:$0x1FF50];
	v3 =	vor.u32 s2, v24  }
0xe1: {  	v25 =	vor.u32 v4, v0;
	v59 =	vld.idx.msk [tilespmem:v57+s21+$0x0], $0xffff  }
0xe2: {  	v28 =	vor.u32 s2, v25;
	v5 =	vld.idx.msk [tilespmem:v2+s17+$0x0], $0xffff  }
0xe3: {  	v23 =	vld.idx.msk [tilespmem:v20+s19+$0x0], $0xffff  }
0xe4: {  	v26 =	vor.u32 v6, v0;
	v29 =	vld.idx.msk [tilespmem:v21+s21+$0x0], $0xffff  }
0xe5: {  	v6 =	vor.u32 s2, v26;
	v7 =	vld.idx.msk [tilespmem:v3+s21+$0x0], $0xffff  }
0xe6: {  	v8 =	vld.idx.msk [tilespmem:v3+s19+$0x0], $0xffff  }
0xe7: {  	v27 =	vor.u32 v9, v0;
	v9 =	vld.idx.msk [tilespmem:v28+s21+$0x0], $0xffff  }
0xe8: {  	v10 =	vor.u32 s2, v27;
	v3 =	vld.idx.msk [tilespmem:v3+s17+$0x0], $0xffff  }
0xe9: {  	v11 =	vld.idx.msk [tilespmem:v2+s21+$0x0], $0xffff  }
0xea: {  	v12 =	vld.idx.msk [tilespmem:v6+s17+$0x0], $0xffff  }
0xeb: {  	v30 =	vor.u32 v13, v0;
	v13 =	vld.idx.msk [tilespmem:v6+s21+$0x0], $0xffff  }
0xec: {  	v31 =	vor.u32 v31, v0;
	v34 =	vor.u32 s2, v30;
	v6 =	vld.idx.msk [tilespmem:v6+s19+$0x0], $0xffff  }
0xed: {  	v33 =	vor.u32 s2, v31;
	v36 =	vld.idx.msk [tilespmem:v10+s19+$0x0], $0xffff  }
0xee: {  	v38 =	vld.idx.msk [tilespmem:v28+s17+$0x0], $0xffff  }
0xef: {  	v32 =	vlaneseq.u32;
	v39 =	vld.idx.msk [tilespmem:v10+s21+$0x0], $0xffff  }
0xf0: {  	v32 =	vor.u32 v32, v0;
	v10 =	vld.idx.msk [tilespmem:v10+s17+$0x0], $0xffff  }
0xf1: {  	v42 =	vor.u32 s2, v32;
	v37 =	vld.idx.msk [tilespmem:v34+s21+$0x0], $0xffff  }
0xf2: {  	v40 =	vld.idx.msk [tilespmem:v33+s19+$0x0], $0xffff  }
0xf3: {  	v43 =	vld.idx.msk [tilespmem:v33+s21+$0x0], $0xffff  }
0xf4: {  	v44 =	vld.idx.msk [tilespmem:v33+s17+$0x0], $0xffff  }
0xf5: {  	v45 =	vld.idx.msk [tilespmem:v34+s19+$0x0], $0xffff  }
0xf6: {  	v35 =	vor.u32 v35, v0;
	v41 =	vld.idx.msk [tilespmem:v42+s21+$0x0], $0xffff  }
0xf7: {  	v49 =	vor.u32 s2, v35;
	v47 =	vld.idx.msk [tilespmem:v34+s17+$0x0], $0xffff  }
0xf8: {  	v50 =	vld.idx.msk [tilespmem:v57+s19+$0x0], $0xffff  }
0xf9: {  	v1 =	vld.idx.msk [tilespmem:v57+s17+$0x0], $0xffff  }
0xfa: {  	v33 =	vor.u32 v60, v0;
	v2 =	vld.idx.msk [tilespmem:v2+s19+$0x0], $0xffff  }
0xfb: {  	v52 =	vld.idx.msk [tilespmem:v42+s19+$0x0], $0xffff;
	v46 =	vor.u32 s2, v33  }
0xfc: {  	v55 =	vld.idx.msk [tilespmem:v49+s21+$0x0], $0xffff  }
0xfd: {  	v34 =	vor.u32 v61, v0;
	v4 =	vld.idx.msk [tilespmem:v49+s17+$0x0], $0xffff;
	v8 =	vadd.f32 v8, v3  }
0xfe: {  	v48 =	vor.u32 s2, v34;
	v3 =	vadd.f32 v7, v3;
	v51 =	vadd.f32 v50, v1;
	v50 =	vld.idx.msk [tilespmem:v42+s17+$0x0], $0xffff  }
0xff: {  	v62 =	vadd.f32 v45, v47;
	v63 =	vadd.f32 v37, v47;
	v47 =	vld.idx.msk [tilespmem:v21+s17+$0x0], $0xffff  }
0x100: {  	v40 =	vadd.f32 v40, v44;
	v43 =	vadd.f32 v43, v44;
	v53 =	vld.idx.msk [tilespmem:v46+s21+$0x0], $0xffff  }
0x101: {  	v2 =	vadd.f32 v2, v5;
	v5 =	vadd.f32 v11, v5;
	v54 =	vld.idx.msk [tilespmem:v46+s19+$0x0], $0xffff  }
0x102: {  	v1 =	vadd.f32 v59, v1;
	v37 =	vor.u32 v14, v0;
	v59 =	vadd.f32 v13, v12;
	v46 =	vld.idx.msk [tilespmem:v46+s17+$0x0], $0xffff  }
0x103: {  	v6 =	vadd.f32 v6, v12;
	v60 =	vadd.f32 v36, v10;
	v57 =	vld.idx.msk [tilespmem:v48+s19+$0x0], $0xffff;
	v58 =	vor.u32 s2, v37  }
0x104: {  	v10 =	vadd.f32 v39, v10;
	v42 =	vadd.f32 v9, v38;
	v11 =	vld.idx.msk [tilespmem:v48+s17+$0x0], $0xffff;
	v3 =	vmul.f32 v3, v8  }
0x105: {  	v8 =	vld.idx.msk [tilespmem:v49+s19+$0x0], $0xffff;
	v43 =	vmul.f32 v43, v40;
	v2 =	vmul.f32 v5, v2;
	v40 =	vor.u32 v15, v0  }
0x106: {  	v7 =	vld.idx.msk [tilespmem:v48+s21+$0x0], $0xffff;
	v44 =	vmul.f32 v63, v62;
	v1 =	vmul.f32 v1, v51;
	v39 =	vor.u32 s2, v40  }
0x107: {  	v61 =	vmul.f32 v59, v6;
	v51 =	vld.idx.msk [tilespmem:v20+s21+$0x0], $0xffff;
	v59 =	vadd.f32 v55, v4;
	v45 =	vadd.f32 v2, v43  }
0x108: {  	v48 =	vadd.f32 v44, v1;
	v63 =	vadd.f32 v53, v46;
	v53 =	vld.idx.msk [tilespmem:v58+s17+$0x0], $0xffff  }
0x109: {  	v36 =	vimm.f32 $0.0e+00;
	v62 =	vadd.f32 v54, v46;
	v46 =	vadd.f32 v3, v61;
	v56 =	vld.idx.msk [tilespmem:v58+s19+$0x0], $0xffff  }
0x10a: {  	v43 =	vmul.f32 v10, v60;
	v57 =	vadd.f32 v57, v11;
	v55 =	vld.idx.msk [tilespmem:v58+s21+$0x0], $0xffff;
	v44 =	vadd.f32 v8, v4  }
0x10b: {  	s23 =	simm.s32 $0x10;
	v54 =	vadd.f32 v52, v50;
	v58 =	vadd.f32 v7, v11;
	v49 =	vmul.f32 v63, v62;
	v52 =	vld.idx.msk [tilespmem:v39+s17+$0x0], $0xffff  }
.LBB2_7:
0x10c: {  	v0 =	vor.u32 s23, v17;
	v1 =	vor.u32 s23, v18;
	p0 =	sne.s32 s23, $0x30;
	v2 =	vmul.f32 v59, v44;
	v3 =	vld.idx.msk [tilespmem:v28+s19+$0x0], $0xffff;
	s24 =	smov.u32 s23;
	s23 =	sadd.s32 $0x10, s23  }
0x10d: {  	v44 =	vor.u32 s24, v32;
	v4 =	vor.u32 s24, v31;
	v5 =	vor.u32 s24, v19;
	v6 =	vld.idx.msk [tilespmem:v39+s19+$0x0], $0xffff  }
0x10e: {  	v7 =	vor.u32 s24, v27;
	v28 =	vor.u32 s24, v25;
	v8 =	vld.idx.msk [tilespmem:v39+s21+$0x0], $0xffff;
	v39 =	vor.u32 s24, v40  }
0x10f: {  	v9 =	vor.u32 s24, v33;
	v10 =	vor.u32 s24, v26;
	v11 =	vor.u32 s24, v22;
	v12 =	vld.idx.msk [tilespmem:v20+s17+$0x0], $0xffff;
	v20 =	vmovc v5  }
0x110: {  	v13 =	vor.u32 s24, v30;
	v59 =	vor.u32 s24, v24;
	v57 =	vmul.f32 v58, v57;
	v58 =	vld.idx.msk [tilespmem:v21+s19+$0x0], $0xffff;
	v21 =	vmovc v11  }
0x111: {  	v61 =	vadd.f32 v29, v47;
	v56 =	vadd.f32 v56, v53;
	v60 =	vld.idx.msk [tilespmem:v0+s21+$0x0], $0xffff  }
0x112: {  	v62 =	vor.u32 s24, v35;
	v3 =	vadd.f32 v3, v38;
	v38 =	vadd.f32 v55, v53;
	v63 =	vld.idx.msk [tilespmem:v1+s17+$0x0], $0xffff  }
0x113: {  	v41 =	vadd.f32 v41, v50;
	v2 =	vadd.f32 v57, v2;
	v5 =	vld.idx.msk [tilespmem:v5+s19+$0x0], $0xffff  }
0x114: {  	v8 =	vadd.f32 v8, v52;
	v29 =	vld.idx.msk [tilespmem:v11+s21+$0x0], $0xffff;
	v11 =	vmul.f32 v38, v56;
	v38 =	vadd.f32 v45, v48  }
0x115: {  	v41 =	vmul.f32 v41, v54;
	v48 =	vor.u32 s24, v34;
	v50 =	vadd.f32 v51, v12;
	v45 =	vld.idx.msk [tilespmem:v59+s21+$0x0], $0xffff  }
0x116: {  	v6 =	vadd.f32 v6, v52;
	v3 =	vmul.f32 v42, v3;
	v42 =	vadd.f32 v58, v47;
	v51 =	vld.idx.msk [tilespmem:v59+s19+$0x0], $0xffff  }
0x117: {  	v49 =	vadd.f32 v49, v41;
	v12 =	vadd.f32 v23, v12;
	v47 =	vld.idx.msk [tilespmem:v28+s21+$0x0], $0xffff  }
0x118: {  	v6 =	vmul.f32 v8, v6;
	v3 =	vadd.f32 v3, v43;
	v42 =	vmul.f32 v61, v42;
	v41 =	vld.idx.msk [tilespmem:v59+s17+$0x0], $0xffff  }
0x119: {  	v2 =	vadd.f32 v2, v49;
	v12 =	vmul.f32 v50, v12;
	v23 =	vmov v5;
	v8 =	vld.idx.msk [tilespmem:v1+s21+$0x0], $0xffff  }
0x11a: {  	v3 =	vadd.f32 v46, v3;
	v11 =	vadd.f32 v11, v42;
	v5 =	vld.idx.msk [tilespmem:v10+s17+$0x0], $0xffff  }
0x11b: {  	v2 =	vadd.f32 v38, v2;
	v6 =	vadd.f32 v12, v6;
	v42 =	vld.idx.msk [tilespmem:v10+s21+$0x0], $0xffff  }
0x11c: {  	v10 =	vld.idx.msk [tilespmem:v10+s19+$0x0], $0xffff  }
0x11d: {  	v6 =	vadd.f32 v6, v11;
	v12 =	vld.idx.msk [tilespmem:v7+s19+$0x0], $0xffff  }
0x11e: {  	v11 =	vadd.f32 v51, v41;
	v38 =	vld.idx.msk [tilespmem:v28+s17+$0x0], $0xffff  }
0x11f: {  	v41 =	vadd.f32 v45, v41;
	v3 =	vadd.f32 v6, v3;
	v43 =	vld.idx.msk [tilespmem:v7+s21+$0x0], $0xffff  }
0x120: {  	v6 =	vld.idx.msk [tilespmem:v7+s17+$0x0], $0xffff  }
0x121: {  	v11 =	vmul.f32 v41, v11;
	v2 =	vadd.f32 v3, v2;
	v46 =	vadd.f32 v42, v5;
	v7 =	vld.idx.msk [tilespmem:v13+s21+$0x0], $0xffff  }
0x122: {  	v3 =	vld.idx.msk [tilespmem:v4+s19+$0x0], $0xffff  }
0x123: {  	v36 =	vadd.f32 v2, v36;
	v45 =	vld.idx.msk [tilespmem:v4+s21+$0x0], $0xffff  }
0x124: {  	v42 =	vadd.f32 v47, v38;
	v2 =	vld.idx.msk [tilespmem:v4+s17+$0x0], $0xffff  }
0x125: {  	v4 =	vld.idx.msk [tilespmem:v13+s19+$0x0], $0xffff  }
0x126: {  	v12 =	vadd.f32 v12, v6;
	v6 =	vadd.f32 v43, v6;
	v41 =	vld.idx.msk [tilespmem:v44+s21+$0x0], $0xffff  }
0x127: {  	v13 =	vld.idx.msk [tilespmem:v13+s17+$0x0], $0xffff  }
0x128: {  	v43 =	vmul.f32 v6, v12;
	v1 =	vld.idx.msk [tilespmem:v1+s19+$0x0], $0xffff  }
0x129: {  	v6 =	vld.idx.msk [tilespmem:v44+s19+$0x0], $0xffff  }
0x12a: {  	v3 =	vadd.f32 v3, v2;
	v2 =	vadd.f32 v45, v2;
	v12 =	vld.idx.msk [tilespmem:v0+s19+$0x0], $0xffff  }
0x12b: {  	v49 =	vld.idx.msk [tilespmem:v9+s21+$0x0], $0xffff  }
0x12c: {  	v2 =	vmul.f32 v2, v3;
	v0 =	vld.idx.msk [tilespmem:v0+s17+$0x0], $0xffff  }
0x12d: {  	v4 =	vadd.f32 v4, v13;
	v7 =	vadd.f32 v7, v13;
	v3 =	vld.idx.msk [tilespmem:v9+s19+$0x0], $0xffff  }
0x12e: {  	v8 =	vadd.f32 v8, v63;
	v1 =	vadd.f32 v1, v63;
	v13 =	vld.idx.msk [tilespmem:v48+s21+$0x0], $0xffff  }
0x12f: {  	v4 =	vmul.f32 v7, v4;
	v52 =	vld.idx.msk [tilespmem:v62+s21+$0x0], $0xffff  }
0x130: {  	v1 =	vmul.f32 v8, v1;
	v7 =	vld.idx.msk [tilespmem:v9+s17+$0x0], $0xffff  }
0x131: {  	v8 =	vld.idx.msk [tilespmem:v62+s19+$0x0], $0xffff  }
0x132: {  	v12 =	vadd.f32 v12, v0;
	v0 =	vadd.f32 v60, v0;
	v9 =	vld.idx.msk [tilespmem:v62+s17+$0x0], $0xffff  }
0x133: {  	v55 =	vor.u32 s24, v37;
	v45 =	vadd.f32 v1, v2;
	v54 =	vld.idx.msk [tilespmem:v48+s19+$0x0], $0xffff  }
0x134: {  	v2 =	vadd.f32 v10, v5;
	v0 =	vmul.f32 v0, v12;
	v1 =	vld.idx.msk [tilespmem:v48+s17+$0x0], $0xffff  }
0x135: {  	v50 =	vld.idx.msk [tilespmem:v44+s17+$0x0], $0xffff  }
0x136: {  	v2 =	vmul.f32 v46, v2;
	v3 =	vadd.f32 v3, v7;
	v48 =	vadd.f32 v4, v0;
	v47 =	vld.idx.msk [tilespmem:v21+s17+$0x0], $0xffff  }
.Ltmp2:
0x137: {  	v0 =	vadd.f32 v49, v7;
	v51 =	vld.idx.msk [tilespmem:v20+s21+$0x0], $0xffff;
	(pc) =	sbr.rel @p0 .LBB2_7-.Ltmp2, $4  }
0x138: {  	v46 =	vadd.f32 v11, v2;
	v44 =	vadd.f32 v8, v9;
	v53 =	vld.idx.msk [tilespmem:v55+s17+$0x0], $0xffff  }
0x139: {  	v49 =	vmul.f32 v0, v3;
	v59 =	vadd.f32 v52, v9;
	v56 =	vld.idx.msk [tilespmem:v55+s19+$0x0], $0xffff  }
0x13a: {  	v57 =	vadd.f32 v54, v1;
	v55 =	vld.idx.msk [tilespmem:v55+s21+$0x0], $0xffff  }
0x13b: {  	v58 =	vadd.f32 v13, v1;
	v54 =	vadd.f32 v6, v50;
	v52 =	vld.idx.msk [tilespmem:v39+s17+$0x0], $0xffff  }
0x13c: {  	_ =	sdelay $0x3  }
0x13d: {  	v0 =	vld.idx.msk [tilespmem:v28+s19+$0x0], $0xffff  }
0x13e: {  	v1 =	vld.idx.msk [tilespmem:v39+s21+$0x0], $0xffff  }
0x13f: {  	v2 =	vld.idx.msk [tilespmem:v20+s17+$0x0], $0xffff  }
0x140: {  	v3 =	vld.idx.msk [tilespmem:v21+s19+$0x0], $0xffff  }
0x141: {  	v4 =	vld.idx.msk [tilespmem:v39+s19+$0x0], $0xffff  }
0x142: {  	v5 =	vadd.f32 v29, v47;
	v10 =	vadd.f32 v41, v50  }
0x143: {  	v7 =	vmul.f32 v59, v44;
	v6 =	vadd.f32 v56, v53;
	v8 =	vadd.f32 v55, v53  }
0x144: {  	v9 =	vmul.f32 v58, v57;
	v0 =	vadd.f32 v0, v38;
	v1 =	vadd.f32 v1, v52  }
0x145: {  	v10 =	vmul.f32 v10, v54;
	v60 =	vadd.f32 v51, v2;
	v3 =	vadd.f32 v3, v47  }
0x146: {  	v6 =	vmul.f32 v8, v6;
	v4 =	vadd.f32 v4, v52;
	v2 =	vadd.f32 v23, v2  }
0x147: {  	v0 =	vmul.f32 v42, v0;
	v3 =	vmul.f32 v5, v3  }
0x148: {  	v61 =	vadd.f32 v9, v7;
	v1 =	vmul.f32 v1, v4;
	v2 =	vmul.f32 v60, v2  }
0x149: {  	v62 =	vadd.f32 v49, v10;
	v0 =	vadd.f32 v0, v43  }
0x14a: {  	v3 =	vadd.f32 v6, v3;
	v1 =	vadd.f32 v2, v1  }
0x14b: {  	v63 =	vadd.f32 v45, v48;
	v4 =	vadd.f32 v61, v62  }
0x14c: {  	v0 =	vadd.f32 v46, v0;
	v1 =	vadd.f32 v1, v3;
	_ =	sdelay $0x1  }
0x14d: {  	v2 =	vadd.f32 v63, v4;
	v0 =	vadd.f32 v1, v0;
	_ =	sdelay $0x1  }
0x14e: {  	v0 =	vadd.f32 v0, v2;
	_ =	sdelay $0x1  }
0x14f: {  	v0 =	vadd.f32 v0, v36;
	_ =	sdelay $0x1  }
0x150: {  	v0 =	vsub.f32 $0.0e+00, v0;
	_ =	sdelay $0x1  }
0x151: {  	v0 =	vmul.f32 $1.442695020e+00, v0;
	_ =	sdelay $0x1  }
0x152: {  	(erf) = vpow2.f32 v0;
	_ =	sdelay $0x8  }
0x153: {  	v0 =	vpop (erf)  }
0x154: {  	v0 =	vadd.f32 $1.000000000e+00, v0;
	_ =	sdelay $0x1  }
0x155: {  	(erf) = vrcp.f32 v0;
	_ =	sdelay $0x3  }
0x156: {  	s18 =	sadd.s32 $0x1, s18  }
0x157: {  	p0 =	sne.s32 s18, $0x8  }
.Ltmp3:
0x158: {  	_ = 	snop;
	(pc) =	sbr.rel @p0 .LBB2_6-.Ltmp3, $3  }
0x159: {  	_ =	sdelay $0x1  }
0x15a: {  	v0 =	vpop (erf)  }
0x15b: {  	[tilespmem:s20+$0xC680] =	vst v0  }
0x15c: {  	[tilespmem:s17], [sflag:$0x2] =	stream.indirect.gather [hbm4b:s3+s13], $0x40, s28, s13, $0xb8;
	[tilespmem:$0xC800] =	vst v63  }
0x15d: {  	_ = 	snop  }
0x15e: {  	[tilespmem:s19], [sflag:$0x2] =	stream.indirect.gather [hbm4b:s4+s13], $0x40, s29, s13, $0xb8;
	[tilespmem:$0xC800] =	vst v63  }
0x15f: {  	_ = 	snop  }
0x160: {  	[tilespmem:s21], [sflag:$0x2] =	stream.indirect.gather [hbm4b:s4+s13], $0x40, s30, s13, $0xb8;
	[tilespmem:$0xC800] =	vst v63  }
0x161: {  	_ =	swait.ge [sflag:s22], $0x2000  }
0x162: {  	[sflag:s22] =	ssyncset.done $0x0  }
0x163: {  	[sflag:s22] =	ssyncadd.s32 $0xFFFFE000  }
0x164: {  	_ =	swait.ge [sflag:s22], $0x2000  }
0x165: {  	[sflag:s22] =	ssyncset.done $0x0  }
0x166: {  	[sflag:s22] =	ssyncadd.s32 $0xFFFFE000  }
0x167: {  	_ =	swait.ge [sflag:s22], $0x2000  }
0x168: {  	[sflag:s22] =	ssyncset.done $0x0  }
0x169: {  	s2 =	simm.s32 $0x0;
	s18 =	simm.s32 $0x0;
	[sflag:s22] =	ssyncadd.s32 $0xFFFFE000  }
.LBB2_10:
0x16a: {  	v1 =	vld [tilespmem:$0x1FF30]  }
0x16b: {  	v55 =	vld [tilespmem:$0x1FF70]  }
0x16c: {  	v56 =	vld [tilespmem:$0x1FFB0]  }
0x16d: {  	s20 =	sshll.u32 s18, $0x4;
	v3 =	vld [tilespmem:$0x1FFF0]  }
0x16e: {  	v58 =	vld [tilespmem:$0x1FFE0];
	v0 =	vmov s20  }
0x16f: {  	v4 =	vld [tilespmem:$0x1FFC0];
	v0 =	vshll.u32 v0, $0x6  }
0x170: {  	v6 =	vld [tilespmem:$0x1FFD0];
	v0 =	vor.u32 v1, v0  }
0x171: {  	v9 =	vld [tilespmem:$0x1FF90];
	v17 =	vor.u32 v55, v0  }
0x172: {  	v13 =	vld [tilespmem:$0x1FF80];
	v18 =	vor.u32 v56, v0;
	v57 =	vor.u32 s2, v17  }
0x173: {  	v31 =	vld [tilespmem:$0x1FFA0];
	v19 =	vor.u32 v16, v0;
	v2 =	vor.u32 s2, v18  }
0x174: {  	v60 =	vld [tilespmem:$0x1FF40];
	v22 =	vor.u32 v3, v0;
	v20 =	vor.u32 s2, v19  }
0x175: {  	v61 =	vld [tilespmem:$0x1FF60];
	v24 =	vor.u32 v58, v0;
	v21 =	vor.u32 s2, v22  }
0x176: {  	v35 =	vld [tilespmem:$0x1FF50];
	v3 =	vor.u32 s2, v24  }
0x177: {  	v25 =	vor.u32 v4, v0;
	v59 =	vld.idx.msk [tilespmem:v57+s16+$0x0], $0xffff  }
0x178: {  	v28 =	vor.u32 s2, v25;
	v5 =	vld.idx.msk [tilespmem:v2+s14+$0x0], $0xffff  }
0x179: {  	v23 =	vld.idx.msk [tilespmem:v20+s15+$0x0], $0xffff  }
0x17a: {  	v26 =	vor.u32 v6, v0;
	v29 =	vld.idx.msk [tilespmem:v21+s16+$0x0], $0xffff  }
0x17b: {  	v6 =	vor.u32 s2, v26;
	v7 =	vld.idx.msk [tilespmem:v3+s16+$0x0], $0xffff  }
0x17c: {  	v8 =	vld.idx.msk [tilespmem:v3+s15+$0x0], $0xffff  }
0x17d: {  	v27 =	vor.u32 v9, v0;
	v9 =	vld.idx.msk [tilespmem:v28+s16+$0x0], $0xffff  }
0x17e: {  	v10 =	vor.u32 s2, v27;
	v3 =	vld.idx.msk [tilespmem:v3+s14+$0x0], $0xffff  }
0x17f: {  	v11 =	vld.idx.msk [tilespmem:v2+s16+$0x0], $0xffff  }
0x180: {  	v12 =	vld.idx.msk [tilespmem:v6+s14+$0x0], $0xffff  }
0x181: {  	v30 =	vor.u32 v13, v0;
	v13 =	vld.idx.msk [tilespmem:v6+s16+$0x0], $0xffff  }
0x182: {  	v31 =	vor.u32 v31, v0;
	v34 =	vor.u32 s2, v30;
	v6 =	vld.idx.msk [tilespmem:v6+s15+$0x0], $0xffff  }
0x183: {  	v33 =	vor.u32 s2, v31;
	v36 =	vld.idx.msk [tilespmem:v10+s15+$0x0], $0xffff  }
0x184: {  	v38 =	vld.idx.msk [tilespmem:v28+s14+$0x0], $0xffff  }
0x185: {  	v32 =	vlaneseq.u32;
	v39 =	vld.idx.msk [tilespmem:v10+s16+$0x0], $0xffff  }
0x186: {  	v32 =	vor.u32 v32, v0;
	v10 =	vld.idx.msk [tilespmem:v10+s14+$0x0], $0xffff  }
0x187: {  	v42 =	vor.u32 s2, v32;
	v37 =	vld.idx.msk [tilespmem:v34+s16+$0x0], $0xffff  }
0x188: {  	v40 =	vld.idx.msk [tilespmem:v33+s15+$0x0], $0xffff  }
0x189: {  	v43 =	vld.idx.msk [tilespmem:v33+s16+$0x0], $0xffff  }
0x18a: {  	v44 =	vld.idx.msk [tilespmem:v33+s14+$0x0], $0xffff  }
0x18b: {  	v45 =	vld.idx.msk [tilespmem:v34+s15+$0x0], $0xffff  }
0x18c: {  	v35 =	vor.u32 v35, v0;
	v41 =	vld.idx.msk [tilespmem:v42+s16+$0x0], $0xffff  }
0x18d: {  	v49 =	vor.u32 s2, v35;
	v47 =	vld.idx.msk [tilespmem:v34+s14+$0x0], $0xffff  }
0x18e: {  	v50 =	vld.idx.msk [tilespmem:v57+s15+$0x0], $0xffff  }
0x18f: {  	v1 =	vld.idx.msk [tilespmem:v57+s14+$0x0], $0xffff  }
0x190: {  	v33 =	vor.u32 v60, v0;
	v2 =	vld.idx.msk [tilespmem:v2+s15+$0x0], $0xffff  }
0x191: {  	v52 =	vld.idx.msk [tilespmem:v42+s15+$0x0], $0xffff;
	v46 =	vor.u32 s2, v33  }
0x192: {  	v55 =	vld.idx.msk [tilespmem:v49+s16+$0x0], $0xffff  }
0x193: {  	v34 =	vor.u32 v61, v0;
	v4 =	vld.idx.msk [tilespmem:v49+s14+$0x0], $0xffff;
	v8 =	vadd.f32 v8, v3  }
0x194: {  	v48 =	vor.u32 s2, v34;
	v3 =	vadd.f32 v7, v3;
	v51 =	vadd.f32 v50, v1;
	v50 =	vld.idx.msk [tilespmem:v42+s14+$0x0], $0xffff  }
0x195: {  	v62 =	vadd.f32 v45, v47;
	v63 =	vadd.f32 v37, v47;
	v47 =	vld.idx.msk [tilespmem:v21+s14+$0x0], $0xffff  }
0x196: {  	v40 =	vadd.f32 v40, v44;
	v43 =	vadd.f32 v43, v44;
	v53 =	vld.idx.msk [tilespmem:v46+s16+$0x0], $0xffff  }
0x197: {  	v2 =	vadd.f32 v2, v5;
	v5 =	vadd.f32 v11, v5;
	v54 =	vld.idx.msk [tilespmem:v46+s15+$0x0], $0xffff  }
0x198: {  	v1 =	vadd.f32 v59, v1;
	v37 =	vor.u32 v14, v0;
	v59 =	vadd.f32 v13, v12;
	v46 =	vld.idx.msk [tilespmem:v46+s14+$0x0], $0xffff  }
0x199: {  	v6 =	vadd.f32 v6, v12;
	v60 =	vadd.f32 v36, v10;
	v57 =	vld.idx.msk [tilespmem:v48+s15+$0x0], $0xffff;
	v58 =	vor.u32 s2, v37  }
0x19a: {  	v10 =	vadd.f32 v39, v10;
	v42 =	vadd.f32 v9, v38;
	v11 =	vld.idx.msk [tilespmem:v48+s14+$0x0], $0xffff;
	v3 =	vmul.f32 v3, v8  }
0x19b: {  	v8 =	vld.idx.msk [tilespmem:v49+s15+$0x0], $0xffff;
	v43 =	vmul.f32 v43, v40;
	v2 =	vmul.f32 v5, v2;
	v40 =	vor.u32 v15, v0  }
0x19c: {  	v7 =	vld.idx.msk [tilespmem:v48+s16+$0x0], $0xffff;
	v44 =	vmul.f32 v63, v62;
	v1 =	vmul.f32 v1, v51;
	v39 =	vor.u32 s2, v40  }
0x19d: {  	v61 =	vmul.f32 v59, v6;
	v51 =	vld.idx.msk [tilespmem:v20+s16+$0x0], $0xffff;
	v59 =	vadd.f32 v55, v4;
	v45 =	vadd.f32 v2, v43  }
0x19e: {  	v48 =	vadd.f32 v44, v1;
	v63 =	vadd.f32 v53, v46;
	v53 =	vld.idx.msk [tilespmem:v58+s14+$0x0], $0xffff  }
0x19f: {  	v36 =	vimm.f32 $0.0e+00;
	v62 =	vadd.f32 v54, v46;
	v46 =	vadd.f32 v3, v61;
	v56 =	vld.idx.msk [tilespmem:v58+s15+$0x0], $0xffff  }
0x1a0: {  	v43 =	vmul.f32 v10, v60;
	v57 =	vadd.f32 v57, v11;
	v55 =	vld.idx.msk [tilespmem:v58+s16+$0x0], $0xffff;
	v44 =	vadd.f32 v8, v4  }
0x1a1: {  	s23 =	simm.s32 $0x10;
	v54 =	vadd.f32 v52, v50;
	v58 =	vadd.f32 v7, v11;
	v49 =	vmul.f32 v63, v62;
	v52 =	vld.idx.msk [tilespmem:v39+s14+$0x0], $0xffff  }
.LBB2_11:
0x1a2: {  	v0 =	vor.u32 s23, v17;
	v1 =	vor.u32 s23, v18;
	p0 =	sne.s32 s23, $0x30;
	v2 =	vmul.f32 v59, v44;
	v3 =	vld.idx.msk [tilespmem:v28+s15+$0x0], $0xffff;
	s24 =	smov.u32 s23;
	s23 =	sadd.s32 $0x10, s23  }
0x1a3: {  	v44 =	vor.u32 s24, v32;
	v4 =	vor.u32 s24, v31;
	v5 =	vor.u32 s24, v19;
	v6 =	vld.idx.msk [tilespmem:v39+s15+$0x0], $0xffff  }
0x1a4: {  	v7 =	vor.u32 s24, v27;
	v28 =	vor.u32 s24, v25;
	v8 =	vld.idx.msk [tilespmem:v39+s16+$0x0], $0xffff;
	v39 =	vor.u32 s24, v40  }
0x1a5: {  	v9 =	vor.u32 s24, v33;
	v10 =	vor.u32 s24, v26;
	v11 =	vor.u32 s24, v22;
	v12 =	vld.idx.msk [tilespmem:v20+s14+$0x0], $0xffff;
	v20 =	vmovc v5  }
0x1a6: {  	v13 =	vor.u32 s24, v30;
	v59 =	vor.u32 s24, v24;
	v57 =	vmul.f32 v58, v57;
	v58 =	vld.idx.msk [tilespmem:v21+s15+$0x0], $0xffff;
	v21 =	vmovc v11  }
0x1a7: {  	v61 =	vadd.f32 v29, v47;
	v56 =	vadd.f32 v56, v53;
	v60 =	vld.idx.msk [tilespmem:v0+s16+$0x0], $0xffff  }
0x1a8: {  	v62 =	vor.u32 s24, v35;
	v3 =	vadd.f32 v3, v38;
	v38 =	vadd.f32 v55, v53;
	v63 =	vld.idx.msk [tilespmem:v1+s14+$0x0], $0xffff  }
0x1a9: {  	v41 =	vadd.f32 v41, v50;
	v2 =	vadd.f32 v57, v2;
	v5 =	vld.idx.msk [tilespmem:v5+s15+$0x0], $0xffff  }
0x1aa: {  	v8 =	vadd.f32 v8, v52;
	v29 =	vld.idx.msk [tilespmem:v11+s16+$0x0], $0xffff;
	v11 =	vmul.f32 v38, v56;
	v38 =	vadd.f32 v45, v48  }
0x1ab: {  	v41 =	vmul.f32 v41, v54;
	v48 =	vor.u32 s24, v34;
	v50 =	vadd.f32 v51, v12;
	v45 =	vld.idx.msk [tilespmem:v59+s16+$0x0], $0xffff  }
0x1ac: {  	v6 =	vadd.f32 v6, v52;
	v3 =	vmul.f32 v42, v3;
	v42 =	vadd.f32 v58, v47;
	v51 =	vld.idx.msk [tilespmem:v59+s15+$0x0], $0xffff  }
0x1ad: {  	v49 =	vadd.f32 v49, v41;
	v12 =	vadd.f32 v23, v12;
	v47 =	vld.idx.msk [tilespmem:v28+s16+$0x0], $0xffff  }
0x1ae: {  	v6 =	vmul.f32 v8, v6;
	v3 =	vadd.f32 v3, v43;
	v42 =	vmul.f32 v61, v42;
	v41 =	vld.idx.msk [tilespmem:v59+s14+$0x0], $0xffff  }
0x1af: {  	v2 =	vadd.f32 v2, v49;
	v12 =	vmul.f32 v50, v12;
	v23 =	vmov v5;
	v8 =	vld.idx.msk [tilespmem:v1+s16+$0x0], $0xffff  }
0x1b0: {  	v3 =	vadd.f32 v46, v3;
	v11 =	vadd.f32 v11, v42;
	v5 =	vld.idx.msk [tilespmem:v10+s14+$0x0], $0xffff  }
0x1b1: {  	v2 =	vadd.f32 v38, v2;
	v6 =	vadd.f32 v12, v6;
	v42 =	vld.idx.msk [tilespmem:v10+s16+$0x0], $0xffff  }
0x1b2: {  	v10 =	vld.idx.msk [tilespmem:v10+s15+$0x0], $0xffff  }
0x1b3: {  	v6 =	vadd.f32 v6, v11;
	v12 =	vld.idx.msk [tilespmem:v7+s15+$0x0], $0xffff  }
0x1b4: {  	v11 =	vadd.f32 v51, v41;
	v38 =	vld.idx.msk [tilespmem:v28+s14+$0x0], $0xffff  }
0x1b5: {  	v41 =	vadd.f32 v45, v41;
	v3 =	vadd.f32 v6, v3;
	v43 =	vld.idx.msk [tilespmem:v7+s16+$0x0], $0xffff  }
0x1b6: {  	v6 =	vld.idx.msk [tilespmem:v7+s14+$0x0], $0xffff  }
0x1b7: {  	v11 =	vmul.f32 v41, v11;
	v2 =	vadd.f32 v3, v2;
	v46 =	vadd.f32 v42, v5;
	v7 =	vld.idx.msk [tilespmem:v13+s16+$0x0], $0xffff  }
0x1b8: {  	v3 =	vld.idx.msk [tilespmem:v4+s15+$0x0], $0xffff  }
0x1b9: {  	v36 =	vadd.f32 v2, v36;
	v45 =	vld.idx.msk [tilespmem:v4+s16+$0x0], $0xffff  }
0x1ba: {  	v42 =	vadd.f32 v47, v38;
	v2 =	vld.idx.msk [tilespmem:v4+s14+$0x0], $0xffff  }
0x1bb: {  	v4 =	vld.idx.msk [tilespmem:v13+s15+$0x0], $0xffff  }
0x1bc: {  	v12 =	vadd.f32 v12, v6;
	v6 =	vadd.f32 v43, v6;
	v41 =	vld.idx.msk [tilespmem:v44+s16+$0x0], $0xffff  }
0x1bd: {  	v13 =	vld.idx.msk [tilespmem:v13+s14+$0x0], $0xffff  }
0x1be: {  	v43 =	vmul.f32 v6, v12;
	v1 =	vld.idx.msk [tilespmem:v1+s15+$0x0], $0xffff  }
0x1bf: {  	v6 =	vld.idx.msk [tilespmem:v44+s15+$0x0], $0xffff  }
0x1c0: {  	v3 =	vadd.f32 v3, v2;
	v2 =	vadd.f32 v45, v2;
	v12 =	vld.idx.msk [tilespmem:v0+s15+$0x0], $0xffff  }
0x1c1: {  	v49 =	vld.idx.msk [tilespmem:v9+s16+$0x0], $0xffff  }
0x1c2: {  	v2 =	vmul.f32 v2, v3;
	v0 =	vld.idx.msk [tilespmem:v0+s14+$0x0], $0xffff  }
0x1c3: {  	v4 =	vadd.f32 v4, v13;
	v7 =	vadd.f32 v7, v13;
	v3 =	vld.idx.msk [tilespmem:v9+s15+$0x0], $0xffff  }
0x1c4: {  	v8 =	vadd.f32 v8, v63;
	v1 =	vadd.f32 v1, v63;
	v13 =	vld.idx.msk [tilespmem:v48+s16+$0x0], $0xffff  }
0x1c5: {  	v4 =	vmul.f32 v7, v4;
	v52 =	vld.idx.msk [tilespmem:v62+s16+$0x0], $0xffff  }
0x1c6: {  	v1 =	vmul.f32 v8, v1;
	v7 =	vld.idx.msk [tilespmem:v9+s14+$0x0], $0xffff  }
0x1c7: {  	v8 =	vld.idx.msk [tilespmem:v62+s15+$0x0], $0xffff  }
0x1c8: {  	v12 =	vadd.f32 v12, v0;
	v0 =	vadd.f32 v60, v0;
	v9 =	vld.idx.msk [tilespmem:v62+s14+$0x0], $0xffff  }
0x1c9: {  	v55 =	vor.u32 s24, v37;
	v45 =	vadd.f32 v1, v2;
	v54 =	vld.idx.msk [tilespmem:v48+s15+$0x0], $0xffff  }
0x1ca: {  	v2 =	vadd.f32 v10, v5;
	v0 =	vmul.f32 v0, v12;
	v1 =	vld.idx.msk [tilespmem:v48+s14+$0x0], $0xffff  }
0x1cb: {  	v50 =	vld.idx.msk [tilespmem:v44+s14+$0x0], $0xffff  }
0x1cc: {  	v2 =	vmul.f32 v46, v2;
	v3 =	vadd.f32 v3, v7;
	v48 =	vadd.f32 v4, v0;
	v47 =	vld.idx.msk [tilespmem:v21+s14+$0x0], $0xffff  }
.Ltmp4:
0x1cd: {  	v0 =	vadd.f32 v49, v7;
	v51 =	vld.idx.msk [tilespmem:v20+s16+$0x0], $0xffff;
	(pc) =	sbr.rel @p0 .LBB2_11-.Ltmp4, $4  }
0x1ce: {  	v46 =	vadd.f32 v11, v2;
	v44 =	vadd.f32 v8, v9;
	v53 =	vld.idx.msk [tilespmem:v55+s14+$0x0], $0xffff  }
0x1cf: {  	v49 =	vmul.f32 v0, v3;
	v59 =	vadd.f32 v52, v9;
	v56 =	vld.idx.msk [tilespmem:v55+s15+$0x0], $0xffff  }
0x1d0: {  	v57 =	vadd.f32 v54, v1;
	v55 =	vld.idx.msk [tilespmem:v55+s16+$0x0], $0xffff  }
0x1d1: {  	v58 =	vadd.f32 v13, v1;
	v54 =	vadd.f32 v6, v50;
	v52 =	vld.idx.msk [tilespmem:v39+s14+$0x0], $0xffff  }
0x1d2: {  	_ =	sdelay $0x3  }
0x1d3: {  	v0 =	vld.idx.msk [tilespmem:v28+s15+$0x0], $0xffff  }
0x1d4: {  	v1 =	vld.idx.msk [tilespmem:v39+s16+$0x0], $0xffff  }
0x1d5: {  	v2 =	vld.idx.msk [tilespmem:v20+s14+$0x0], $0xffff  }
0x1d6: {  	v3 =	vld.idx.msk [tilespmem:v21+s15+$0x0], $0xffff  }
0x1d7: {  	v4 =	vld.idx.msk [tilespmem:v39+s15+$0x0], $0xffff  }
0x1d8: {  	v5 =	vadd.f32 v29, v47;
	v10 =	vadd.f32 v41, v50  }
0x1d9: {  	v7 =	vmul.f32 v59, v44;
	v6 =	vadd.f32 v56, v53;
	v8 =	vadd.f32 v55, v53  }
0x1da: {  	v9 =	vmul.f32 v58, v57;
	v0 =	vadd.f32 v0, v38;
	v1 =	vadd.f32 v1, v52  }
0x1db: {  	v10 =	vmul.f32 v10, v54;
	v60 =	vadd.f32 v51, v2;
	v3 =	vadd.f32 v3, v47  }
0x1dc: {  	v6 =	vmul.f32 v8, v6;
	v4 =	vadd.f32 v4, v52;
	v2 =	vadd.f32 v23, v2  }
0x1dd: {  	v0 =	vmul.f32 v42, v0;
	v3 =	vmul.f32 v5, v3  }
0x1de: {  	v61 =	vadd.f32 v9, v7;
	v1 =	vmul.f32 v1, v4;
	v2 =	vmul.f32 v60, v2  }
0x1df: {  	v62 =	vadd.f32 v49, v10;
	v0 =	vadd.f32 v0, v43  }
0x1e0: {  	v3 =	vadd.f32 v6, v3;
	v1 =	vadd.f32 v2, v1  }
0x1e1: {  	v63 =	vadd.f32 v45, v48;
	v4 =	vadd.f32 v61, v62  }
0x1e2: {  	v0 =	vadd.f32 v46, v0;
	v1 =	vadd.f32 v1, v3;
	_ =	sdelay $0x1  }
0x1e3: {  	v2 =	vadd.f32 v63, v4;
	v0 =	vadd.f32 v1, v0;
	_ =	sdelay $0x1  }
0x1e4: {  	v0 =	vadd.f32 v0, v2;
	_ =	sdelay $0x1  }
0x1e5: {  	v0 =	vadd.f32 v0, v36;
	_ =	sdelay $0x1  }
0x1e6: {  	v0 =	vsub.f32 $0.0e+00, v0;
	_ =	sdelay $0x1  }
0x1e7: {  	v0 =	vmul.f32 $1.442695020e+00, v0;
	_ =	sdelay $0x1  }
0x1e8: {  	(erf) = vpow2.f32 v0;
	_ =	sdelay $0x8  }
0x1e9: {  	v0 =	vpop (erf)  }
0x1ea: {  	v0 =	vadd.f32 $1.000000000e+00, v0;
	_ =	sdelay $0x1  }
0x1eb: {  	(erf) = vrcp.f32 v0;
	_ =	sdelay $0x3  }
0x1ec: {  	s18 =	sadd.s32 $0x1, s18  }
0x1ed: {  	p0 =	sne.s32 s18, $0x8  }
.Ltmp5:
0x1ee: {  	_ = 	snop;
	(pc) =	sbr.rel @p0 .LBB2_10-.Ltmp5, $3  }
0x1ef: {  	_ =	sdelay $0x1  }
0x1f0: {  	v0 =	vpop (erf)  }
0x1f1: {  	[tilespmem:s20+$0xC700] =	vst v0  }
0x1f2: {  	_ =	swait.ge [sflag:s26], $0x2000  }
0x1f3: {  	[sflag:s26] =	ssyncset.done $0x0  }
0x1f4: {  	[sflag:s26] =	ssyncadd.s32 $0xFFFFE000  }
0x1f5: {  	_ =	swait.ge [sflag:s26], $0x2000  }
0x1f6: {  	[sflag:s26] =	ssyncset.done $0x0  }
0x1f7: {  	[sflag:s26] =	ssyncadd.s32 $0xFFFFE000  }
0x1f8: {  	_ =	swait.ge [sflag:s26], $0x2000  }
0x1f9: {  	[sflag:s26] =	ssyncset.done $0x0  }
0x1fa: {  	s2 =	simm.s32 $0x0;
	s18 =	simm.s32 $0x0;
	[sflag:s26] =	ssyncadd.s32 $0xFFFFE000  }
.LBB2_14:
0x1fb: {  	v1 =	vld [tilespmem:$0x1FF30]  }
0x1fc: {  	v55 =	vld [tilespmem:$0x1FF70]  }
0x1fd: {  	v56 =	vld [tilespmem:$0x1FFB0]  }
0x1fe: {  	s20 =	sshll.u32 s18, $0x4;
	v3 =	vld [tilespmem:$0x1FFF0]  }
0x1ff: {  	v58 =	vld [tilespmem:$0x1FFE0];
	v0 =	vmov s20  }
0x200: {  	v4 =	vld [tilespmem:$0x1FFC0];
	v0 =	vshll.u32 v0, $0x6  }
0x201: {  	v6 =	vld [tilespmem:$0x1FFD0];
	v0 =	vor.u32 v1, v0  }
0x202: {  	v9 =	vld [tilespmem:$0x1FF90];
	v17 =	vor.u32 v55, v0  }
0x203: {  	v13 =	vld [tilespmem:$0x1FF80];
	v18 =	vor.u32 v56, v0;
	v57 =	vor.u32 s2, v17  }
0x204: {  	v31 =	vld [tilespmem:$0x1FFA0];
	v19 =	vor.u32 v16, v0;
	v2 =	vor.u32 s2, v18  }
0x205: {  	v60 =	vld [tilespmem:$0x1FF40];
	v22 =	vor.u32 v3, v0;
	v20 =	vor.u32 s2, v19  }
0x206: {  	v61 =	vld [tilespmem:$0x1FF60];
	v24 =	vor.u32 v58, v0;
	v21 =	vor.u32 s2, v22  }
0x207: {  	v35 =	vld [tilespmem:$0x1FF50];
	v3 =	vor.u32 s2, v24  }
0x208: {  	v25 =	vor.u32 v4, v0;
	v59 =	vld.idx.msk [tilespmem:v57+s21+$0x0], $0xffff  }
0x209: {  	v28 =	vor.u32 s2, v25;
	v5 =	vld.idx.msk [tilespmem:v2+s17+$0x0], $0xffff  }
0x20a: {  	v23 =	vld.idx.msk [tilespmem:v20+s19+$0x0], $0xffff  }
0x20b: {  	v26 =	vor.u32 v6, v0;
	v29 =	vld.idx.msk [tilespmem:v21+s21+$0x0], $0xffff  }
0x20c: {  	v6 =	vor.u32 s2, v26;
	v7 =	vld.idx.msk [tilespmem:v3+s21+$0x0], $0xffff  }
0x20d: {  	v8 =	vld.idx.msk [tilespmem:v3+s19+$0x0], $0xffff  }
0x20e: {  	v27 =	vor.u32 v9, v0;
	v9 =	vld.idx.msk [tilespmem:v28+s21+$0x0], $0xffff  }
0x20f: {  	v10 =	vor.u32 s2, v27;
	v3 =	vld.idx.msk [tilespmem:v3+s17+$0x0], $0xffff  }
0x210: {  	v11 =	vld.idx.msk [tilespmem:v2+s21+$0x0], $0xffff  }
0x211: {  	v12 =	vld.idx.msk [tilespmem:v6+s17+$0x0], $0xffff  }
0x212: {  	v30 =	vor.u32 v13, v0;
	v13 =	vld.idx.msk [tilespmem:v6+s21+$0x0], $0xffff  }
0x213: {  	v31 =	vor.u32 v31, v0;
	v34 =	vor.u32 s2, v30;
	v6 =	vld.idx.msk [tilespmem:v6+s19+$0x0], $0xffff  }
0x214: {  	v33 =	vor.u32 s2, v31;
	v36 =	vld.idx.msk [tilespmem:v10+s19+$0x0], $0xffff  }
0x215: {  	v38 =	vld.idx.msk [tilespmem:v28+s17+$0x0], $0xffff  }
0x216: {  	v32 =	vlaneseq.u32;
	v39 =	vld.idx.msk [tilespmem:v10+s21+$0x0], $0xffff  }
0x217: {  	v32 =	vor.u32 v32, v0;
	v10 =	vld.idx.msk [tilespmem:v10+s17+$0x0], $0xffff  }
0x218: {  	v42 =	vor.u32 s2, v32;
	v37 =	vld.idx.msk [tilespmem:v34+s21+$0x0], $0xffff  }
0x219: {  	v40 =	vld.idx.msk [tilespmem:v33+s19+$0x0], $0xffff  }
0x21a: {  	v43 =	vld.idx.msk [tilespmem:v33+s21+$0x0], $0xffff  }
0x21b: {  	v44 =	vld.idx.msk [tilespmem:v33+s17+$0x0], $0xffff  }
0x21c: {  	v45 =	vld.idx.msk [tilespmem:v34+s19+$0x0], $0xffff  }
0x21d: {  	v35 =	vor.u32 v35, v0;
	v41 =	vld.idx.msk [tilespmem:v42+s21+$0x0], $0xffff  }
0x21e: {  	v49 =	vor.u32 s2, v35;
	v47 =	vld.idx.msk [tilespmem:v34+s17+$0x0], $0xffff  }
0x21f: {  	v50 =	vld.idx.msk [tilespmem:v57+s19+$0x0], $0xffff  }
0x220: {  	v1 =	vld.idx.msk [tilespmem:v57+s17+$0x0], $0xffff  }
0x221: {  	v33 =	vor.u32 v60, v0;
	v2 =	vld.idx.msk [tilespmem:v2+s19+$0x0], $0xffff  }
0x222: {  	v52 =	vld.idx.msk [tilespmem:v42+s19+$0x0], $0xffff;
	v46 =	vor.u32 s2, v33  }
0x223: {  	v55 =	vld.idx.msk [tilespmem:v49+s21+$0x0], $0xffff  }
0x224: {  	v34 =	vor.u32 v61, v0;
	v4 =	vld.idx.msk [tilespmem:v49+s17+$0x0], $0xffff;
	v8 =	vadd.f32 v8, v3  }
0x225: {  	v48 =	vor.u32 s2, v34;
	v3 =	vadd.f32 v7, v3;
	v51 =	vadd.f32 v50, v1;
	v50 =	vld.idx.msk [tilespmem:v42+s17+$0x0], $0xffff  }
0x226: {  	v62 =	vadd.f32 v45, v47;
	v63 =	vadd.f32 v37, v47;
	v47 =	vld.idx.msk [tilespmem:v21+s17+$0x0], $0xffff  }
0x227: {  	v40 =	vadd.f32 v40, v44;
	v43 =	vadd.f32 v43, v44;
	v53 =	vld.idx.msk [tilespmem:v46+s21+$0x0], $0xffff  }
0x228: {  	v2 =	vadd.f32 v2, v5;
	v5 =	vadd.f32 v11, v5;
	v54 =	vld.idx.msk [tilespmem:v46+s19+$0x0], $0xffff  }
0x229: {  	v1 =	vadd.f32 v59, v1;
	v37 =	vor.u32 v14, v0;
	v59 =	vadd.f32 v13, v12;
	v46 =	vld.idx.msk [tilespmem:v46+s17+$0x0], $0xffff  }
0x22a: {  	v6 =	vadd.f32 v6, v12;
	v60 =	vadd.f32 v36, v10;
	v57 =	vld.idx.msk [tilespmem:v48+s19+$0x0], $0xffff;
	v58 =	vor.u32 s2, v37  }
0x22b: {  	v10 =	vadd.f32 v39, v10;
	v42 =	vadd.f32 v9, v38;
	v11 =	vld.idx.msk [tilespmem:v48+s17+$0x0], $0xffff;
	v3 =	vmul.f32 v3, v8  }
0x22c: {  	v8 =	vld.idx.msk [tilespmem:v49+s19+$0x0], $0xffff;
	v43 =	vmul.f32 v43, v40;
	v2 =	vmul.f32 v5, v2;
	v40 =	vor.u32 v15, v0  }
0x22d: {  	v7 =	vld.idx.msk [tilespmem:v48+s21+$0x0], $0xffff;
	v44 =	vmul.f32 v63, v62;
	v1 =	vmul.f32 v1, v51;
	v39 =	vor.u32 s2, v40  }
0x22e: {  	v61 =	vmul.f32 v59, v6;
	v51 =	vld.idx.msk [tilespmem:v20+s21+$0x0], $0xffff;
	v59 =	vadd.f32 v55, v4;
	v45 =	vadd.f32 v2, v43  }
0x22f: {  	v48 =	vadd.f32 v44, v1;
	v63 =	vadd.f32 v53, v46;
	v53 =	vld.idx.msk [tilespmem:v58+s17+$0x0], $0xffff  }
0x230: {  	v36 =	vimm.f32 $0.0e+00;
	v62 =	vadd.f32 v54, v46;
	v46 =	vadd.f32 v3, v61;
	v56 =	vld.idx.msk [tilespmem:v58+s19+$0x0], $0xffff  }
0x231: {  	v43 =	vmul.f32 v10, v60;
	v57 =	vadd.f32 v57, v11;
	v55 =	vld.idx.msk [tilespmem:v58+s21+$0x0], $0xffff;
	v44 =	vadd.f32 v8, v4  }
0x232: {  	s23 =	simm.s32 $0x10;
	v54 =	vadd.f32 v52, v50;
	v58 =	vadd.f32 v7, v11;
	v49 =	vmul.f32 v63, v62;
	v52 =	vld.idx.msk [tilespmem:v39+s17+$0x0], $0xffff  }
.LBB2_15:
0x233: {  	v0 =	vor.u32 s23, v17;
	v1 =	vor.u32 s23, v18;
	p0 =	sne.s32 s23, $0x30;
	v2 =	vmul.f32 v59, v44;
	v3 =	vld.idx.msk [tilespmem:v28+s19+$0x0], $0xffff;
	s24 =	smov.u32 s23;
	s23 =	sadd.s32 $0x10, s23  }
0x234: {  	v44 =	vor.u32 s24, v32;
	v4 =	vor.u32 s24, v31;
	v5 =	vor.u32 s24, v19;
	v6 =	vld.idx.msk [tilespmem:v39+s19+$0x0], $0xffff  }
0x235: {  	v7 =	vor.u32 s24, v27;
	v28 =	vor.u32 s24, v25;
	v8 =	vld.idx.msk [tilespmem:v39+s21+$0x0], $0xffff;
	v39 =	vor.u32 s24, v40  }
0x236: {  	v9 =	vor.u32 s24, v33;
	v10 =	vor.u32 s24, v26;
	v11 =	vor.u32 s24, v22;
	v12 =	vld.idx.msk [tilespmem:v20+s17+$0x0], $0xffff;
	v20 =	vmovc v5  }
0x237: {  	v13 =	vor.u32 s24, v30;
	v59 =	vor.u32 s24, v24;
	v57 =	vmul.f32 v58, v57;
	v58 =	vld.idx.msk [tilespmem:v21+s19+$0x0], $0xffff;
	v21 =	vmovc v11  }
0x238: {  	v61 =	vadd.f32 v29, v47;
	v56 =	vadd.f32 v56, v53;
	v60 =	vld.idx.msk [tilespmem:v0+s21+$0x0], $0xffff  }
0x239: {  	v62 =	vor.u32 s24, v35;
	v3 =	vadd.f32 v3, v38;
	v38 =	vadd.f32 v55, v53;
	v63 =	vld.idx.msk [tilespmem:v1+s17+$0x0], $0xffff  }
0x23a: {  	v41 =	vadd.f32 v41, v50;
	v2 =	vadd.f32 v57, v2;
	v5 =	vld.idx.msk [tilespmem:v5+s19+$0x0], $0xffff  }
0x23b: {  	v8 =	vadd.f32 v8, v52;
	v29 =	vld.idx.msk [tilespmem:v11+s21+$0x0], $0xffff;
	v11 =	vmul.f32 v38, v56;
	v38 =	vadd.f32 v45, v48  }
0x23c: {  	v41 =	vmul.f32 v41, v54;
	v48 =	vor.u32 s24, v34;
	v50 =	vadd.f32 v51, v12;
	v45 =	vld.idx.msk [tilespmem:v59+s21+$0x0], $0xffff  }
0x23d: {  	v6 =	vadd.f32 v6, v52;
	v3 =	vmul.f32 v42, v3;
	v42 =	vadd.f32 v58, v47;
	v51 =	vld.idx.msk [tilespmem:v59+s19+$0x0], $0xffff  }
0x23e: {  	v49 =	vadd.f32 v49, v41;
	v12 =	vadd.f32 v23, v12;
	v47 =	vld.idx.msk [tilespmem:v28+s21+$0x0], $0xffff  }
0x23f: {  	v6 =	vmul.f32 v8, v6;
	v3 =	vadd.f32 v3, v43;
	v42 =	vmul.f32 v61, v42;
	v41 =	vld.idx.msk [tilespmem:v59+s17+$0x0], $0xffff  }
0x240: {  	v2 =	vadd.f32 v2, v49;
	v12 =	vmul.f32 v50, v12;
	v23 =	vmov v5;
	v8 =	vld.idx.msk [tilespmem:v1+s21+$0x0], $0xffff  }
0x241: {  	v3 =	vadd.f32 v46, v3;
	v11 =	vadd.f32 v11, v42;
	v5 =	vld.idx.msk [tilespmem:v10+s17+$0x0], $0xffff  }
0x242: {  	v2 =	vadd.f32 v38, v2;
	v6 =	vadd.f32 v12, v6;
	v42 =	vld.idx.msk [tilespmem:v10+s21+$0x0], $0xffff  }
0x243: {  	v10 =	vld.idx.msk [tilespmem:v10+s19+$0x0], $0xffff  }
0x244: {  	v6 =	vadd.f32 v6, v11;
	v12 =	vld.idx.msk [tilespmem:v7+s19+$0x0], $0xffff  }
0x245: {  	v11 =	vadd.f32 v51, v41;
	v38 =	vld.idx.msk [tilespmem:v28+s17+$0x0], $0xffff  }
0x246: {  	v41 =	vadd.f32 v45, v41;
	v3 =	vadd.f32 v6, v3;
	v43 =	vld.idx.msk [tilespmem:v7+s21+$0x0], $0xffff  }
0x247: {  	v6 =	vld.idx.msk [tilespmem:v7+s17+$0x0], $0xffff  }
0x248: {  	v11 =	vmul.f32 v41, v11;
	v2 =	vadd.f32 v3, v2;
	v46 =	vadd.f32 v42, v5;
	v7 =	vld.idx.msk [tilespmem:v13+s21+$0x0], $0xffff  }
0x249: {  	v3 =	vld.idx.msk [tilespmem:v4+s19+$0x0], $0xffff  }
0x24a: {  	v36 =	vadd.f32 v2, v36;
	v45 =	vld.idx.msk [tilespmem:v4+s21+$0x0], $0xffff  }
0x24b: {  	v42 =	vadd.f32 v47, v38;
	v2 =	vld.idx.msk [tilespmem:v4+s17+$0x0], $0xffff  }
0x24c: {  	v4 =	vld.idx.msk [tilespmem:v13+s19+$0x0], $0xffff  }
0x24d: {  	v12 =	vadd.f32 v12, v6;
	v6 =	vadd.f32 v43, v6;
	v41 =	vld.idx.msk [tilespmem:v44+s21+$0x0], $0xffff  }
0x24e: {  	v13 =	vld.idx.msk [tilespmem:v13+s17+$0x0], $0xffff  }
0x24f: {  	v43 =	vmul.f32 v6, v12;
	v1 =	vld.idx.msk [tilespmem:v1+s19+$0x0], $0xffff  }
0x250: {  	v6 =	vld.idx.msk [tilespmem:v44+s19+$0x0], $0xffff  }
0x251: {  	v3 =	vadd.f32 v3, v2;
	v2 =	vadd.f32 v45, v2;
	v12 =	vld.idx.msk [tilespmem:v0+s19+$0x0], $0xffff  }
0x252: {  	v49 =	vld.idx.msk [tilespmem:v9+s21+$0x0], $0xffff  }
0x253: {  	v2 =	vmul.f32 v2, v3;
	v0 =	vld.idx.msk [tilespmem:v0+s17+$0x0], $0xffff  }
0x254: {  	v4 =	vadd.f32 v4, v13;
	v7 =	vadd.f32 v7, v13;
	v3 =	vld.idx.msk [tilespmem:v9+s19+$0x0], $0xffff  }
0x255: {  	v8 =	vadd.f32 v8, v63;
	v1 =	vadd.f32 v1, v63;
	v13 =	vld.idx.msk [tilespmem:v48+s21+$0x0], $0xffff  }
0x256: {  	v4 =	vmul.f32 v7, v4;
	v52 =	vld.idx.msk [tilespmem:v62+s21+$0x0], $0xffff  }
0x257: {  	v1 =	vmul.f32 v8, v1;
	v7 =	vld.idx.msk [tilespmem:v9+s17+$0x0], $0xffff  }
0x258: {  	v8 =	vld.idx.msk [tilespmem:v62+s19+$0x0], $0xffff  }
0x259: {  	v12 =	vadd.f32 v12, v0;
	v0 =	vadd.f32 v60, v0;
	v9 =	vld.idx.msk [tilespmem:v62+s17+$0x0], $0xffff  }
0x25a: {  	v55 =	vor.u32 s24, v37;
	v45 =	vadd.f32 v1, v2;
	v54 =	vld.idx.msk [tilespmem:v48+s19+$0x0], $0xffff  }
0x25b: {  	v2 =	vadd.f32 v10, v5;
	v0 =	vmul.f32 v0, v12;
	v1 =	vld.idx.msk [tilespmem:v48+s17+$0x0], $0xffff  }
0x25c: {  	v50 =	vld.idx.msk [tilespmem:v44+s17+$0x0], $0xffff  }
0x25d: {  	v2 =	vmul.f32 v46, v2;
	v3 =	vadd.f32 v3, v7;
	v48 =	vadd.f32 v4, v0;
	v47 =	vld.idx.msk [tilespmem:v21+s17+$0x0], $0xffff  }
.Ltmp6:
0x25e: {  	v0 =	vadd.f32 v49, v7;
	v51 =	vld.idx.msk [tilespmem:v20+s21+$0x0], $0xffff;
	(pc) =	sbr.rel @p0 .LBB2_15-.Ltmp6, $4  }
0x25f: {  	v46 =	vadd.f32 v11, v2;
	v44 =	vadd.f32 v8, v9;
	v53 =	vld.idx.msk [tilespmem:v55+s17+$0x0], $0xffff  }
0x260: {  	v49 =	vmul.f32 v0, v3;
	v59 =	vadd.f32 v52, v9;
	v56 =	vld.idx.msk [tilespmem:v55+s19+$0x0], $0xffff  }
0x261: {  	v57 =	vadd.f32 v54, v1;
	v55 =	vld.idx.msk [tilespmem:v55+s21+$0x0], $0xffff  }
0x262: {  	v58 =	vadd.f32 v13, v1;
	v54 =	vadd.f32 v6, v50;
	v52 =	vld.idx.msk [tilespmem:v39+s17+$0x0], $0xffff  }
0x263: {  	_ =	sdelay $0x3  }
0x264: {  	v0 =	vld.idx.msk [tilespmem:v28+s19+$0x0], $0xffff  }
0x265: {  	v1 =	vld.idx.msk [tilespmem:v39+s21+$0x0], $0xffff  }
0x266: {  	v2 =	vld.idx.msk [tilespmem:v20+s17+$0x0], $0xffff  }
0x267: {  	v3 =	vld.idx.msk [tilespmem:v21+s19+$0x0], $0xffff  }
0x268: {  	v4 =	vld.idx.msk [tilespmem:v39+s19+$0x0], $0xffff  }
0x269: {  	v5 =	vadd.f32 v29, v47;
	v10 =	vadd.f32 v41, v50  }
0x26a: {  	v7 =	vmul.f32 v59, v44;
	v6 =	vadd.f32 v56, v53;
	v8 =	vadd.f32 v55, v53  }
0x26b: {  	v9 =	vmul.f32 v58, v57;
	v0 =	vadd.f32 v0, v38;
	v1 =	vadd.f32 v1, v52  }
0x26c: {  	v10 =	vmul.f32 v10, v54;
	v60 =	vadd.f32 v51, v2;
	v3 =	vadd.f32 v3, v47  }
0x26d: {  	v6 =	vmul.f32 v8, v6;
	v4 =	vadd.f32 v4, v52;
	v2 =	vadd.f32 v23, v2  }
0x26e: {  	v0 =	vmul.f32 v42, v0;
	v3 =	vmul.f32 v5, v3  }
0x26f: {  	v61 =	vadd.f32 v9, v7;
	v1 =	vmul.f32 v1, v4;
	v2 =	vmul.f32 v60, v2  }
0x270: {  	v62 =	vadd.f32 v49, v10;
	v0 =	vadd.f32 v0, v43  }
0x271: {  	v3 =	vadd.f32 v6, v3;
	v1 =	vadd.f32 v2, v1  }
0x272: {  	v63 =	vadd.f32 v45, v48;
	v4 =	vadd.f32 v61, v62  }
0x273: {  	v0 =	vadd.f32 v46, v0;
	v1 =	vadd.f32 v1, v3;
	_ =	sdelay $0x1  }
0x274: {  	v2 =	vadd.f32 v63, v4;
	v0 =	vadd.f32 v1, v0;
	_ =	sdelay $0x1  }
0x275: {  	v0 =	vadd.f32 v0, v2;
	_ =	sdelay $0x1  }
0x276: {  	v0 =	vadd.f32 v0, v36;
	_ =	sdelay $0x1  }
0x277: {  	v0 =	vsub.f32 $0.0e+00, v0;
	_ =	sdelay $0x1  }
0x278: {  	v0 =	vmul.f32 $1.442695020e+00, v0;
	_ =	sdelay $0x1  }
0x279: {  	(erf) = vpow2.f32 v0;
	_ =	sdelay $0x8  }
0x27a: {  	v0 =	vpop (erf)  }
0x27b: {  	v0 =	vadd.f32 $1.000000000e+00, v0;
	_ =	sdelay $0x1  }
0x27c: {  	(erf) = vrcp.f32 v0;
	_ =	sdelay $0x3  }
0x27d: {  	s18 =	sadd.s32 $0x1, s18  }
0x27e: {  	p0 =	sne.s32 s18, $0x8  }
.Ltmp7:
0x27f: {  	_ = 	snop;
	(pc) =	sbr.rel @p0 .LBB2_14-.Ltmp7, $3  }
0x280: {  	_ =	sdelay $0x1  }
0x281: {  	v0 =	vpop (erf)  }
0x282: {  	[tilespmem:s20+$0xC780] =	vst v0  }
0x283: {  	s0 =	sadd.s32 $0x1, s0  }
0x284: {  	p0 =	sne.s32 s0, s9  }
.Ltmp8:
0x285: {  	_ = 	snop;
	(pc) =	sbr.rel @p0 .LBB2_1-.Ltmp8, $4  }
0x286: {  	[hbm4b:s8+s1] =	stream.linear.scatter [tilespmem:s31], [sflag:$0x3], $0x200, $0x38;
	[tilespmem:$0xC800] =	vst v63  }
0x287: {  	_ =	swait.ge [sflag:s10], $0x200  }
0x288: {  	[sflag:s10] =	ssyncset.done $0x0  }
0x289: {  	[sflag:s10] =	ssyncadd.s32 $0xFFFFFE00  }
0x28a: {  	_ =	sfence.sel $0x180000  }
0x28b: {  	[bflag:$0x0] =	sbarrier.arrive $0xFFFF  }
0x28c: {  	_ =	strace $0x90000047  }
0x28d: {  	s0 =	stileid.u32;
	[bflag:$0x2] =	sbarrier.arrive $0xFFFF  }
0x28e: {  	p0 =	sne.s32 s0, $0x0;
	s0 =	rddreg [dreg:$0x5]  }
0x28f: {  	s0 =	sadd.s32 @!p0 $0x100000, s0  }
0x290: {  	[sflag:s0] =	ssyncadd.tile.s32 @!p0 $0x1;
	_ =	shalt  }
.Lfunc_end2:
_tile_overlayer_lowered:
.L_overlay_start_2:
0x291: {  	(tag) =	ssettag $0x2  }
0x292: {  	s0 =	rddreg [dreg:$0x0];
	s2 =	stileid.u32  }
0x293: {  	s1 =	rddreg [dreg:$0x1];
	p0 =	sne.s32 s2, $0x0  }
0x294: {  	s3 =	rddreg [dreg:$0x2];
	[bflag:$0x3] =	sbarrier.arrive $0xFFFF;
	s2 =	simm.s32 @!p0 $0x1C03  }
0x295: {  	[timem:s3], [sflag:s2] =	dma.local @!p0 [hbm:s0], s1  }
0x296: {  	s0 =	simm.s32 @!p0 $0x3  }
0x297: {  	_ =	swait.ge @!p0 [sflag:s0], s1  }
0x298: {  	s1 =	ssub.s32 @!p0 $0x0, s1;
	[sflag:s0] =	ssyncset.done @!p0 $0x0  }
0x299: {  	[sflag:s0] =	ssyncadd.s32 @!p0 s1  }
0x29a: {  	[bflag:$0x3] =	sbarrier.arrive $0xFFFF  }
0x29b: {  	_ =	shalt  }

</sc_bundles>
